<compile_context>
chip_gen: v7x
topology: tpu7x:2x2x1
jax: 0.10.2.dev20260603
libtpu: 0.0.44.dev20260713+nightly
codegen_flags: <defaults>
</compile_context>

<pallas_src>
import functools

import jax
import jax.numpy as jnp
from jax import lax
from jax.experimental import pallas as pl
from jax.experimental.pallas import tpu as pltpu
from jax.experimental.pallas import tpu_sc as plsc

N = 10000
E = 320000
D = 128
G = 64
NC, NS = 2, 16
NW = NC * NS
EPT = E // NW
CHUNK = 80
NCHUNK = EPT // CHUNK
RPT = N // NS

_sc_mesh = plsc.VectorSubcoreMesh(core_axis_name="c", subcore_axis_name="s")


@functools.partial(
    pl.kernel,
    out_type=jax.ShapeDtypeStruct((NC, NS, RPT, 16), jnp.float32),
    mesh=_sc_mesh,
    scratch_types=[
        pltpu.VMEM((NCHUNK, CHUNK), jnp.int32),
        pltpu.VMEM((CHUNK, 16), jnp.float32),
        pltpu.VMEM((CHUNK, 16), jnp.float32),
        pltpu.VMEM_SHARED((N, 16), jnp.float32),
    ],
)
def _deg_kernel(dst_hbm, out_hbm, didx, ones_v, zbuf, acc):
    c = lax.axis_index("c")
    s = lax.axis_index("s")
    wid = c * NS + s

    ones16 = jnp.full((16,), 1.0, jnp.float32)
    zeros16 = jnp.zeros((16,), jnp.float32)

    def fill_ones(i, carry):
        ones_v[i, :] = ones16
        return carry

    lax.fori_loop(0, CHUNK, fill_ones, 0)

    def fill_zero(i, carry):
        zbuf[i, :] = zeros16
        return carry

    lax.fori_loop(0, CHUNK, fill_zero, 0)

    for t in range(7):
        pltpu.sync_copy(zbuf, acc.at[pl.ds(s * RPT + t * CHUNK, CHUNK)])
    pltpu.sync_copy(zbuf.at[pl.ds(0, RPT - 7 * CHUNK)],
                    acc.at[pl.ds(s * RPT + 7 * CHUNK, RPT - 7 * CHUNK)])
    plsc.subcore_barrier()

    pltpu.sync_copy(dst_hbm.at[wid], didx)

    def body(j, carry):
        pltpu.sync_copy(ones_v, acc.at[didx.at[j]], add=True)
        return carry

    lax.fori_loop(0, NCHUNK, body, 0)
    plsc.subcore_barrier()

    pltpu.sync_copy(acc.at[pl.ds(s * RPT, RPT)], out_hbm.at[c, s])


CH = 104
NCH = 96
TAIL = EPT - NCH * CH


@functools.partial(
    pl.kernel,
    out_type=jax.ShapeDtypeStruct((NC, NS, RPT, D), jnp.float32),
    mesh=_sc_mesh,
    scratch_types=[
        pltpu.VMEM((EPT,), jnp.int32),
        pltpu.VMEM((NCH, CH), jnp.int32),
        pltpu.VMEM((TAIL,), jnp.int32),
        pltpu.VMEM((CH, D), jnp.float32),
        pltpu.VMEM((CH, D), jnp.float32),
        pltpu.VMEM_SHARED((N, D), jnp.float32),
        pltpu.SemaphoreType.DMA,
        pltpu.SemaphoreType.DMA,
    ],
)
def _prop_kernel(q_hbm, src_flat_hbm, dst_hbm, dst_flat_hbm, out_hbm,
                 sidx, didx, didx_t, rows_a, rows_b, acc, sem_a, sem_b):
    c = lax.axis_index("c")
    s = lax.axis_index("s")
    wid = c * NS + s

    zeros16 = jnp.zeros((16,), jnp.float32)

    def fill_zero(i, carry):
        for k in range(D // 16):
            rows_a[i, pl.ds(k * 16, 16)] = zeros16
        return carry

    lax.fori_loop(0, CH, fill_zero, 0)
    for t in range(6):
        pltpu.sync_copy(rows_a, acc.at[pl.ds(s * RPT + t * CH, CH)])
    pltpu.sync_copy(rows_a.at[pl.ds(0, RPT - 6 * CH)],
                    acc.at[pl.ds(s * RPT + 6 * CH, RPT - 6 * CH)])
    plsc.subcore_barrier()

    pltpu.sync_copy(src_flat_hbm.at[pl.ds(wid * EPT, EPT)], sidx)
    pltpu.sync_copy(dst_hbm.at[wid], didx)
    pltpu.sync_copy(dst_flat_hbm.at[pl.ds(wid * EPT + NCH * CH, TAIL)],
                    didx_t)

    pltpu.async_copy(q_hbm.at[sidx.at[pl.ds(NCH * CH, TAIL)]],
                     rows_a.at[pl.ds(0, TAIL)], sem_a)
    pltpu.make_async_copy(q_hbm.at[sidx.at[pl.ds(NCH * CH, TAIL)]],
                          rows_a.at[pl.ds(0, TAIL)], sem_a).wait()
    pltpu.sync_copy(rows_a.at[pl.ds(0, TAIL)], acc.at[didx_t], add=True)

    pltpu.async_copy(q_hbm.at[sidx.at[pl.ds(0, CH)]], rows_a, sem_a)

    def body(j, carry):
        @pl.when(j % 2 == 0)
        def _even():
            pltpu.make_async_copy(
                q_hbm.at[sidx.at[pl.ds(j * CH, CH)]], rows_a, sem_a).wait()

            @pl.when(j + 1 < NCH)
            def _pf():
                pltpu.async_copy(
                    q_hbm.at[sidx.at[pl.ds((j + 1) * CH, CH)]], rows_b, sem_b)

            pltpu.sync_copy(rows_a, acc.at[didx.at[j]], add=True)

        @pl.when(j % 2 == 1)
        def _odd():
            pltpu.make_async_copy(
                q_hbm.at[sidx.at[pl.ds(j * CH, CH)]], rows_b, sem_b).wait()

            @pl.when(j + 1 < NCH)
            def _pf():
                pltpu.async_copy(
                    q_hbm.at[sidx.at[pl.ds((j + 1) * CH, CH)]], rows_a, sem_a)

            pltpu.sync_copy(rows_b, acc.at[didx.at[j]], add=True)

        return carry

    lax.fori_loop(0, NCH, body, 0)
    plsc.subcore_barrier()

    pltpu.sync_copy(acc.at[pl.ds(s * RPT, RPT)], out_hbm.at[c, s])


def _dis(d0_ref, d1_ref):
    deg = d0_ref[:, 0:1] + d1_ref[:, 0:1] + 1.0
    return lax.rsqrt(deg)


def _tc_first_body(d0_ref, d1_ref, x_ref, w_ref, q_ref):
    dis = _dis(d0_ref, d1_ref)
    q_ref[...] = dis * jnp.dot(x_ref[...], w_ref[...],
                               preferred_element_type=jnp.float32)


def _tc_mid_body(d0_ref, d1_ref, p0_ref, p1_ref, q_ref, b_ref, w_ref, qo_ref):
    dis = _dis(d0_ref, d1_ref)
    h = dis * (p0_ref[...] + p1_ref[...] + q_ref[...]) + b_ref[...]
    h = jnp.maximum(h, 0.0)
    qo_ref[...] = dis * jnp.dot(h, w_ref[...],
                                preferred_element_type=jnp.float32)


def _tc_final_body(d0_ref, d1_ref, p0_ref, p1_ref, q_ref, b_ref, batch_ref,
                   wl_ref, bl_ref, out_ref):
    dis = _dis(d0_ref, d1_ref)
    h = dis * (p0_ref[...] + p1_ref[...] + q_ref[...]) + b_ref[...]
    gid = lax.broadcasted_iota(jnp.int32, (G, N), 0)
    onehot = (gid == batch_ref[...]).astype(jnp.float32)
    sums = jnp.dot(onehot, h, preferred_element_type=jnp.float32)
    cnts = jnp.sum(onehot, axis=1, keepdims=True)
    g = sums / jnp.maximum(cnts, 1.0)
    logits = jnp.dot(g, wl_ref[...], preferred_element_type=jnp.float32)
    logits = logits + bl_ref[...]
    m = jnp.max(logits, axis=1, keepdims=True)
    lse = jnp.log(jnp.sum(jnp.exp(logits - m), axis=1, keepdims=True)) + m
    out_ref[...] = logits - lse


_tc_first = pl.pallas_call(
    _tc_first_body, out_shape=jax.ShapeDtypeStruct((N, D), jnp.float32))
_tc_mid = pl.pallas_call(
    _tc_mid_body, out_shape=jax.ShapeDtypeStruct((N, D), jnp.float32))
_tc_final = pl.pallas_call(
    _tc_final_body, out_shape=jax.ShapeDtypeStruct((G, 4), jnp.float32))


def kernel(x, edge_index, batch, W1, b1, W2, b2, W3, b3, Wl, bl):
    src_flat = edge_index[0].astype(jnp.int32)
    dst_flat = edge_index[1].astype(jnp.int32)
    dst3 = dst_flat.reshape(NW, NCHUNK, CHUNK)
    batch2d = batch.astype(jnp.int32).reshape(1, N)

    dstp3 = dst_flat.reshape(NW, EPT)[:, :NCH * CH].reshape(NW, NCH, CH)

    degp = _deg_kernel(dst3)
    d0 = degp[0].reshape(N, 16)
    d1 = degp[1].reshape(N, 16)
    q1 = _tc_first(d0, d1, x, W1)
    p = _prop_kernel(q1, src_flat, dstp3, dst_flat)
    p0, p1 = p[0].reshape(N, D), p[1].reshape(N, D)
    q2 = _tc_mid(d0, d1, p0, p1, q1, b1.reshape(1, D), W2)
    p = _prop_kernel(q2, src_flat, dstp3, dst_flat)
    p0, p1 = p[0].reshape(N, D), p[1].reshape(N, D)
    q3 = _tc_mid(d0, d1, p0, p1, q2, b2.reshape(1, D), W3)
    p = _prop_kernel(q3, src_flat, dstp3, dst_flat)
    p0, p1 = p[0].reshape(N, D), p[1].reshape(N, D)
    return _tc_final(d0, d1, p0, p1, q3, b3.reshape(1, D), batch2d, Wl,
                     bl.reshape(1, 4))

# --- scband reference (transcript-rebuilt; emitter-appended) ---
"""Pipeline reference for scband-gcn-41867341201638 (READ-ONLY COPY).

The authoritative reference and input builder live on the scoring server;
editing this copy changes nothing except your own understanding.
"""

import jax, jax.numpy as jnp
import numpy as np

N_NODES = 10000
N_GRAPHS = 64


def gcn_conv(x, edge_index, W, b):
    # PyG GCNConv: add self-loops, symmetric normalization D^-1/2 (A+I) D^-1/2, then X W + b
    src = edge_index[0]
    dst = edge_index[1]
    loop = jnp.arange(N_NODES, dtype=src.dtype)
    src = jnp.concatenate([src, loop])
    dst = jnp.concatenate([dst, loop])
    deg = jnp.zeros((N_NODES,), dtype=x.dtype).at[dst].add(1.0)
    deg_inv_sqrt = jnp.where(deg > 0, deg ** -0.5, 0.0)
    norm = deg_inv_sqrt[src] * deg_inv_sqrt[dst]
    h = x @ W
    msg = h[src] * norm[:, None]
    out = jnp.zeros((N_NODES, W.shape[1]), dtype=x.dtype).at[dst].add(msg)
    return out + b


def global_mean_pool(x, batch):
    sums = jax.ops.segment_sum(x, batch, num_segments=N_GRAPHS)
    cnts = jax.ops.segment_sum(jnp.ones((x.shape[0],), dtype=x.dtype), batch, num_segments=N_GRAPHS)
    cnts = jnp.maximum(cnts, 1.0)
    return sums / cnts[:, None]


def setup_inputs(seed: int = 0) -> dict:
    key = jax.random.key(seed)
    ks = jax.random.split(key, 12)
    d_in, d_h, n_cls = 128, 128, 4
    x = jax.random.normal(ks[0], (N_NODES, d_in), dtype=jnp.float32)
    edge_index = jax.random.randint(ks[1], (2, 320000), 0, N_NODES, dtype=jnp.int64)
    batch = jnp.sort(jax.random.randint(ks[2], (N_NODES,), 0, N_GRAPHS, dtype=jnp.int64))
    W1 = jax.random.normal(ks[3], (d_in, d_h), dtype=jnp.float32) * 0.05
    b1 = jnp.zeros((d_h,), dtype=jnp.float32)
    W2 = jax.random.normal(ks[4], (d_h, d_h), dtype=jnp.float32) * 0.05
    b2 = jnp.zeros((d_h,), dtype=jnp.float32)
    W3 = jax.random.normal(ks[5], (d_h, d_h), dtype=jnp.float32) * 0.05
    b3 = jnp.zeros((d_h,), dtype=jnp.float32)
    Wl = jax.random.normal(ks[6], (d_h, n_cls), dtype=jnp.float32) * 0.05
    bl = jnp.zeros((n_cls,), dtype=jnp.float32)
    return {"x": x, "edge_index": edge_index, "batch": batch,
            "W1": W1, "b1": b1, "W2": W2, "b2": b2, "W3": W3, "b3": b3,
            "Wl": Wl, "bl": bl}


def reference(x, edge_index, batch, W1, b1, W2, b2, W3, b3, Wl, bl):
    h = gcn_conv(x, edge_index, W1, b1)
    h = jax.nn.relu(h)
    h = gcn_conv(h, edge_index, W2, b2)
    h = jax.nn.relu(h)
    h = gcn_conv(h, edge_index, W3, b3)
    g = global_mean_pool(h, batch)
    # dropout p=0.5 is identity in eval mode (training=False)
    logits = g @ Wl + bl
    return jax.nn.log_softmax(logits, axis=1)

if __name__ == "__main__":
    import jax
    _d = setup_inputs()
    print(jax.jit(kernel)(*tuple(_d.values())))

</pallas_src>

<mosaic_0001>
#map = affine_map<(d0, d1) -> (0, 0, 0)>
#map1 = affine_map<(d0, d1) -> (0, 0, 0, 0)>
module attributes {stable_mosaic.version = 14 : i64} {
  func.func @_deg_kernel(%arg0: i32, %arg1: i32, %arg2: memref<32x125x80xi32, #tpu.memory_space<hbm>>, %arg3: memref<2x16x625x16xf32, #tpu.memory_space<hbm>>, %arg4: memref<125x80xi32, #tpu.memory_space<vmem>>, %arg5: memref<80x16xf32, #tpu.memory_space<vmem>>, %arg6: memref<80x16xf32, #tpu.memory_space<vmem>>, %arg7: memref<10000x16xf32, #tpu.memory_space<vmem_shared>>) attributes {dimension_semantics = [#tpu.dimension_semantics<core_parallel>, #tpu.dimension_semantics<subcore_parallel>], iteration_bounds = array<i64: 2, 16>, scalar_prefetch = 0 : i64, scratch_operands = 4 : i64, tpu.core_type = #tpu.core_type<sc_vector_subcore>, window_params = [{transform_indices = #map}, {transform_indices = #map1}]} {
    %mul3A = arith.constant 16 : i32
    %mul3A_0 = arith.muli %arg0, %mul3A : i32
    %add3A = arith.addi %mul3A_0, %arg1 : i32
    %broadcast_in_dim3A = arith.constant 1.000000e+00 : f32
    %broadcast_in_dim3A_1 = vector.broadcast %broadcast_in_dim3A : f32 to vector<16xf32>
    %broadcast_in_dim3A_2 = arith.constant 0.000000e+00 : f32
    %broadcast_in_dim3A_3 = vector.broadcast %broadcast_in_dim3A_2 : f32 to vector<16xf32>
    %scan3A = arith.constant 0 : i32
    %scan3A_4 = arith.constant 0 : i32
    %scan3A_5 = arith.constant 80 : i32
    %scan3A_6 = arith.addi %scan3A_4, %scan3A_5 : i32
    %scan3A_7 = arith.constant 1 : i32
    scf.for %scan3A_56 = %scan3A_4 to %scan3A_6 step %scan3A_7  : i32 {
      %swap3A = arith.index_cast %scan3A_56 : i32 to index
      %swap3A_57 = arith.constant 0 : index
      %swap3A_58 = tpu.vector_load %arg5[%swap3A, %swap3A_57] {strides = array<i32>} : memref<80x16xf32, #tpu.memory_space<vmem>>, vector<1x16xf32>,
      %swap3A_59 = vector.shape_cast %swap3A_58 : vector<1x16xf32> to vector<16xf32>
      %swap3A_60 = vector.shape_cast %broadcast_in_dim3A_1 : vector<16xf32> to vector<1x16xf32>
      tpu.vector_store %arg5[%swap3A, %swap3A_57], %swap3A_60 {strides = array<i32>} : memref<80x16xf32, #tpu.memory_space<vmem>>, vector<1x16xf32>,
    }
    %scan3A_8 = arith.constant 80 : i32
    %scan3A_9 = arith.constant 0 : i32
    %scan3A_10 = arith.constant 0 : i32
    %scan3A_11 = arith.constant 80 : i32
    %scan3A_12 = arith.addi %scan3A_10, %scan3A_11 : i32
    %scan3A_13 = arith.constant 1 : i32
    scf.for %scan3A_56 = %scan3A_10 to %scan3A_12 step %scan3A_13  : i32 {
      %swap3A = arith.index_cast %scan3A_56 : i32 to index
      %swap3A_57 = arith.constant 0 : index
      %swap3A_58 = tpu.vector_load %arg6[%swap3A, %swap3A_57] {strides = array<i32>} : memref<80x16xf32, #tpu.memory_space<vmem>>, vector<1x16xf32>,
      %swap3A_59 = vector.shape_cast %swap3A_58 : vector<1x16xf32> to vector<16xf32>
      %swap3A_60 = vector.shape_cast %broadcast_in_dim3A_3 : vector<16xf32> to vector<1x16xf32>
      tpu.vector_store %arg6[%swap3A, %swap3A_57], %swap3A_60 {strides = array<i32>} : memref<80x16xf32, #tpu.memory_space<vmem>>, vector<1x16xf32>,
    }
    %scan3A_14 = arith.constant 80 : i32
    %mul3A_15 = arith.constant 625 : i32
    %mul3A_16 = arith.muli %arg1, %mul3A_15 : i32
    %add3A_17 = arith.constant 0 : i32
    %add3A_18 = arith.addi %mul3A_16, %add3A_17 : i32
    "tpu.region"() ({
      %run_scoped3A = tpu.sem_alloc : memref<!tpu.dma_semaphore, #tpu.memory_space<semaphore_mem>>
      %dma_start3A = arith.constant 0 : i32
      %dma_start3A_56 = tpu.memref_slice %arg7[%add3A_18, %dma_start3A] : memref<10000x16xf32, #tpu.memory_space<vmem_shared>> -> memref<80x16xf32, #tpu.memory_space<vmem_shared>>
      %dma_start3A_57 = arith.constant 0 : i32
      %dma_start3A_58 = tpu.memref_slice %arg7[%add3A_18, %dma_start3A_57] : memref<10000x16xf32, #tpu.memory_space<vmem_shared>> -> memref<80x16xf32, #tpu.memory_space<vmem_shared>>
      tpu.enqueue_dma source(%arg6 : memref<80x16xf32, #tpu.memory_space<vmem>>) target(%dma_start3A_58 : memref<80x16xf32, #tpu.memory_space<vmem_shared>>) target_semaphore(%run_scoped3A : memref<!tpu.dma_semaphore, #tpu.memory_space<semaphore_mem>>)
      %dma_wait3A = arith.constant 0 : i32
      %dma_wait3A_59 = tpu.memref_slice %arg7[%add3A_18, %dma_wait3A] : memref<10000x16xf32, #tpu.memory_space<vmem_shared>> -> memref<80x16xf32, #tpu.memory_space<vmem_shared>>
      %dma_wait3A_60 = arith.constant 0 : i32
      %dma_wait3A_61 = tpu.memref_slice %arg7[%add3A_18, %dma_wait3A_60] : memref<10000x16xf32, #tpu.memory_space<vmem_shared>> -> memref<80x16xf32, #tpu.memory_space<vmem_shared>>
      tpu.wait_dma2 semaphore(%run_scoped3A : memref<!tpu.dma_semaphore, #tpu.memory_space<semaphore_mem>>) src(%arg6 : memref<80x16xf32, #tpu.memory_space<vmem>>) dst(%dma_wait3A_61 : memref<80x16xf32, #tpu.memory_space<vmem_shared>>)
      tpu.yield
    }) : () -> ()
    %mul3A_19 = arith.constant 625 : i32
    %mul3A_20 = arith.muli %arg1, %mul3A_19 : i32
    %add3A_21 = arith.constant 80 : i32
    %add3A_22 = arith.addi %mul3A_20, %add3A_21 : i32
    "tpu.region"() ({
      %run_scoped3A = tpu.sem_alloc : memref<!tpu.dma_semaphore, #tpu.memory_space<semaphore_mem>>
      %dma_start3A = arith.constant 0 : i32
      %dma_start3A_56 = tpu.memref_slice %arg7[%add3A_22, %dma_start3A] : memref<10000x16xf32, #tpu.memory_space<vmem_shared>> -> memref<80x16xf32, #tpu.memory_space<vmem_shared>>
      %dma_start3A_57 = arith.constant 0 : i32
      %dma_start3A_58 = tpu.memref_slice %arg7[%add3A_22, %dma_start3A_57] : memref<10000x16xf32, #tpu.memory_space<vmem_shared>> -> memref<80x16xf32, #tpu.memory_space<vmem_shared>>
      tpu.enqueue_dma source(%arg6 : memref<80x16xf32, #tpu.memory_space<vmem>>) target(%dma_start3A_58 : memref<80x16xf32, #tpu.memory_space<vmem_shared>>) target_semaphore(%run_scoped3A : memref<!tpu.dma_semaphore, #tpu.memory_space<semaphore_mem>>)
      %dma_wait3A = arith.constant 0 : i32
      %dma_wait3A_59 = tpu.memref_slice %arg7[%add3A_22, %dma_wait3A] : memref<10000x16xf32, #tpu.memory_space<vmem_shared>> -> memref<80x16xf32, #tpu.memory_space<vmem_shared>>
      %dma_wait3A_60 = arith.constant 0 : i32
      %dma_wait3A_61 = tpu.memref_slice %arg7[%add3A_22, %dma_wait3A_60] : memref<10000x16xf32, #tpu.memory_space<vmem_shared>> -> memref<80x16xf32, #tpu.memory_space<vmem_shared>>
      tpu.wait_dma2 semaphore(%run_scoped3A : memref<!tpu.dma_semaphore, #tpu.memory_space<semaphore_mem>>) src(%arg6 : memref<80x16xf32, #tpu.memory_space<vmem>>) dst(%dma_wait3A_61 : memref<80x16xf32, #tpu.memory_space<vmem_shared>>)
      tpu.yield
    }) : () -> ()
    %mul3A_23 = arith.constant 625 : i32
    %mul3A_24 = arith.muli %arg1, %mul3A_23 : i32
    %add3A_25 = arith.constant 160 : i32
    %add3A_26 = arith.addi %mul3A_24, %add3A_25 : i32
    "tpu.region"() ({
      %run_scoped3A = tpu.sem_alloc : memref<!tpu.dma_semaphore, #tpu.memory_space<semaphore_mem>>
      %dma_start3A = arith.constant 0 : i32
      %dma_start3A_56 = tpu.memref_slice %arg7[%add3A_26, %dma_start3A] : memref<10000x16xf32, #tpu.memory_space<vmem_shared>> -> memref<80x16xf32, #tpu.memory_space<vmem_shared>>
      %dma_start3A_57 = arith.constant 0 : i32
      %dma_start3A_58 = tpu.memref_slice %arg7[%add3A_26, %dma_start3A_57] : memref<10000x16xf32, #tpu.memory_space<vmem_shared>> -> memref<80x16xf32, #tpu.memory_space<vmem_shared>>
      tpu.enqueue_dma source(%arg6 : memref<80x16xf32, #tpu.memory_space<vmem>>) target(%dma_start3A_58 : memref<80x16xf32, #tpu.memory_space<vmem_shared>>) target_semaphore(%run_scoped3A : memref<!tpu.dma_semaphore, #tpu.memory_space<semaphore_mem>>)
      %dma_wait3A = arith.constant 0 : i32
      %dma_wait3A_59 = tpu.memref_slice %arg7[%add3A_26, %dma_wait3A] : memref<10000x16xf32, #tpu.memory_space<vmem_shared>> -> memref<80x16xf32, #tpu.memory_space<vmem_shared>>
      %dma_wait3A_60 = arith.constant 0 : i32
      %dma_wait3A_61 = tpu.memref_slice %arg7[%add3A_26, %dma_wait3A_60] : memref<10000x16xf32, #tpu.memory_space<vmem_shared>> -> memref<80x16xf32, #tpu.memory_space<vmem_shared>>
      tpu.wait_dma2 semaphore(%run_scoped3A : memref<!tpu.dma_semaphore, #tpu.memory_space<semaphore_mem>>) src(%arg6 : memref<80x16xf32, #tpu.memory_space<vmem>>) dst(%dma_wait3A_61 : memref<80x16xf32, #tpu.memory_space<vmem_shared>>)
      tpu.yield
    }) : () -> ()
    %mul3A_27 = arith.constant 625 : i32
    %mul3A_28 = arith.muli %arg1, %mul3A_27 : i32
    %add3A_29 = arith.constant 240 : i32
    %add3A_30 = arith.addi %mul3A_28, %add3A_29 : i32
    "tpu.region"() ({
      %run_scoped3A = tpu.sem_alloc : memref<!tpu.dma_semaphore, #tpu.memory_space<semaphore_mem>>
      %dma_start3A = arith.constant 0 : i32
      %dma_start3A_56 = tpu.memref_slice %arg7[%add3A_30, %dma_start3A] : memref<10000x16xf32, #tpu.memory_space<vmem_shared>> -> memref<80x16xf32, #tpu.memory_space<vmem_shared>>
      %dma_start3A_57 = arith.constant 0 : i32
      %dma_start3A_58 = tpu.memref_slice %arg7[%add3A_30, %dma_start3A_57] : memref<10000x16xf32, #tpu.memory_space<vmem_shared>> -> memref<80x16xf32, #tpu.memory_space<vmem_shared>>
      tpu.enqueue_dma source(%arg6 : memref<80x16xf32, #tpu.memory_space<vmem>>) target(%dma_start3A_58 : memref<80x16xf32, #tpu.memory_space<vmem_shared>>) target_semaphore(%run_scoped3A : memref<!tpu.dma_semaphore, #tpu.memory_space<semaphore_mem>>)
      %dma_wait3A = arith.constant 0 : i32
      %dma_wait3A_59 = tpu.memref_slice %arg7[%add3A_30, %dma_wait3A] : memref<10000x16xf32, #tpu.memory_space<vmem_shared>> -> memref<80x16xf32, #tpu.memory_space<vmem_shared>>
      %dma_wait3A_60 = arith.constant 0 : i32
      %dma_wait3A_61 = tpu.memref_slice %arg7[%add3A_30, %dma_wait3A_60] : memref<10000x16xf32, #tpu.memory_space<vmem_shared>> -> memref<80x16xf32, #tpu.memory_space<vmem_shared>>
      tpu.wait_dma2 semaphore(%run_scoped3A : memref<!tpu.dma_semaphore, #tpu.memory_space<semaphore_mem>>) src(%arg6 : memref<80x16xf32, #tpu.memory_space<vmem>>) dst(%dma_wait3A_61 : memref<80x16xf32, #tpu.memory_space<vmem_shared>>)
      tpu.yield
    }) : () -> ()
    %mul3A_31 = arith.constant 625 : i32
    %mul3A_32 = arith.muli %arg1, %mul3A_31 : i32
    %add3A_33 = arith.constant 320 : i32
    %add3A_34 = arith.addi %mul3A_32, %add3A_33 : i32
    "tpu.region"() ({
      %run_scoped3A = tpu.sem_alloc : memref<!tpu.dma_semaphore, #tpu.memory_space<semaphore_mem>>
      %dma_start3A = arith.constant 0 : i32
      %dma_start3A_56 = tpu.memref_slice %arg7[%add3A_34, %dma_start3A] : memref<10000x16xf32, #tpu.memory_space<vmem_shared>> -> memref<80x16xf32, #tpu.memory_space<vmem_shared>>
      %dma_start3A_57 = arith.constant 0 : i32
      %dma_start3A_58 = tpu.memref_slice %arg7[%add3A_34, %dma_start3A_57] : memref<10000x16xf32, #tpu.memory_space<vmem_shared>> -> memref<80x16xf32, #tpu.memory_space<vmem_shared>>
      tpu.enqueue_dma source(%arg6 : memref<80x16xf32, #tpu.memory_space<vmem>>) target(%dma_start3A_58 : memref<80x16xf32, #tpu.memory_space<vmem_shared>>) target_semaphore(%run_scoped3A : memref<!tpu.dma_semaphore, #tpu.memory_space<semaphore_mem>>)
      %dma_wait3A = arith.constant 0 : i32
      %dma_wait3A_59 = tpu.memref_slice %arg7[%add3A_34, %dma_wait3A] : memref<10000x16xf32, #tpu.memory_space<vmem_shared>> -> memref<80x16xf32, #tpu.memory_space<vmem_shared>>
      %dma_wait3A_60 = arith.constant 0 : i32
      %dma_wait3A_61 = tpu.memref_slice %arg7[%add3A_34, %dma_wait3A_60] : memref<10000x16xf32, #tpu.memory_space<vmem_shared>> -> memref<80x16xf32, #tpu.memory_space<vmem_shared>>
      tpu.wait_dma2 semaphore(%run_scoped3A : memref<!tpu.dma_semaphore, #tpu.memory_space<semaphore_mem>>) src(%arg6 : memref<80x16xf32, #tpu.memory_space<vmem>>) dst(%dma_wait3A_61 : memref<80x16xf32, #tpu.memory_space<vmem_shared>>)
      tpu.yield
    }) : () -> ()
    %mul3A_35 = arith.constant 625 : i32
    %mul3A_36 = arith.muli %arg1, %mul3A_35 : i32
    %add3A_37 = arith.constant 400 : i32
    %add3A_38 = arith.addi %mul3A_36, %add3A_37 : i32
    "tpu.region"() ({
      %run_scoped3A = tpu.sem_alloc : memref<!tpu.dma_semaphore, #tpu.memory_space<semaphore_mem>>
      %dma_start3A = arith.constant 0 : i32
      %dma_start3A_56 = tpu.memref_slice %arg7[%add3A_38, %dma_start3A] : memref<10000x16xf32, #tpu.memory_space<vmem_shared>> -> memref<80x16xf32, #tpu.memory_space<vmem_shared>>
      %dma_start3A_57 = arith.constant 0 : i32
      %dma_start3A_58 = tpu.memref_slice %arg7[%add3A_38, %dma_start3A_57] : memref<10000x16xf32, #tpu.memory_space<vmem_shared>> -> memref<80x16xf32, #tpu.memory_space<vmem_shared>>
      tpu.enqueue_dma source(%arg6 : memref<80x16xf32, #tpu.memory_space<vmem>>) target(%dma_start3A_58 : memref<80x16xf32, #tpu.memory_space<vmem_shared>>) target_semaphore(%run_scoped3A : memref<!tpu.dma_semaphore, #tpu.memory_space<semaphore_mem>>)
      %dma_wait3A = arith.constant 0 : i32
      %dma_wait3A_59 = tpu.memref_slice %arg7[%add3A_38, %dma_wait3A] : memref<10000x16xf32, #tpu.memory_space<vmem_shared>> -> memref<80x16xf32, #tpu.memory_space<vmem_shared>>
      %dma_wait3A_60 = arith.constant 0 : i32
      %dma_wait3A_61 = tpu.memref_slice %arg7[%add3A_38, %dma_wait3A_60] : memref<10000x16xf32, #tpu.memory_space<vmem_shared>> -> memref<80x16xf32, #tpu.memory_space<vmem_shared>>
      tpu.wait_dma2 semaphore(%run_scoped3A : memref<!tpu.dma_semaphore, #tpu.memory_space<semaphore_mem>>) src(%arg6 : memref<80x16xf32, #tpu.memory_space<vmem>>) dst(%dma_wait3A_61 : memref<80x16xf32, #tpu.memory_space<vmem_shared>>)
      tpu.yield
    }) : () -> ()
    %mul3A_39 = arith.constant 625 : i32
    %mul3A_40 = arith.muli %arg1, %mul3A_39 : i32
    %add3A_41 = arith.constant 480 : i32
    %add3A_42 = arith.addi %mul3A_40, %add3A_41 : i32
    "tpu.region"() ({
      %run_scoped3A = tpu.sem_alloc : memref<!tpu.dma_semaphore, #tpu.memory_space<semaphore_mem>>
      %dma_start3A = arith.constant 0 : i32
      %dma_start3A_56 = tpu.memref_slice %arg7[%add3A_42, %dma_start3A] : memref<10000x16xf32, #tpu.memory_space<vmem_shared>> -> memref<80x16xf32, #tpu.memory_space<vmem_shared>>
      %dma_start3A_57 = arith.constant 0 : i32
      %dma_start3A_58 = tpu.memref_slice %arg7[%add3A_42, %dma_start3A_57] : memref<10000x16xf32, #tpu.memory_space<vmem_shared>> -> memref<80x16xf32, #tpu.memory_space<vmem_shared>>
      tpu.enqueue_dma source(%arg6 : memref<80x16xf32, #tpu.memory_space<vmem>>) target(%dma_start3A_58 : memref<80x16xf32, #tpu.memory_space<vmem_shared>>) target_semaphore(%run_scoped3A : memref<!tpu.dma_semaphore, #tpu.memory_space<semaphore_mem>>)
      %dma_wait3A = arith.constant 0 : i32
      %dma_wait3A_59 = tpu.memref_slice %arg7[%add3A_42, %dma_wait3A] : memref<10000x16xf32, #tpu.memory_space<vmem_shared>> -> memref<80x16xf32, #tpu.memory_space<vmem_shared>>
      %dma_wait3A_60 = arith.constant 0 : i32
      %dma_wait3A_61 = tpu.memref_slice %arg7[%add3A_42, %dma_wait3A_60] : memref<10000x16xf32, #tpu.memory_space<vmem_shared>> -> memref<80x16xf32, #tpu.memory_space<vmem_shared>>
      tpu.wait_dma2 semaphore(%run_scoped3A : memref<!tpu.dma_semaphore, #tpu.memory_space<semaphore_mem>>) src(%arg6 : memref<80x16xf32, #tpu.memory_space<vmem>>) dst(%dma_wait3A_61 : memref<80x16xf32, #tpu.memory_space<vmem_shared>>)
      tpu.yield
    }) : () -> ()
    %mul3A_43 = arith.constant 625 : i32
    %mul3A_44 = arith.muli %arg1, %mul3A_43 : i32
    %add3A_45 = arith.constant 560 : i32
    %add3A_46 = arith.addi %mul3A_44, %add3A_45 : i32
    "tpu.region"() ({
      %run_scoped3A = tpu.sem_alloc : memref<!tpu.dma_semaphore, #tpu.memory_space<semaphore_mem>>
      %dma_start3A = arith.constant 0 : i32
      %dma_start3A_56 = arith.constant 0 : i32
      %dma_start3A_57 = tpu.memref_slice %arg6[%dma_start3A, %dma_start3A_56] : memref<80x16xf32, #tpu.memory_space<vmem>> -> memref<65x16xf32, #tpu.memory_space<vmem>>
      %dma_start3A_58 = arith.constant 0 : i32
      %dma_start3A_59 = tpu.memref_slice %arg7[%add3A_46, %dma_start3A_58] : memref<10000x16xf32, #tpu.memory_space<vmem_shared>> -> memref<65x16xf32, #tpu.memory_space<vmem_shared>>
      %dma_start3A_60 = arith.constant 0 : i32
      %dma_start3A_61 = tpu.memref_slice %arg7[%add3A_46, %dma_start3A_60] : memref<10000x16xf32, #tpu.memory_space<vmem_shared>> -> memref<65x16xf32, #tpu.memory_space<vmem_shared>>
      %dma_start3A_62 = arith.constant 0 : i32
      %dma_start3A_63 = arith.constant 0 : i32
      %dma_start3A_64 = tpu.memref_slice %arg6[%dma_start3A_62, %dma_start3A_63] : memref<80x16xf32, #tpu.memory_space<vmem>> -> memref<65x16xf32, #tpu.memory_space<vmem>>
      tpu.enqueue_dma source(%dma_start3A_64 : memref<65x16xf32, #tpu.memory_space<vmem>>) target(%dma_start3A_61 : memref<65x16xf32, #tpu.memory_space<vmem_shared>>) target_semaphore(%run_scoped3A : memref<!tpu.dma_semaphore, #tpu.memory_space<semaphore_mem>>)
      %dma_wait3A = arith.constant 0 : i32
      %dma_wait3A_65 = arith.constant 0 : i32
      %dma_wait3A_66 = tpu.memref_slice %arg6[%dma_wait3A, %dma_wait3A_65] : memref<80x16xf32, #tpu.memory_space<vmem>> -> memref<65x16xf32, #tpu.memory_space<vmem>>
      %dma_wait3A_67 = arith.constant 0 : i32
      %dma_wait3A_68 = tpu.memref_slice %arg7[%add3A_46, %dma_wait3A_67] : memref<10000x16xf32, #tpu.memory_space<vmem_shared>> -> memref<65x16xf32, #tpu.memory_space<vmem_shared>>
      %dma_wait3A_69 = arith.constant 0 : i32
      %dma_wait3A_70 = tpu.memref_slice %arg7[%add3A_46, %dma_wait3A_69] : memref<10000x16xf32, #tpu.memory_space<vmem_shared>> -> memref<65x16xf32, #tpu.memory_space<vmem_shared>>
      %dma_wait3A_71 = arith.constant 0 : i32
      %dma_wait3A_72 = arith.constant 0 : i32
      %dma_wait3A_73 = tpu.memref_slice %arg6[%dma_wait3A_71, %dma_wait3A_72] : memref<80x16xf32, #tpu.memory_space<vmem>> -> memref<65x16xf32, #tpu.memory_space<vmem>>
      tpu.wait_dma2 semaphore(%run_scoped3A : memref<!tpu.dma_semaphore, #tpu.memory_space<semaphore_mem>>) src(%dma_wait3A_73 : memref<65x16xf32, #tpu.memory_space<vmem>>) dst(%dma_wait3A_70 : memref<65x16xf32, #tpu.memory_space<vmem_shared>>)
      tpu.yield
    }) : () -> ()
    %barrier3A = arith.constant 0 : index
    tpu.barrier barrier_id(%barrier3A)
    "tpu.region"() ({
      %run_scoped3A = tpu.sem_alloc : memref<!tpu.dma_semaphore, #tpu.memory_space<semaphore_mem>>
      %dma_start3A = arith.constant 0 : i32
      %dma_start3A_56 = arith.constant 0 : i32
      %dma_start3A_57 = tpu.memref_slice %arg2[%add3A, %dma_start3A, %dma_start3A_56] : memref<32x125x80xi32, #tpu.memory_space<hbm>> -> memref<1x125x80xi32, #tpu.memory_space<hbm>>
      %dma_start3A_58 = tpu.memref_squeeze %dma_start3A_57 : memref<1x125x80xi32, #tpu.memory_space<hbm>> -> memref<125x80xi32, #tpu.memory_space<hbm>>
      %dma_start3A_59 = arith.constant 0 : i32
      %dma_start3A_60 = arith.constant 0 : i32
      %dma_start3A_61 = tpu.memref_slice %arg2[%add3A, %dma_start3A_59, %dma_start3A_60] : memref<32x125x80xi32, #tpu.memory_space<hbm>> -> memref<1x125x80xi32, #tpu.memory_space<hbm>>
      %dma_start3A_62 = tpu.memref_squeeze %dma_start3A_61 : memref<1x125x80xi32, #tpu.memory_space<hbm>> -> memref<125x80xi32, #tpu.memory_space<hbm>>
      tpu.enqueue_dma source(%dma_start3A_62 : memref<125x80xi32, #tpu.memory_space<hbm>>) target(%arg4 : memref<125x80xi32, #tpu.memory_space<vmem>>) target_semaphore(%run_scoped3A : memref<!tpu.dma_semaphore, #tpu.memory_space<semaphore_mem>>)
      %dma_wait3A = arith.constant 0 : i32
      %dma_wait3A_63 = arith.constant 0 : i32
      %dma_wait3A_64 = tpu.memref_slice %arg2[%add3A, %dma_wait3A, %dma_wait3A_63] : memref<32x125x80xi32, #tpu.memory_space<hbm>> -> memref<1x125x80xi32, #tpu.memory_space<hbm>>
      %dma_wait3A_65 = tpu.memref_squeeze %dma_wait3A_64 : memref<1x125x80xi32, #tpu.memory_space<hbm>> -> memref<125x80xi32, #tpu.memory_space<hbm>>
      %dma_wait3A_66 = arith.constant 0 : i32
      %dma_wait3A_67 = arith.constant 0 : i32
      %dma_wait3A_68 = tpu.memref_slice %arg2[%add3A, %dma_wait3A_66, %dma_wait3A_67] : memref<32x125x80xi32, #tpu.memory_space<hbm>> -> memref<1x125x80xi32, #tpu.memory_space<hbm>>
      %dma_wait3A_69 = tpu.memref_squeeze %dma_wait3A_68 : memref<1x125x80xi32, #tpu.memory_space<hbm>> -> memref<125x80xi32, #tpu.memory_space<hbm>>
      tpu.wait_dma2 semaphore(%run_scoped3A : memref<!tpu.dma_semaphore, #tpu.memory_space<semaphore_mem>>) src(%dma_wait3A_69 : memref<125x80xi32, #tpu.memory_space<hbm>>) dst(%arg4 : memref<125x80xi32, #tpu.memory_space<vmem>>)
      tpu.yield
    }) : () -> ()
    %scan3A_47 = arith.constant 0 : i32
    %scan3A_48 = arith.constant 0 : i32
    %scan3A_49 = arith.constant 125 : i32
    %scan3A_50 = arith.addi %scan3A_48, %scan3A_49 : i32
    %scan3A_51 = arith.constant 1 : i32
    scf.for %scan3A_56 = %scan3A_48 to %scan3A_50 step %scan3A_51  : i32 {
      "tpu.region"() ({
        %run_scoped3A = tpu.sem_alloc : memref<!tpu.dma_semaphore, #tpu.memory_space<semaphore_mem>>
        %dma_start3A = arith.constant 0 : i32
        %dma_start3A_57 = tpu.memref_slice %arg4[%scan3A_56, %dma_start3A] : memref<125x80xi32, #tpu.memory_space<vmem>> -> memref<1x80xi32, #tpu.memory_space<vmem>>
        %dma_start3A_58 = tpu.memref_squeeze %dma_start3A_57 : memref<1x80xi32, #tpu.memory_space<vmem>> -> memref<80xi32, #tpu.memory_space<vmem>>
        %dma_start3A_59 = arith.constant 0 : i32
        %dma_start3A_60 = arith.constant 0 : i32
        %dma_start3A_61 = tpu.memref_slice %arg7[%dma_start3A_59, %dma_start3A_60] : memref<10000x16xf32, #tpu.memory_space<vmem_shared>> -> memref<10000x16xf32, #tpu.memory_space<vmem_shared>>
        tpu.enqueue_indirect_dma source(%arg5 : memref<80x16xf32, #tpu.memory_space<vmem>>) target(%dma_start3A_61 : memref<10000x16xf32, #tpu.memory_space<vmem_shared>>) offsets(%dma_start3A_58 : memref<80xi32, #tpu.memory_space<vmem>>) semaphore(%run_scoped3A : memref<!tpu.dma_semaphore, #tpu.memory_space<semaphore_mem>>) {add = true}
        %dma_wait3A = arith.constant 0 : i32
        %dma_wait3A_62 = tpu.memref_slice %arg4[%scan3A_56, %dma_wait3A] : memref<125x80xi32, #tpu.memory_space<vmem>> -> memref<1x80xi32, #tpu.memory_space<vmem>>
        %dma_wait3A_63 = tpu.memref_squeeze %dma_wait3A_62 : memref<1x80xi32, #tpu.memory_space<vmem>> -> memref<80xi32, #tpu.memory_space<vmem>>
        %dma_wait3A_64 = arith.constant 0 : i32
        %dma_wait3A_65 = arith.constant 0 : i32
        %dma_wait3A_66 = tpu.memref_slice %arg7[%dma_wait3A_64, %dma_wait3A_65] : memref<10000x16xf32, #tpu.memory_space<vmem_shared>> -> memref<10000x16xf32, #tpu.memory_space<vmem_shared>>
        tpu.wait_indirect_dma semaphore(%run_scoped3A : memref<!tpu.dma_semaphore, #tpu.memory_space<semaphore_mem>>) src(%arg5 : memref<80x16xf32, #tpu.memory_space<vmem>>) dst(%dma_wait3A_66 : memref<10000x16xf32, #tpu.memory_space<vmem_shared>>)
        tpu.yield
      }) : () -> ()
    }
    %scan3A_52 = arith.constant 125 : i32
    %barrier3A_53 = arith.constant 0 : index
    tpu.barrier barrier_id(%barrier3A_53)
    %mul3A_54 = arith.constant 625 : i32
    %mul3A_55 = arith.muli %arg1, %mul3A_54 : i32
    "tpu.region"() ({
      %run_scoped3A = tpu.sem_alloc : memref<!tpu.dma_semaphore, #tpu.memory_space<semaphore_mem>>
      %dma_start3A = arith.constant 0 : i32
      %dma_start3A_56 = arith.constant 0 : i32
      %dma_start3A_57 = tpu.memref_slice %arg3[%arg0, %arg1, %dma_start3A, %dma_start3A_56] : memref<2x16x625x16xf32, #tpu.memory_space<hbm>> -> memref<1x1x625x16xf32, #tpu.memory_space<hbm>>
      %dma_start3A_58 = tpu.memref_squeeze %dma_start3A_57 : memref<1x1x625x16xf32, #tpu.memory_space<hbm>> -> memref<625x16xf32, #tpu.memory_space<hbm>>
      %dma_start3A_59 = arith.constant 0 : i32
      %dma_start3A_60 = tpu.memref_slice %arg7[%mul3A_55, %dma_start3A_59] : memref<10000x16xf32, #tpu.memory_space<vmem_shared>> -> memref<625x16xf32, #tpu.memory_space<vmem_shared>>
      tpu.enqueue_dma source(%dma_start3A_60 : memref<625x16xf32, #tpu.memory_space<vmem_shared>>) target(%dma_start3A_58 : memref<625x16xf32, #tpu.memory_space<hbm>>) target_semaphore(%run_scoped3A : memref<!tpu.dma_semaphore, #tpu.memory_space<semaphore_mem>>)
      %dma_wait3A = arith.constant 0 : i32
      %dma_wait3A_61 = arith.constant 0 : i32
      %dma_wait3A_62 = tpu.memref_slice %arg3[%arg0, %arg1, %dma_wait3A, %dma_wait3A_61] : memref<2x16x625x16xf32, #tpu.memory_space<hbm>> -> memref<1x1x625x16xf32, #tpu.memory_space<hbm>>
      %dma_wait3A_63 = tpu.memref_squeeze %dma_wait3A_62 : memref<1x1x625x16xf32, #tpu.memory_space<hbm>> -> memref<625x16xf32, #tpu.memory_space<hbm>>
      %dma_wait3A_64 = arith.constant 0 : i32
      %dma_wait3A_65 = tpu.memref_slice %arg7[%mul3A_55, %dma_wait3A_64] : memref<10000x16xf32, #tpu.memory_space<vmem_shared>> -> memref<625x16xf32, #tpu.memory_space<vmem_shared>>
      tpu.wait_dma2 semaphore(%run_scoped3A : memref<!tpu.dma_semaphore, #tpu.memory_space<semaphore_mem>>) src(%dma_wait3A_65 : memref<625x16xf32, #tpu.memory_space<vmem_shared>>) dst(%dma_wait3A_63 : memref<625x16xf32, #tpu.memory_space<hbm>>)
      tpu.yield
    }) : () -> ()
    return
  }
}

#map = affine_map<(d0, d1) -> (0, 0)>
#map1 = affine_map<(d0, d1) -> (0)>
#map2 = affine_map<(d0, d1) -> (0, 0, 0)>
#map3 = affine_map<(d0, d1) -> (0, 0, 0, 0)>
module attributes {stable_mosaic.version = 14 : i64} {
  func.func @_prop_kernel(%arg0: i32, %arg1: i32, %arg2: memref<10000x128xf32, #tpu.memory_space<hbm>>, %arg3: memref<320000xi32, #tpu.memory_space<hbm>>, %arg4: memref<32x96x104xi32, #tpu.memory_space<hbm>>, %arg5: memref<320000xi32, #tpu.memory_space<hbm>>, %arg6: memref<2x16x625x128xf32, #tpu.memory_space<hbm>>, %arg7: memref<10000xi32, #tpu.memory_space<vmem>>, %arg8: memref<96x104xi32, #tpu.memory_space<vmem>>, %arg9: memref<16xi32, #tpu.memory_space<vmem>>, %arg10: memref<104x128xf32, #tpu.memory_space<vmem>>, %arg11: memref<104x128xf32, #tpu.memory_space<vmem>>, %arg12: memref<10000x128xf32, #tpu.memory_space<vmem_shared>>, %arg13: memref<!tpu.dma_semaphore, #tpu.memory_space<semaphore_mem>>, %arg14: memref<!tpu.dma_semaphore, #tpu.memory_space<semaphore_mem>>) attributes {dimension_semantics = [#tpu.dimension_semantics<core_parallel>, #tpu.dimension_semantics<subcore_parallel>], iteration_bounds = array<i64: 2, 16>, scalar_prefetch = 0 : i64, scratch_operands = 8 : i64, tpu.core_type = #tpu.core_type<sc_vector_subcore>, window_params = [{transform_indices = #map}, {transform_indices = #map1}, {transform_indices = #map2}, {transform_indices = #map1}, {transform_indices = #map3}]} {
    %mul3A = arith.constant 16 : i32
    %mul3A_0 = arith.muli %arg0, %mul3A : i32
    %add3A = arith.addi %mul3A_0, %arg1 : i32
    %broadcast_in_dim3A = arith.constant 0.000000e+00 : f32
    %broadcast_in_dim3A_1 = vector.broadcast %broadcast_in_dim3A : f32 to vector<16xf32>
    %scan3A = arith.constant 0 : i32
    %scan3A_2 = arith.constant 0 : i32
    %scan3A_3 = arith.constant 104 : i32
    %scan3A_4 = arith.addi %scan3A_2, %scan3A_3 : i32
    %scan3A_5 = arith.constant 1 : i32
    scf.for %scan3A_69 = %scan3A_2 to %scan3A_4 step %scan3A_5  : i32 {
      %swap3A = arith.index_cast %scan3A_69 : i32 to index
      %swap3A_70 = arith.constant 0 : index
      %swap3A_71 = tpu.vector_load %arg10[%swap3A, %swap3A_70] {strides = array<i32>} : memref<104x128xf32, #tpu.memory_space<vmem>>, vector<1x16xf32>,
      %swap3A_72 = vector.shape_cast %swap3A_71 : vector<1x16xf32> to vector<16xf32>
      %swap3A_73 = vector.shape_cast %broadcast_in_dim3A_1 : vector<16xf32> to vector<1x16xf32>
      tpu.vector_store %arg10[%swap3A, %swap3A_70], %swap3A_73 {strides = array<i32>} : memref<104x128xf32, #tpu.memory_space<vmem>>, vector<1x16xf32>,
      %swap3A_74 = arith.index_cast %scan3A_69 : i32 to index
      %swap3A_75 = arith.constant 16 : index
      %swap3A_76 = tpu.vector_load %arg10[%swap3A_74, %swap3A_75] {strides = array<i32>} : memref<104x128xf32, #tpu.memory_space<vmem>>, vector<1x16xf32>,
      %swap3A_77 = vector.shape_cast %swap3A_76 : vector<1x16xf32> to vector<16xf32>
      %swap3A_78 = vector.shape_cast %broadcast_in_dim3A_1 : vector<16xf32> to vector<1x16xf32>
      tpu.vector_store %arg10[%swap3A_74, %swap3A_75], %swap3A_78 {strides = array<i32>} : memref<104x128xf32, #tpu.memory_space<vmem>>, vector<1x16xf32>,
      %swap3A_79 = arith.index_cast %scan3A_69 : i32 to index
      %swap3A_80 = arith.constant 32 : index
      %swap3A_81 = tpu.vector_load %arg10[%swap3A_79, %swap3A_80] {strides = array<i32>} : memref<104x128xf32, #tpu.memory_space<vmem>>, vector<1x16xf32>,
      %swap3A_82 = vector.shape_cast %swap3A_81 : vector<1x16xf32> to vector<16xf32>
      %swap3A_83 = vector.shape_cast %broadcast_in_dim3A_1 : vector<16xf32> to vector<1x16xf32>
      tpu.vector_store %arg10[%swap3A_79, %swap3A_80], %swap3A_83 {strides = array<i32>} : memref<104x128xf32, #tpu.memory_space<vmem>>, vector<1x16xf32>,
      %swap3A_84 = arith.index_cast %scan3A_69 : i32 to index
      %swap3A_85 = arith.constant 48 : index
      %swap3A_86 = tpu.vector_load %arg10[%swap3A_84, %swap3A_85] {strides = array<i32>} : memref<104x128xf32, #tpu.memory_space<vmem>>, vector<1x16xf32>,
      %swap3A_87 = vector.shape_cast %swap3A_86 : vector<1x16xf32> to vector<16xf32>
      %swap3A_88 = vector.shape_cast %broadcast_in_dim3A_1 : vector<16xf32> to vector<1x16xf32>
      tpu.vector_store %arg10[%swap3A_84, %swap3A_85], %swap3A_88 {strides = array<i32>} : memref<104x128xf32, #tpu.memory_space<vmem>>, vector<1x16xf32>,
      %swap3A_89 = arith.index_cast %scan3A_69 : i32 to index
      %swap3A_90 = arith.constant 64 : index
      %swap3A_91 = tpu.vector_load %arg10[%swap3A_89, %swap3A_90] {strides = array<i32>} : memref<104x128xf32, #tpu.memory_space<vmem>>, vector<1x16xf32>,
      %swap3A_92 = vector.shape_cast %swap3A_91 : vector<1x16xf32> to vector<16xf32>
      %swap3A_93 = vector.shape_cast %broadcast_in_dim3A_1 : vector<16xf32> to vector<1x16xf32>
      tpu.vector_store %arg10[%swap3A_89, %swap3A_90], %swap3A_93 {strides = array<i32>} : memref<104x128xf32, #tpu.memory_space<vmem>>, vector<1x16xf32>,
      %swap3A_94 = arith.index_cast %scan3A_69 : i32 to index
      %swap3A_95 = arith.constant 80 : index
      %swap3A_96 = tpu.vector_load %arg10[%swap3A_94, %swap3A_95] {strides = array<i32>} : memref<104x128xf32, #tpu.memory_space<vmem>>, vector<1x16xf32>,
      %swap3A_97 = vector.shape_cast %swap3A_96 : vector<1x16xf32> to vector<16xf32>
      %swap3A_98 = vector.shape_cast %broadcast_in_dim3A_1 : vector<16xf32> to vector<1x16xf32>
      tpu.vector_store %arg10[%swap3A_94, %swap3A_95], %swap3A_98 {strides = array<i32>} : memref<104x128xf32, #tpu.memory_space<vmem>>, vector<1x16xf32>,
      %swap3A_99 = arith.index_cast %scan3A_69 : i32 to index
      %swap3A_100 = arith.constant 96 : index
      %swap3A_101 = tpu.vector_load %arg10[%swap3A_99, %swap3A_100] {strides = array<i32>} : memref<104x128xf32, #tpu.memory_space<vmem>>, vector<1x16xf32>,
      %swap3A_102 = vector.shape_cast %swap3A_101 : vector<1x16xf32> to vector<16xf32>
      %swap3A_103 = vector.shape_cast %broadcast_in_dim3A_1 : vector<16xf32> to vector<1x16xf32>
      tpu.vector_store %arg10[%swap3A_99, %swap3A_100], %swap3A_103 {strides = array<i32>} : memref<104x128xf32, #tpu.memory_space<vmem>>, vector<1x16xf32>,
      %swap3A_104 = arith.index_cast %scan3A_69 : i32 to index
      %swap3A_105 = arith.constant 112 : index
      %swap3A_106 = tpu.vector_load %arg10[%swap3A_104, %swap3A_105] {strides = array<i32>} : memref<104x128xf32, #tpu.memory_space<vmem>>, vector<1x16xf32>,
      %swap3A_107 = vector.shape_cast %swap3A_106 : vector<1x16xf32> to vector<16xf32>
      %swap3A_108 = vector.shape_cast %broadcast_in_dim3A_1 : vector<16xf32> to vector<1x16xf32>
      tpu.vector_store %arg10[%swap3A_104, %swap3A_105], %swap3A_108 {strides = array<i32>} : memref<104x128xf32, #tpu.memory_space<vmem>>, vector<1x16xf32>,
    }
    %scan3A_6 = arith.constant 104 : i32
    %mul3A_7 = arith.constant 625 : i32
    %mul3A_8 = arith.muli %arg1, %mul3A_7 : i32
    %add3A_9 = arith.constant 0 : i32
    %add3A_10 = arith.addi %mul3A_8, %add3A_9 : i32
    "tpu.region"() ({
      %run_scoped3A = tpu.sem_alloc : memref<!tpu.dma_semaphore, #tpu.memory_space<semaphore_mem>>
      %dma_start3A_69 = arith.constant 0 : i32
      %dma_start3A_70 = tpu.memref_slice %arg12[%add3A_10, %dma_start3A_69] : memref<10000x128xf32, #tpu.memory_space<vmem_shared>> -> memref<104x128xf32, #tpu.memory_space<vmem_shared>>
      %dma_start3A_71 = arith.constant 0 : i32
      %dma_start3A_72 = tpu.memref_slice %arg12[%add3A_10, %dma_start3A_71] : memref<10000x128xf32, #tpu.memory_space<vmem_shared>> -> memref<104x128xf32, #tpu.memory_space<vmem_shared>>
      tpu.enqueue_dma source(%arg10 : memref<104x128xf32, #tpu.memory_space<vmem>>) target(%dma_start3A_72 : memref<104x128xf32, #tpu.memory_space<vmem_shared>>) target_semaphore(%run_scoped3A : memref<!tpu.dma_semaphore, #tpu.memory_space<semaphore_mem>>)
      %dma_wait3A_73 = arith.constant 0 : i32
      %dma_wait3A_74 = tpu.memref_slice %arg12[%add3A_10, %dma_wait3A_73] : memref<10000x128xf32, #tpu.memory_space<vmem_shared>> -> memref<104x128xf32, #tpu.memory_space<vmem_shared>>
      %dma_wait3A_75 = arith.constant 0 : i32
      %dma_wait3A_76 = tpu.memref_slice %arg12[%add3A_10, %dma_wait3A_75] : memref<10000x128xf32, #tpu.memory_space<vmem_shared>> -> memref<104x128xf32, #tpu.memory_space<vmem_shared>>
      tpu.wait_dma2 semaphore(%run_scoped3A : memref<!tpu.dma_semaphore, #tpu.memory_space<semaphore_mem>>) src(%arg10 : memref<104x128xf32, #tpu.memory_space<vmem>>) dst(%dma_wait3A_76 : memref<104x128xf32, #tpu.memory_space<vmem_shared>>)
      tpu.yield
    }) : () -> ()
    %mul3A_11 = arith.constant 625 : i32
    %mul3A_12 = arith.muli %arg1, %mul3A_11 : i32
    %add3A_13 = arith.constant 104 : i32
    %add3A_14 = arith.addi %mul3A_12, %add3A_13 : i32
    "tpu.region"() ({
      %run_scoped3A = tpu.sem_alloc : memref<!tpu.dma_semaphore, #tpu.memory_space<semaphore_mem>>
      %dma_start3A_69 = arith.constant 0 : i32
      %dma_start3A_70 = tpu.memref_slice %arg12[%add3A_14, %dma_start3A_69] : memref<10000x128xf32, #tpu.memory_space<vmem_shared>> -> memref<104x128xf32, #tpu.memory_space<vmem_shared>>
      %dma_start3A_71 = arith.constant 0 : i32
      %dma_start3A_72 = tpu.memref_slice %arg12[%add3A_14, %dma_start3A_71] : memref<10000x128xf32, #tpu.memory_space<vmem_shared>> -> memref<104x128xf32, #tpu.memory_space<vmem_shared>>
      tpu.enqueue_dma source(%arg10 : memref<104x128xf32, #tpu.memory_space<vmem>>) target(%dma_start3A_72 : memref<104x128xf32, #tpu.memory_space<vmem_shared>>) target_semaphore(%run_scoped3A : memref<!tpu.dma_semaphore, #tpu.memory_space<semaphore_mem>>)
      %dma_wait3A_73 = arith.constant 0 : i32
      %dma_wait3A_74 = tpu.memref_slice %arg12[%add3A_14, %dma_wait3A_73] : memref<10000x128xf32, #tpu.memory_space<vmem_shared>> -> memref<104x128xf32, #tpu.memory_space<vmem_shared>>
      %dma_wait3A_75 = arith.constant 0 : i32
      %dma_wait3A_76 = tpu.memref_slice %arg12[%add3A_14, %dma_wait3A_75] : memref<10000x128xf32, #tpu.memory_space<vmem_shared>> -> memref<104x128xf32, #tpu.memory_space<vmem_shared>>
      tpu.wait_dma2 semaphore(%run_scoped3A : memref<!tpu.dma_semaphore, #tpu.memory_space<semaphore_mem>>) src(%arg10 : memref<104x128xf32, #tpu.memory_space<vmem>>) dst(%dma_wait3A_76 : memref<104x128xf32, #tpu.memory_space<vmem_shared>>)
      tpu.yield
    }) : () -> ()
    %mul3A_15 = arith.constant 625 : i32
    %mul3A_16 = arith.muli %arg1, %mul3A_15 : i32
    %add3A_17 = arith.constant 208 : i32
    %add3A_18 = arith.addi %mul3A_16, %add3A_17 : i32
    "tpu.region"() ({
      %run_scoped3A = tpu.sem_alloc : memref<!tpu.dma_semaphore, #tpu.memory_space<semaphore_mem>>
      %dma_start3A_69 = arith.constant 0 : i32
      %dma_start3A_70 = tpu.memref_slice %arg12[%add3A_18, %dma_start3A_69] : memref<10000x128xf32, #tpu.memory_space<vmem_shared>> -> memref<104x128xf32, #tpu.memory_space<vmem_shared>>
      %dma_start3A_71 = arith.constant 0 : i32
      %dma_start3A_72 = tpu.memref_slice %arg12[%add3A_18, %dma_start3A_71] : memref<10000x128xf32, #tpu.memory_space<vmem_shared>> -> memref<104x128xf32, #tpu.memory_space<vmem_shared>>
      tpu.enqueue_dma source(%arg10 : memref<104x128xf32, #tpu.memory_space<vmem>>) target(%dma_start3A_72 : memref<104x128xf32, #tpu.memory_space<vmem_shared>>) target_semaphore(%run_scoped3A : memref<!tpu.dma_semaphore, #tpu.memory_space<semaphore_mem>>)
      %dma_wait3A_73 = arith.constant 0 : i32
      %dma_wait3A_74 = tpu.memref_slice %arg12[%add3A_18, %dma_wait3A_73] : memref<10000x128xf32, #tpu.memory_space<vmem_shared>> -> memref<104x128xf32, #tpu.memory_space<vmem_shared>>
      %dma_wait3A_75 = arith.constant 0 : i32
      %dma_wait3A_76 = tpu.memref_slice %arg12[%add3A_18, %dma_wait3A_75] : memref<10000x128xf32, #tpu.memory_space<vmem_shared>> -> memref<104x128xf32, #tpu.memory_space<vmem_shared>>
      tpu.wait_dma2 semaphore(%run_scoped3A : memref<!tpu.dma_semaphore, #tpu.memory_space<semaphore_mem>>) src(%arg10 : memref<104x128xf32, #tpu.memory_space<vmem>>) dst(%dma_wait3A_76 : memref<104x128xf32, #tpu.memory_space<vmem_shared>>)
      tpu.yield
    }) : () -> ()
    %mul3A_19 = arith.constant 625 : i32
    %mul3A_20 = arith.muli %arg1, %mul3A_19 : i32
    %add3A_21 = arith.constant 312 : i32
    %add3A_22 = arith.addi %mul3A_20, %add3A_21 : i32
    "tpu.region"() ({
      %run_scoped3A = tpu.sem_alloc : memref<!tpu.dma_semaphore, #tpu.memory_space<semaphore_mem>>
      %dma_start3A_69 = arith.constant 0 : i32
      %dma_start3A_70 = tpu.memref_slice %arg12[%add3A_22, %dma_start3A_69] : memref<10000x128xf32, #tpu.memory_space<vmem_shared>> -> memref<104x128xf32, #tpu.memory_space<vmem_shared>>
      %dma_start3A_71 = arith.constant 0 : i32
      %dma_start3A_72 = tpu.memref_slice %arg12[%add3A_22, %dma_start3A_71] : memref<10000x128xf32, #tpu.memory_space<vmem_shared>> -> memref<104x128xf32, #tpu.memory_space<vmem_shared>>
      tpu.enqueue_dma source(%arg10 : memref<104x128xf32, #tpu.memory_space<vmem>>) target(%dma_start3A_72 : memref<104x128xf32, #tpu.memory_space<vmem_shared>>) target_semaphore(%run_scoped3A : memref<!tpu.dma_semaphore, #tpu.memory_space<semaphore_mem>>)
      %dma_wait3A_73 = arith.constant 0 : i32
      %dma_wait3A_74 = tpu.memref_slice %arg12[%add3A_22, %dma_wait3A_73] : memref<10000x128xf32, #tpu.memory_space<vmem_shared>> -> memref<104x128xf32, #tpu.memory_space<vmem_shared>>
      %dma_wait3A_75 = arith.constant 0 : i32
      %dma_wait3A_76 = tpu.memref_slice %arg12[%add3A_22, %dma_wait3A_75] : memref<10000x128xf32, #tpu.memory_space<vmem_shared>> -> memref<104x128xf32, #tpu.memory_space<vmem_shared>>
      tpu.wait_dma2 semaphore(%run_scoped3A : memref<!tpu.dma_semaphore, #tpu.memory_space<semaphore_mem>>) src(%arg10 : memref<104x128xf32, #tpu.memory_space<vmem>>) dst(%dma_wait3A_76 : memref<104x128xf32, #tpu.memory_space<vmem_shared>>)
      tpu.yield
    }) : () -> ()
    %mul3A_23 = arith.constant 625 : i32
    %mul3A_24 = arith.muli %arg1, %mul3A_23 : i32
    %add3A_25 = arith.constant 416 : i32
    %add3A_26 = arith.addi %mul3A_24, %add3A_25 : i32
    "tpu.region"() ({
      %run_scoped3A = tpu.sem_alloc : memref<!tpu.dma_semaphore, #tpu.memory_space<semaphore_mem>>
      %dma_start3A_69 = arith.constant 0 : i32
      %dma_start3A_70 = tpu.memref_slice %arg12[%add3A_26, %dma_start3A_69] : memref<10000x128xf32, #tpu.memory_space<vmem_shared>> -> memref<104x128xf32, #tpu.memory_space<vmem_shared>>
      %dma_start3A_71 = arith.constant 0 : i32
      %dma_start3A_72 = tpu.memref_slice %arg12[%add3A_26, %dma_start3A_71] : memref<10000x128xf32, #tpu.memory_space<vmem_shared>> -> memref<104x128xf32, #tpu.memory_space<vmem_shared>>
      tpu.enqueue_dma source(%arg10 : memref<104x128xf32, #tpu.memory_space<vmem>>) target(%dma_start3A_72 : memref<104x128xf32, #tpu.memory_space<vmem_shared>>) target_semaphore(%run_scoped3A : memref<!tpu.dma_semaphore, #tpu.memory_space<semaphore_mem>>)
      %dma_wait3A_73 = arith.constant 0 : i32
      %dma_wait3A_74 = tpu.memref_slice %arg12[%add3A_26, %dma_wait3A_73] : memref<10000x128xf32, #tpu.memory_space<vmem_shared>> -> memref<104x128xf32, #tpu.memory_space<vmem_shared>>
      %dma_wait3A_75 = arith.constant 0 : i32
      %dma_wait3A_76 = tpu.memref_slice %arg12[%add3A_26, %dma_wait3A_75] : memref<10000x128xf32, #tpu.memory_space<vmem_shared>> -> memref<104x128xf32, #tpu.memory_space<vmem_shared>>
      tpu.wait_dma2 semaphore(%run_scoped3A : memref<!tpu.dma_semaphore, #tpu.memory_space<semaphore_mem>>) src(%arg10 : memref<104x128xf32, #tpu.memory_space<vmem>>) dst(%dma_wait3A_76 : memref<104x128xf32, #tpu.memory_space<vmem_shared>>)
      tpu.yield
    }) : () -> ()
    %mul3A_27 = arith.constant 625 : i32
    %mul3A_28 = arith.muli %arg1, %mul3A_27 : i32
    %add3A_29 = arith.constant 520 : i32
    %add3A_30 = arith.addi %mul3A_28, %add3A_29 : i32
    "tpu.region"() ({
      %run_scoped3A = tpu.sem_alloc : memref<!tpu.dma_semaphore, #tpu.memory_space<semaphore_mem>>
      %dma_start3A_69 = arith.constant 0 : i32
      %dma_start3A_70 = tpu.memref_slice %arg12[%add3A_30, %dma_start3A_69] : memref<10000x128xf32, #tpu.memory_space<vmem_shared>> -> memref<104x128xf32, #tpu.memory_space<vmem_shared>>
      %dma_start3A_71 = arith.constant 0 : i32
      %dma_start3A_72 = tpu.memref_slice %arg12[%add3A_30, %dma_start3A_71] : memref<10000x128xf32, #tpu.memory_space<vmem_shared>> -> memref<104x128xf32, #tpu.memory_space<vmem_shared>>
      tpu.enqueue_dma source(%arg10 : memref<104x128xf32, #tpu.memory_space<vmem>>) target(%dma_start3A_72 : memref<104x128xf32, #tpu.memory_space<vmem_shared>>) target_semaphore(%run_scoped3A : memref<!tpu.dma_semaphore, #tpu.memory_space<semaphore_mem>>)
      %dma_wait3A_73 = arith.constant 0 : i32
      %dma_wait3A_74 = tpu.memref_slice %arg12[%add3A_30, %dma_wait3A_73] : memref<10000x128xf32, #tpu.memory_space<vmem_shared>> -> memref<104x128xf32, #tpu.memory_space<vmem_shared>>
      %dma_wait3A_75 = arith.constant 0 : i32
      %dma_wait3A_76 = tpu.memref_slice %arg12[%add3A_30, %dma_wait3A_75] : memref<10000x128xf32, #tpu.memory_space<vmem_shared>> -> memref<104x128xf32, #tpu.memory_space<vmem_shared>>
      tpu.wait_dma2 semaphore(%run_scoped3A : memref<!tpu.dma_semaphore, #tpu.memory_space<semaphore_mem>>) src(%arg10 : memref<104x128xf32, #tpu.memory_space<vmem>>) dst(%dma_wait3A_76 : memref<104x128xf32, #tpu.memory_space<vmem_shared>>)
      tpu.yield
    }) : () -> ()
    %mul3A_31 = arith.constant 625 : i32
    %mul3A_32 = arith.muli %arg1, %mul3A_31 : i32
    %add3A_33 = arith.constant 624 : i32
    %add3A_34 = arith.addi %mul3A_32, %add3A_33 : i32
    "tpu.region"() ({
      %run_scoped3A = tpu.sem_alloc : memref<!tpu.dma_semaphore, #tpu.memory_space<semaphore_mem>>
      %dma_start3A_69 = arith.constant 0 : i32
      %dma_start3A_70 = arith.constant 0 : i32
      %dma_start3A_71 = tpu.memref_slice %arg10[%dma_start3A_69, %dma_start3A_70] : memref<104x128xf32, #tpu.memory_space<vmem>> -> memref<1x128xf32, #tpu.memory_space<vmem>>
      %dma_start3A_72 = arith.constant 0 : i32
      %dma_start3A_73 = tpu.memref_slice %arg12[%add3A_34, %dma_start3A_72] : memref<10000x128xf32, #tpu.memory_space<vmem_shared>> -> memref<1x128xf32, #tpu.memory_space<vmem_shared>>
      %dma_start3A_74 = arith.constant 0 : i32
      %dma_start3A_75 = tpu.memref_slice %arg12[%add3A_34, %dma_start3A_74] : memref<10000x128xf32, #tpu.memory_space<vmem_shared>> -> memref<1x128xf32, #tpu.memory_space<vmem_shared>>
      %dma_start3A_76 = arith.constant 0 : i32
      %dma_start3A_77 = arith.constant 0 : i32
      %dma_start3A_78 = tpu.memref_slice %arg10[%dma_start3A_76, %dma_start3A_77] : memref<104x128xf32, #tpu.memory_space<vmem>> -> memref<1x128xf32, #tpu.memory_space<vmem>>
      tpu.enqueue_dma source(%dma_start3A_78 : memref<1x128xf32, #tpu.memory_space<vmem>>) target(%dma_start3A_75 : memref<1x128xf32, #tpu.memory_space<vmem_shared>>) target_semaphore(%run_scoped3A : memref<!tpu.dma_semaphore, #tpu.memory_space<semaphore_mem>>)
      %dma_wait3A_79 = arith.constant 0 : i32
      %dma_wait3A_80 = arith.constant 0 : i32
      %dma_wait3A_81 = tpu.memref_slice %arg10[%dma_wait3A_79, %dma_wait3A_80] : memref<104x128xf32, #tpu.memory_space<vmem>> -> memref<1x128xf32, #tpu.memory_space<vmem>>
      %dma_wait3A_82 = arith.constant 0 : i32
      %dma_wait3A_83 = tpu.memref_slice %arg12[%add3A_34, %dma_wait3A_82] : memref<10000x128xf32, #tpu.memory_space<vmem_shared>> -> memref<1x128xf32, #tpu.memory_space<vmem_shared>>
      %dma_wait3A_84 = arith.constant 0 : i32
      %dma_wait3A_85 = tpu.memref_slice %arg12[%add3A_34, %dma_wait3A_84] : memref<10000x128xf32, #tpu.memory_space<vmem_shared>> -> memref<1x128xf32, #tpu.memory_space<vmem_shared>>
      %dma_wait3A_86 = arith.constant 0 : i32
      %dma_wait3A_87 = arith.constant 0 : i32
      %dma_wait3A_88 = tpu.memref_slice %arg10[%dma_wait3A_86, %dma_wait3A_87] : memref<104x128xf32, #tpu.memory_space<vmem>> -> memref<1x128xf32, #tpu.memory_space<vmem>>
      tpu.wait_dma2 semaphore(%run_scoped3A : memref<!tpu.dma_semaphore, #tpu.memory_space<semaphore_mem>>) src(%dma_wait3A_88 : memref<1x128xf32, #tpu.memory_space<vmem>>) dst(%dma_wait3A_85 : memref<1x128xf32, #tpu.memory_space<vmem_shared>>)
      tpu.yield
    }) : () -> ()
    %barrier3A = arith.constant 0 : index
    tpu.barrier barrier_id(%barrier3A)
    %mul3A_35 = arith.constant 10000 : i32
    %mul3A_36 = arith.muli %add3A, %mul3A_35 : i32
    "tpu.region"() ({
      %run_scoped3A = tpu.sem_alloc : memref<!tpu.dma_semaphore, #tpu.memory_space<semaphore_mem>>
      %dma_start3A_69 = tpu.memref_slice %arg3[%mul3A_36] : memref<320000xi32, #tpu.memory_space<hbm>> -> memref<10000xi32, #tpu.memory_space<hbm>>
      %dma_start3A_70 = tpu.memref_slice %arg3[%mul3A_36] : memref<320000xi32, #tpu.memory_space<hbm>> -> memref<10000xi32, #tpu.memory_space<hbm>>
      tpu.enqueue_dma source(%dma_start3A_70 : memref<10000xi32, #tpu.memory_space<hbm>>) target(%arg7 : memref<10000xi32, #tpu.memory_space<vmem>>) target_semaphore(%run_scoped3A : memref<!tpu.dma_semaphore, #tpu.memory_space<semaphore_mem>>)
      %dma_wait3A_71 = tpu.memref_slice %arg3[%mul3A_36] : memref<320000xi32, #tpu.memory_space<hbm>> -> memref<10000xi32, #tpu.memory_space<hbm>>
      %dma_wait3A_72 = tpu.memref_slice %arg3[%mul3A_36] : memref<320000xi32, #tpu.memory_space<hbm>> -> memref<10000xi32, #tpu.memory_space<hbm>>
      tpu.wait_dma2 semaphore(%run_scoped3A : memref<!tpu.dma_semaphore, #tpu.memory_space<semaphore_mem>>) src(%dma_wait3A_72 : memref<10000xi32, #tpu.memory_space<hbm>>) dst(%arg7 : memref<10000xi32, #tpu.memory_space<vmem>>)
      tpu.yield
    }) : () -> ()
    "tpu.region"() ({
      %run_scoped3A = tpu.sem_alloc : memref<!tpu.dma_semaphore, #tpu.memory_space<semaphore_mem>>
      %dma_start3A_69 = arith.constant 0 : i32
      %dma_start3A_70 = arith.constant 0 : i32
      %dma_start3A_71 = tpu.memref_slice %arg4[%add3A, %dma_start3A_69, %dma_start3A_70] : memref<32x96x104xi32, #tpu.memory_space<hbm>> -> memref<1x96x104xi32, #tpu.memory_space<hbm>>
      %dma_start3A_72 = tpu.memref_squeeze %dma_start3A_71 : memref<1x96x104xi32, #tpu.memory_space<hbm>> -> memref<96x104xi32, #tpu.memory_space<hbm>>
      %dma_start3A_73 = arith.constant 0 : i32
      %dma_start3A_74 = arith.constant 0 : i32
      %dma_start3A_75 = tpu.memref_slice %arg4[%add3A, %dma_start3A_73, %dma_start3A_74] : memref<32x96x104xi32, #tpu.memory_space<hbm>> -> memref<1x96x104xi32, #tpu.memory_space<hbm>>
      %dma_start3A_76 = tpu.memref_squeeze %dma_start3A_75 : memref<1x96x104xi32, #tpu.memory_space<hbm>> -> memref<96x104xi32, #tpu.memory_space<hbm>>
      tpu.enqueue_dma source(%dma_start3A_76 : memref<96x104xi32, #tpu.memory_space<hbm>>) target(%arg8 : memref<96x104xi32, #tpu.memory_space<vmem>>) target_semaphore(%run_scoped3A : memref<!tpu.dma_semaphore, #tpu.memory_space<semaphore_mem>>)
      %dma_wait3A_77 = arith.constant 0 : i32
      %dma_wait3A_78 = arith.constant 0 : i32
      %dma_wait3A_79 = tpu.memref_slice %arg4[%add3A, %dma_wait3A_77, %dma_wait3A_78] : memref<32x96x104xi32, #tpu.memory_space<hbm>> -> memref<1x96x104xi32, #tpu.memory_space<hbm>>
      %dma_wait3A_80 = tpu.memref_squeeze %dma_wait3A_79 : memref<1x96x104xi32, #tpu.memory_space<hbm>> -> memref<96x104xi32, #tpu.memory_space<hbm>>
      %dma_wait3A_81 = arith.constant 0 : i32
      %dma_wait3A_82 = arith.constant 0 : i32
      %dma_wait3A_83 = tpu.memref_slice %arg4[%add3A, %dma_wait3A_81, %dma_wait3A_82] : memref<32x96x104xi32, #tpu.memory_space<hbm>> -> memref<1x96x104xi32, #tpu.memory_space<hbm>>
      %dma_wait3A_84 = tpu.memref_squeeze %dma_wait3A_83 : memref<1x96x104xi32, #tpu.memory_space<hbm>> -> memref<96x104xi32, #tpu.memory_space<hbm>>
      tpu.wait_dma2 semaphore(%run_scoped3A : memref<!tpu.dma_semaphore, #tpu.memory_space<semaphore_mem>>) src(%dma_wait3A_84 : memref<96x104xi32, #tpu.memory_space<hbm>>) dst(%arg8 : memref<96x104xi32, #tpu.memory_space<vmem>>)
      tpu.yield
    }) : () -> ()
    %mul3A_37 = arith.constant 10000 : i32
    %mul3A_38 = arith.muli %add3A, %mul3A_37 : i32
    %add3A_39 = arith.constant 9984 : i32
    %add3A_40 = arith.addi %mul3A_38, %add3A_39 : i32
    "tpu.region"() ({
      %run_scoped3A = tpu.sem_alloc : memref<!tpu.dma_semaphore, #tpu.memory_space<semaphore_mem>>
      %dma_start3A_69 = tpu.memref_slice %arg5[%add3A_40] : memref<320000xi32, #tpu.memory_space<hbm>> -> memref<16xi32, #tpu.memory_space<hbm>>
      %dma_start3A_70 = tpu.memref_slice %arg5[%add3A_40] : memref<320000xi32, #tpu.memory_space<hbm>> -> memref<16xi32, #tpu.memory_space<hbm>>
      tpu.enqueue_dma source(%dma_start3A_70 : memref<16xi32, #tpu.memory_space<hbm>>) target(%arg9 : memref<16xi32, #tpu.memory_space<vmem>>) target_semaphore(%run_scoped3A : memref<!tpu.dma_semaphore, #tpu.memory_space<semaphore_mem>>)
      %dma_wait3A_71 = tpu.memref_slice %arg5[%add3A_40] : memref<320000xi32, #tpu.memory_space<hbm>> -> memref<16xi32, #tpu.memory_space<hbm>>
      %dma_wait3A_72 = tpu.memref_slice %arg5[%add3A_40] : memref<320000xi32, #tpu.memory_space<hbm>> -> memref<16xi32, #tpu.memory_space<hbm>>
      tpu.wait_dma2 semaphore(%run_scoped3A : memref<!tpu.dma_semaphore, #tpu.memory_space<semaphore_mem>>) src(%dma_wait3A_72 : memref<16xi32, #tpu.memory_space<hbm>>) dst(%arg9 : memref<16xi32, #tpu.memory_space<vmem>>)
      tpu.yield
    }) : () -> ()
    %dma_start3A = arith.constant 0 : i32
    %dma_start3A_41 = arith.constant 0 : i32
    %dma_start3A_42 = tpu.memref_slice %arg10[%dma_start3A, %dma_start3A_41] : memref<104x128xf32, #tpu.memory_space<vmem>> -> memref<16x128xf32, #tpu.memory_space<vmem>>
    %dma_start3A_43 = arith.constant 9984 : i32
    %dma_start3A_44 = tpu.memref_slice %arg7[%dma_start3A_43] : memref<10000xi32, #tpu.memory_space<vmem>> -> memref<16xi32, #tpu.memory_space<vmem>>
    %dma_start3A_45 = arith.constant 0 : i32
    %dma_start3A_46 = arith.constant 0 : i32
    %dma_start3A_47 = tpu.memref_slice %arg2[%dma_start3A_45, %dma_start3A_46] : memref<10000x128xf32, #tpu.memory_space<hbm>> -> memref<10000x128xf32, #tpu.memory_space<hbm>>
    tpu.enqueue_indirect_dma source(%dma_start3A_47 : memref<10000x128xf32, #tpu.memory_space<hbm>>) target(%dma_start3A_42 : memref<16x128xf32, #tpu.memory_space<vmem>>) offsets(%dma_start3A_44 : memref<16xi32, #tpu.memory_space<vmem>>) semaphore(%arg13 : memref<!tpu.dma_semaphore, #tpu.memory_space<semaphore_mem>>)
    %dma_wait3A = arith.constant 0 : i32
    %dma_wait3A_48 = arith.constant 0 : i32
    %dma_wait3A_49 = tpu.memref_slice %arg10[%dma_wait3A, %dma_wait3A_48] : memref<104x128xf32, #tpu.memory_space<vmem>> -> memref<16x128xf32, #tpu.memory_space<vmem>>
    %dma_wait3A_50 = arith.constant 9984 : i32
    %dma_wait3A_51 = tpu.memref_slice %arg7[%dma_wait3A_50] : memref<10000xi32, #tpu.memory_space<vmem>> -> memref<16xi32, #tpu.memory_space<vmem>>
    %dma_wait3A_52 = arith.constant 0 : i32
    %dma_wait3A_53 = arith.constant 0 : i32
    %dma_wait3A_54 = tpu.memref_slice %arg2[%dma_wait3A_52, %dma_wait3A_53] : memref<10000x128xf32, #tpu.memory_space<hbm>> -> memref<10000x128xf32, #tpu.memory_space<hbm>>
    tpu.wait_indirect_dma semaphore(%arg13 : memref<!tpu.dma_semaphore, #tpu.memory_space<semaphore_mem>>) src(%dma_wait3A_54 : memref<10000x128xf32, #tpu.memory_space<hbm>>) dst(%dma_wait3A_49 : memref<16x128xf32, #tpu.memory_space<vmem>>)
    "tpu.region"() ({
      %run_scoped3A = tpu.sem_alloc : memref<!tpu.dma_semaphore, #tpu.memory_space<semaphore_mem>>
      %dma_start3A_69 = arith.constant 0 : i32
      %dma_start3A_70 = arith.constant 0 : i32
      %dma_start3A_71 = tpu.memref_slice %arg10[%dma_start3A_69, %dma_start3A_70] : memref<104x128xf32, #tpu.memory_space<vmem>> -> memref<16x128xf32, #tpu.memory_space<vmem>>
      %dma_start3A_72 = arith.constant 0 : i32
      %dma_start3A_73 = arith.constant 0 : i32
      %dma_start3A_74 = tpu.memref_slice %arg12[%dma_start3A_72, %dma_start3A_73] : memref<10000x128xf32, #tpu.memory_space<vmem_shared>> -> memref<10000x128xf32, #tpu.memory_space<vmem_shared>>
      tpu.enqueue_indirect_dma source(%dma_start3A_71 : memref<16x128xf32, #tpu.memory_space<vmem>>) target(%dma_start3A_74 : memref<10000x128xf32, #tpu.memory_space<vmem_shared>>) offsets(%arg9 : memref<16xi32, #tpu.memory_space<vmem>>) semaphore(%run_scoped3A : memref<!tpu.dma_semaphore, #tpu.memory_space<semaphore_mem>>) {add = true}
      %dma_wait3A_75 = arith.constant 0 : i32
      %dma_wait3A_76 = arith.constant 0 : i32
      %dma_wait3A_77 = tpu.memref_slice %arg10[%dma_wait3A_75, %dma_wait3A_76] : memref<104x128xf32, #tpu.memory_space<vmem>> -> memref<16x128xf32, #tpu.memory_space<vmem>>
      %dma_wait3A_78 = arith.constant 0 : i32
      %dma_wait3A_79 = arith.constant 0 : i32
      %dma_wait3A_80 = tpu.memref_slice %arg12[%dma_wait3A_78, %dma_wait3A_79] : memref<10000x128xf32, #tpu.memory_space<vmem_shared>> -> memref<10000x128xf32, #tpu.memory_space<vmem_shared>>
      tpu.wait_indirect_dma semaphore(%run_scoped3A : memref<!tpu.dma_semaphore, #tpu.memory_space<semaphore_mem>>) src(%dma_wait3A_77 : memref<16x128xf32, #tpu.memory_space<vmem>>) dst(%dma_wait3A_80 : memref<10000x128xf32, #tpu.memory_space<vmem_shared>>)
      tpu.yield
    }) : () -> ()
    %dma_start3A_55 = arith.constant 0 : i32
    %dma_start3A_56 = tpu.memref_slice %arg7[%dma_start3A_55] : memref<10000xi32, #tpu.memory_space<vmem>> -> memref<104xi32, #tpu.memory_space<vmem>>
    %dma_start3A_57 = arith.constant 0 : i32
    %dma_start3A_58 = arith.constant 0 : i32
    %dma_start3A_59 = tpu.memref_slice %arg2[%dma_start3A_57, %dma_start3A_58] : memref<10000x128xf32, #tpu.memory_space<hbm>> -> memref<10000x128xf32, #tpu.memory_space<hbm>>
    tpu.enqueue_indirect_dma source(%dma_start3A_59 : memref<10000x128xf32, #tpu.memory_space<hbm>>) target(%arg10 : memref<104x128xf32, #tpu.memory_space<vmem>>) offsets(%dma_start3A_56 : memref<104xi32, #tpu.memory_space<vmem>>) semaphore(%arg13 : memref<!tpu.dma_semaphore, #tpu.memory_space<semaphore_mem>>)
    %scan3A_60 = arith.constant 0 : i32
    %scan3A_61 = arith.constant 0 : i32
    %scan3A_62 = arith.constant 96 : i32
    %scan3A_63 = arith.addi %scan3A_61, %scan3A_62 : i32
    %scan3A_64 = arith.constant 1 : i32
    scf.for %scan3A_69 = %scan3A_61 to %scan3A_63 step %scan3A_64  : i32 {
      %jit3A = arith.constant 2 : i32
      %eq3A = arith.constant 0 : i32
      %eq3A_70 = arith.cmpi eq, %jit3A, %eq3A : i32
      %jit3A_71 = arith.constant 1 : i32
      %select_n3A = arith.select %eq3A_70, %jit3A_71, %jit3A : i32
      %rem3A = arith.remsi %scan3A_69, %select_n3A : i32
      %ne3A = arith.constant 0 : i32
      %ne3A_72 = arith.cmpi ne, %rem3A, %ne3A : i32
      %lt3A = arith.constant 0 : i32
      %lt3A_73 = arith.cmpi slt, %rem3A, %lt3A : i32
      %lt3A_74 = arith.constant 0 : i32
      %lt3A_75 = arith.cmpi slt, %select_n3A, %lt3A_74 : i32
      %ne3A_76 = arith.xori %lt3A_73, %lt3A_75 : i1
      %and3A = arith.andi %ne3A_76, %ne3A_72 : i1
      %add3A_77 = arith.addi %rem3A, %select_n3A : i32
      %select_n3A_78 = arith.select %and3A, %add3A_77, %rem3A : i32
      %eq3A_79 = arith.constant 0 : i32
      %eq3A_80 = arith.cmpi eq, %select_n3A_78, %eq3A_79 : i32
      %convert_element_type3A = arith.extui %eq3A_80 : i1 to i32
      %cond3A = arith.constant 0 : i32
      %cond3A_81 = arith.cmpi ne, %convert_element_type3A, %cond3A : i32
      scf.if %cond3A_81 {
        %mul3A_103 = arith.constant 104 : i32
        %mul3A_104 = arith.muli %scan3A_69, %mul3A_103 : i32
        %dma_wait3A_105 = tpu.memref_slice %arg7[%mul3A_104] : memref<10000xi32, #tpu.memory_space<vmem>> -> memref<104xi32, #tpu.memory_space<vmem>>
        %dma_wait3A_106 = arith.constant 0 : i32
        %dma_wait3A_107 = arith.constant 0 : i32
        %dma_wait3A_108 = tpu.memref_slice %arg2[%dma_wait3A_106, %dma_wait3A_107] : memref<10000x128xf32, #tpu.memory_space<hbm>> -> memref<10000x128xf32, #tpu.memory_space<hbm>>
        tpu.wait_indirect_dma semaphore(%arg13 : memref<!tpu.dma_semaphore, #tpu.memory_space<semaphore_mem>>) src(%dma_wait3A_108 : memref<10000x128xf32, #tpu.memory_space<hbm>>) dst(%arg10 : memref<104x128xf32, #tpu.memory_space<vmem>>)
        %add3A_109 = arith.constant 1 : i32
        %add3A_110 = arith.addi %scan3A_69, %add3A_109 : i32
        %lt3A_111 = arith.constant 96 : i32
        %lt3A_112 = arith.cmpi slt, %add3A_110, %lt3A_111 : i32
        %convert_element_type3A_113 = arith.extui %lt3A_112 : i1 to i32
        %cond3A_114 = arith.constant 0 : i32
        %cond3A_115 = arith.cmpi ne, %convert_element_type3A_113, %cond3A_114 : i32
        scf.if %cond3A_115 {
          %add3A_116 = arith.constant 1 : i32
          %add3A_117 = arith.addi %scan3A_69, %add3A_116 : i32
          %mul3A_118 = arith.constant 104 : i32
          %mul3A_119 = arith.muli %add3A_117, %mul3A_118 : i32
          %dma_start3A_120 = tpu.memref_slice %arg7[%mul3A_119] : memref<10000xi32, #tpu.memory_space<vmem>> -> memref<104xi32, #tpu.memory_space<vmem>>
          %dma_start3A_121 = arith.constant 0 : i32
          %dma_start3A_122 = arith.constant 0 : i32
          %dma_start3A_123 = tpu.memref_slice %arg2[%dma_start3A_121, %dma_start3A_122] : memref<10000x128xf32, #tpu.memory_space<hbm>> -> memref<10000x128xf32, #tpu.memory_space<hbm>>
          tpu.enqueue_indirect_dma source(%dma_start3A_123 : memref<10000x128xf32, #tpu.memory_space<hbm>>) target(%arg11 : memref<104x128xf32, #tpu.memory_space<vmem>>) offsets(%dma_start3A_120 : memref<104xi32, #tpu.memory_space<vmem>>) semaphore(%arg14 : memref<!tpu.dma_semaphore, #tpu.memory_space<semaphore_mem>>)
        } else {
        }
        "tpu.region"() ({
          %run_scoped3A = tpu.sem_alloc : memref<!tpu.dma_semaphore, #tpu.memory_space<semaphore_mem>>
          %dma_start3A_116 = arith.constant 0 : i32
          %dma_start3A_117 = tpu.memref_slice %arg8[%scan3A_69, %dma_start3A_116] : memref<96x104xi32, #tpu.memory_space<vmem>> -> memref<1x104xi32, #tpu.memory_space<vmem>>
          %dma_start3A_118 = tpu.memref_squeeze %dma_start3A_117 : memref<1x104xi32, #tpu.memory_space<vmem>> -> memref<104xi32, #tpu.memory_space<vmem>>
          %dma_start3A_119 = arith.constant 0 : i32
          %dma_start3A_120 = arith.constant 0 : i32
          %dma_start3A_121 = tpu.memref_slice %arg12[%dma_start3A_119, %dma_start3A_120] : memref<10000x128xf32, #tpu.memory_space<vmem_shared>> -> memref<10000x128xf32, #tpu.memory_space<vmem_shared>>
          tpu.enqueue_indirect_dma source(%arg10 : memref<104x128xf32, #tpu.memory_space<vmem>>) target(%dma_start3A_121 : memref<10000x128xf32, #tpu.memory_space<vmem_shared>>) offsets(%dma_start3A_118 : memref<104xi32, #tpu.memory_space<vmem>>) semaphore(%run_scoped3A : memref<!tpu.dma_semaphore, #tpu.memory_space<semaphore_mem>>) {add = true}
          %dma_wait3A_122 = arith.constant 0 : i32
          %dma_wait3A_123 = tpu.memref_slice %arg8[%scan3A_69, %dma_wait3A_122] : memref<96x104xi32, #tpu.memory_space<vmem>> -> memref<1x104xi32, #tpu.memory_space<vmem>>
          %dma_wait3A_124 = tpu.memref_squeeze %dma_wait3A_123 : memref<1x104xi32, #tpu.memory_space<vmem>> -> memref<104xi32, #tpu.memory_space<vmem>>
          %dma_wait3A_125 = arith.constant 0 : i32
          %dma_wait3A_126 = arith.constant 0 : i32
          %dma_wait3A_127 = tpu.memref_slice %arg12[%dma_wait3A_125, %dma_wait3A_126] : memref<10000x128xf32, #tpu.memory_space<vmem_shared>> -> memref<10000x128xf32, #tpu.memory_space<vmem_shared>>
          tpu.wait_indirect_dma semaphore(%run_scoped3A : memref<!tpu.dma_semaphore, #tpu.memory_space<semaphore_mem>>) src(%arg10 : memref<104x128xf32, #tpu.memory_space<vmem>>) dst(%dma_wait3A_127 : memref<10000x128xf32, #tpu.memory_space<vmem_shared>>)
          tpu.yield
        }) : () -> ()
      } else {
      }
      %jit3A_82 = arith.constant 2 : i32
      %eq3A_83 = arith.constant 0 : i32
      %eq3A_84 = arith.cmpi eq, %jit3A_82, %eq3A_83 : i32
      %jit3A_85 = arith.constant 1 : i32
      %select_n3A_86 = arith.select %eq3A_84, %jit3A_85, %jit3A_82 : i32
      %rem3A_87 = arith.remsi %scan3A_69, %select_n3A_86 : i32
      %ne3A_88 = arith.constant 0 : i32
      %ne3A_89 = arith.cmpi ne, %rem3A_87, %ne3A_88 : i32
      %lt3A_90 = arith.constant 0 : i32
      %lt3A_91 = arith.cmpi slt, %rem3A_87, %lt3A_90 : i32
      %lt3A_92 = arith.constant 0 : i32
      %lt3A_93 = arith.cmpi slt, %select_n3A_86, %lt3A_92 : i32
      %ne3A_94 = arith.xori %lt3A_91, %lt3A_93 : i1
      %and3A_95 = arith.andi %ne3A_94, %ne3A_89 : i1
      %add3A_96 = arith.addi %rem3A_87, %select_n3A_86 : i32
      %select_n3A_97 = arith.select %and3A_95, %add3A_96, %rem3A_87 : i32
      %eq3A_98 = arith.constant 1 : i32
      %eq3A_99 = arith.cmpi eq, %select_n3A_97, %eq3A_98 : i32
      %convert_element_type3A_100 = arith.extui %eq3A_99 : i1 to i32
      %cond3A_101 = arith.constant 0 : i32
      %cond3A_102 = arith.cmpi ne, %convert_element_type3A_100, %cond3A_101 : i32
      scf.if %cond3A_102 {
        %mul3A_103 = arith.constant 104 : i32
        %mul3A_104 = arith.muli %scan3A_69, %mul3A_103 : i32
        %dma_wait3A_105 = tpu.memref_slice %arg7[%mul3A_104] : memref<10000xi32, #tpu.memory_space<vmem>> -> memref<104xi32, #tpu.memory_space<vmem>>
        %dma_wait3A_106 = arith.constant 0 : i32
        %dma_wait3A_107 = arith.constant 0 : i32
        %dma_wait3A_108 = tpu.memref_slice %arg2[%dma_wait3A_106, %dma_wait3A_107] : memref<10000x128xf32, #tpu.memory_space<hbm>> -> memref<10000x128xf32, #tpu.memory_space<hbm>>
        tpu.wait_indirect_dma semaphore(%arg14 : memref<!tpu.dma_semaphore, #tpu.memory_space<semaphore_mem>>) src(%dma_wait3A_108 : memref<10000x128xf32, #tpu.memory_space<hbm>>) dst(%arg11 : memref<104x128xf32, #tpu.memory_space<vmem>>)
        %add3A_109 = arith.constant 1 : i32
        %add3A_110 = arith.addi %scan3A_69, %add3A_109 : i32
        %lt3A_111 = arith.constant 96 : i32
        %lt3A_112 = arith.cmpi slt, %add3A_110, %lt3A_111 : i32
        %convert_element_type3A_113 = arith.extui %lt3A_112 : i1 to i32
        %cond3A_114 = arith.constant 0 : i32
        %cond3A_115 = arith.cmpi ne, %convert_element_type3A_113, %cond3A_114 : i32
        scf.if %cond3A_115 {
          %add3A_116 = arith.constant 1 : i32
          %add3A_117 = arith.addi %scan3A_69, %add3A_116 : i32
          %mul3A_118 = arith.constant 104 : i32
          %mul3A_119 = arith.muli %add3A_117, %mul3A_118 : i32
          %dma_start3A_120 = tpu.memref_slice %arg7[%mul3A_119] : memref<10000xi32, #tpu.memory_space<vmem>> -> memref<104xi32, #tpu.memory_space<vmem>>
          %dma_start3A_121 = arith.constant 0 : i32
          %dma_start3A_122 = arith.constant 0 : i32
          %dma_start3A_123 = tpu.memref_slice %arg2[%dma_start3A_121, %dma_start3A_122] : memref<10000x128xf32, #tpu.memory_space<hbm>> -> memref<10000x128xf32, #tpu.memory_space<hbm>>
          tpu.enqueue_indirect_dma source(%dma_start3A_123 : memref<10000x128xf32, #tpu.memory_space<hbm>>) target(%arg10 : memref<104x128xf32, #tpu.memory_space<vmem>>) offsets(%dma_start3A_120 : memref<104xi32, #tpu.memory_space<vmem>>) semaphore(%arg13 : memref<!tpu.dma_semaphore, #tpu.memory_space<semaphore_mem>>)
        } else {
        }
        "tpu.region"() ({
          %run_scoped3A = tpu.sem_alloc : memref<!tpu.dma_semaphore, #tpu.memory_space<semaphore_mem>>
          %dma_start3A_116 = arith.constant 0 : i32
          %dma_start3A_117 = tpu.memref_slice %arg8[%scan3A_69, %dma_start3A_116] : memref<96x104xi32, #tpu.memory_space<vmem>> -> memref<1x104xi32, #tpu.memory_space<vmem>>
          %dma_start3A_118 = tpu.memref_squeeze %dma_start3A_117 : memref<1x104xi32, #tpu.memory_space<vmem>> -> memref<104xi32, #tpu.memory_space<vmem>>
          %dma_start3A_119 = arith.constant 0 : i32
          %dma_start3A_120 = arith.constant 0 : i32
          %dma_start3A_121 = tpu.memref_slice %arg12[%dma_start3A_119, %dma_start3A_120] : memref<10000x128xf32, #tpu.memory_space<vmem_shared>> -> memref<10000x128xf32, #tpu.memory_space<vmem_shared>>
          tpu.enqueue_indirect_dma source(%arg11 : memref<104x128xf32, #tpu.memory_space<vmem>>) target(%dma_start3A_121 : memref<10000x128xf32, #tpu.memory_space<vmem_shared>>) offsets(%dma_start3A_118 : memref<104xi32, #tpu.memory_space<vmem>>) semaphore(%run_scoped3A : memref<!tpu.dma_semaphore, #tpu.memory_space<semaphore_mem>>) {add = true}
          %dma_wait3A_122 = arith.constant 0 : i32
          %dma_wait3A_123 = tpu.memref_slice %arg8[%scan3A_69, %dma_wait3A_122] : memref<96x104xi32, #tpu.memory_space<vmem>> -> memref<1x104xi32, #tpu.memory_space<vmem>>
          %dma_wait3A_124 = tpu.memref_squeeze %dma_wait3A_123 : memref<1x104xi32, #tpu.memory_space<vmem>> -> memref<104xi32, #tpu.memory_space<vmem>>
          %dma_wait3A_125 = arith.constant 0 : i32
          %dma_wait3A_126 = arith.constant 0 : i32
          %dma_wait3A_127 = tpu.memref_slice %arg12[%dma_wait3A_125, %dma_wait3A_126] : memref<10000x128xf32, #tpu.memory_space<vmem_shared>> -> memref<10000x128xf32, #tpu.memory_space<vmem_shared>>
          tpu.wait_indirect_dma semaphore(%run_scoped3A : memref<!tpu.dma_semaphore, #tpu.memory_space<semaphore_mem>>) src(%arg11 : memref<104x128xf32, #tpu.memory_space<vmem>>) dst(%dma_wait3A_127 : memref<10000x128xf32, #tpu.memory_space<vmem_shared>>)
          tpu.yield
        }) : () -> ()
      } else {
      }
    }
    %scan3A_65 = arith.constant 96 : i32
    %barrier3A_66 = arith.constant 0 : index
    tpu.barrier barrier_id(%barrier3A_66)
    %mul3A_67 = arith.constant 625 : i32
    %mul3A_68 = arith.muli %arg1, %mul3A_67 : i32
    "tpu.region"() ({
      %run_scoped3A = tpu.sem_alloc : memref<!tpu.dma_semaphore, #tpu.memory_space<semaphore_mem>>
      %dma_start3A_69 = arith.constant 0 : i32
      %dma_start3A_70 = arith.constant 0 : i32
      %dma_start3A_71 = tpu.memref_slice %arg6[%arg0, %arg1, %dma_start3A_69, %dma_start3A_70] : memref<2x16x625x128xf32, #tpu.memory_space<hbm>> -> memref<1x1x625x128xf32, #tpu.memory_space<hbm>>
      %dma_start3A_72 = tpu.memref_squeeze %dma_start3A_71 : memref<1x1x625x128xf32, #tpu.memory_space<hbm>> -> memref<625x128xf32, #tpu.memory_space<hbm>>
      %dma_start3A_73 = arith.constant 0 : i32
      %dma_start3A_74 = tpu.memref_slice %arg12[%mul3A_68, %dma_start3A_73] : memref<10000x128xf32, #tpu.memory_space<vmem_shared>> -> memref<625x128xf32, #tpu.memory_space<vmem_shared>>
      tpu.enqueue_dma source(%dma_start3A_74 : memref<625x128xf32, #tpu.memory_space<vmem_shared>>) target(%dma_start3A_72 : memref<625x128xf32, #tpu.memory_space<hbm>>) target_semaphore(%run_scoped3A : memref<!tpu.dma_semaphore, #tpu.memory_space<semaphore_mem>>)
      %dma_wait3A_75 = arith.constant 0 : i32
      %dma_wait3A_76 = arith.constant 0 : i32
      %dma_wait3A_77 = tpu.memref_slice %arg6[%arg0, %arg1, %dma_wait3A_75, %dma_wait3A_76] : memref<2x16x625x128xf32, #tpu.memory_space<hbm>> -> memref<1x1x625x128xf32, #tpu.memory_space<hbm>>
      %dma_wait3A_78 = tpu.memref_squeeze %dma_wait3A_77 : memref<1x1x625x128xf32, #tpu.memory_space<hbm>> -> memref<625x128xf32, #tpu.memory_space<hbm>>
      %dma_wait3A_79 = arith.constant 0 : i32
      %dma_wait3A_80 = tpu.memref_slice %arg12[%mul3A_68, %dma_wait3A_79] : memref<10000x128xf32, #tpu.memory_space<vmem_shared>> -> memref<625x128xf32, #tpu.memory_space<vmem_shared>>
      tpu.wait_dma2 semaphore(%run_scoped3A : memref<!tpu.dma_semaphore, #tpu.memory_space<semaphore_mem>>) src(%dma_wait3A_80 : memref<625x128xf32, #tpu.memory_space<vmem_shared>>) dst(%dma_wait3A_78 : memref<625x128xf32, #tpu.memory_space<hbm>>)
      tpu.yield
    }) : () -> ()
    return
  }
}

#map = affine_map<(d0, d1) -> (0, 0)>
#map1 = affine_map<(d0, d1) -> (0)>
#map2 = affine_map<(d0, d1) -> (0, 0, 0)>
#map3 = affine_map<(d0, d1) -> (0, 0, 0, 0)>
module attributes {stable_mosaic.version = 14 : i64} {
  func.func @_prop_kernel(%arg0: i32, %arg1: i32, %arg2: memref<10000x128xf32, #tpu.memory_space<hbm>>, %arg3: memref<320000xi32, #tpu.memory_space<hbm>>, %arg4: memref<32x96x104xi32, #tpu.memory_space<hbm>>, %arg5: memref<320000xi32, #tpu.memory_space<hbm>>, %arg6: memref<2x16x625x128xf32, #tpu.memory_space<hbm>>, %arg7: memref<10000xi32, #tpu.memory_space<vmem>>, %arg8: memref<96x104xi32, #tpu.memory_space<vmem>>, %arg9: memref<16xi32, #tpu.memory_space<vmem>>, %arg10: memref<104x128xf32, #tpu.memory_space<vmem>>, %arg11: memref<104x128xf32, #tpu.memory_space<vmem>>, %arg12: memref<10000x128xf32, #tpu.memory_space<vmem_shared>>, %arg13: memref<!tpu.dma_semaphore, #tpu.memory_space<semaphore_mem>>, %arg14: memref<!tpu.dma_semaphore, #tpu.memory_space<semaphore_mem>>) attributes {dimension_semantics = [#tpu.dimension_semantics<core_parallel>, #tpu.dimension_semantics<subcore_parallel>], iteration_bounds = array<i64: 2, 16>, scalar_prefetch = 0 : i64, scratch_operands = 8 : i64, tpu.core_type = #tpu.core_type<sc_vector_subcore>, window_params = [{transform_indices = #map}, {transform_indices = #map1}, {transform_indices = #map2}, {transform_indices = #map1}, {transform_indices = #map3}]} {
    %mul3A = arith.constant 16 : i32
    %mul3A_0 = arith.muli %arg0, %mul3A : i32
    %add3A = arith.addi %mul3A_0, %arg1 : i32
    %broadcast_in_dim3A = arith.constant 0.000000e+00 : f32
    %broadcast_in_dim3A_1 = vector.broadcast %broadcast_in_dim3A : f32 to vector<16xf32>
    %scan3A = arith.constant 0 : i32
    %scan3A_2 = arith.constant 0 : i32
    %scan3A_3 = arith.constant 104 : i32
    %scan3A_4 = arith.addi %scan3A_2, %scan3A_3 : i32
    %scan3A_5 = arith.constant 1 : i32
    scf.for %scan3A_69 = %scan3A_2 to %scan3A_4 step %scan3A_5  : i32 {
      %swap3A = arith.index_cast %scan3A_69 : i32 to index
      %swap3A_70 = arith.constant 0 : index
      %swap3A_71 = tpu.vector_load %arg10[%swap3A, %swap3A_70] {strides = array<i32>} : memref<104x128xf32, #tpu.memory_space<vmem>>, vector<1x16xf32>,
      %swap3A_72 = vector.shape_cast %swap3A_71 : vector<1x16xf32> to vector<16xf32>
      %swap3A_73 = vector.shape_cast %broadcast_in_dim3A_1 : vector<16xf32> to vector<1x16xf32>
      tpu.vector_store %arg10[%swap3A, %swap3A_70], %swap3A_73 {strides = array<i32>} : memref<104x128xf32, #tpu.memory_space<vmem>>, vector<1x16xf32>,
      %swap3A_74 = arith.index_cast %scan3A_69 : i32 to index
      %swap3A_75 = arith.constant 16 : index
      %swap3A_76 = tpu.vector_load %arg10[%swap3A_74, %swap3A_75] {strides = array<i32>} : memref<104x128xf32, #tpu.memory_space<vmem>>, vector<1x16xf32>,
      %swap3A_77 = vector.shape_cast %swap3A_76 : vector<1x16xf32> to vector<16xf32>
      %swap3A_78 = vector.shape_cast %broadcast_in_dim3A_1 : vector<16xf32> to vector<1x16xf32>
      tpu.vector_store %arg10[%swap3A_74, %swap3A_75], %swap3A_78 {strides = array<i32>} : memref<104x128xf32, #tpu.memory_space<vmem>>, vector<1x16xf32>,
      %swap3A_79 = arith.index_cast %scan3A_69 : i32 to index
      %swap3A_80 = arith.constant 32 : index
      %swap3A_81 = tpu.vector_load %arg10[%swap3A_79, %swap3A_80] {strides = array<i32>} : memref<104x128xf32, #tpu.memory_space<vmem>>, vector<1x16xf32>,
      %swap3A_82 = vector.shape_cast %swap3A_81 : vector<1x16xf32> to vector<16xf32>
      %swap3A_83 = vector.shape_cast %broadcast_in_dim3A_1 : vector<16xf32> to vector<1x16xf32>
      tpu.vector_store %arg10[%swap3A_79, %swap3A_80], %swap3A_83 {strides = array<i32>} : memref<104x128xf32, #tpu.memory_space<vmem>>, vector<1x16xf32>,
      %swap3A_84 = arith.index_cast %scan3A_69 : i32 to index
      %swap3A_85 = arith.constant 48 : index
      %swap3A_86 = tpu.vector_load %arg10[%swap3A_84, %swap3A_85] {strides = array<i32>} : memref<104x128xf32, #tpu.memory_space<vmem>>, vector<1x16xf32>,
      %swap3A_87 = vector.shape_cast %swap3A_86 : vector<1x16xf32> to vector<16xf32>
      %swap3A_88 = vector.shape_cast %broadcast_in_dim3A_1 : vector<16xf32> to vector<1x16xf32>
      tpu.vector_store %arg10[%swap3A_84, %swap3A_85], %swap3A_88 {strides = array<i32>} : memref<104x128xf32, #tpu.memory_space<vmem>>, vector<1x16xf32>,
      %swap3A_89 = arith.index_cast %scan3A_69 : i32 to index
      %swap3A_90 = arith.constant 64 : index
      %swap3A_91 = tpu.vector_load %arg10[%swap3A_89, %swap3A_90] {strides = array<i32>} : memref<104x128xf32, #tpu.memory_space<vmem>>, vector<1x16xf32>,
      %swap3A_92 = vector.shape_cast %swap3A_91 : vector<1x16xf32> to vector<16xf32>
      %swap3A_93 = vector.shape_cast %broadcast_in_dim3A_1 : vector<16xf32> to vector<1x16xf32>
      tpu.vector_store %arg10[%swap3A_89, %swap3A_90], %swap3A_93 {strides = array<i32>} : memref<104x128xf32, #tpu.memory_space<vmem>>, vector<1x16xf32>,
      %swap3A_94 = arith.index_cast %scan3A_69 : i32 to index
      %swap3A_95 = arith.constant 80 : index
      %swap3A_96 = tpu.vector_load %arg10[%swap3A_94, %swap3A_95] {strides = array<i32>} : memref<104x128xf32, #tpu.memory_space<vmem>>, vector<1x16xf32>,
      %swap3A_97 = vector.shape_cast %swap3A_96 : vector<1x16xf32> to vector<16xf32>
      %swap3A_98 = vector.shape_cast %broadcast_in_dim3A_1 : vector<16xf32> to vector<1x16xf32>
      tpu.vector_store %arg10[%swap3A_94, %swap3A_95], %swap3A_98 {strides = array<i32>} : memref<104x128xf32, #tpu.memory_space<vmem>>, vector<1x16xf32>,
      %swap3A_99 = arith.index_cast %scan3A_69 : i32 to index
      %swap3A_100 = arith.constant 96 : index
      %swap3A_101 = tpu.vector_load %arg10[%swap3A_99, %swap3A_100] {strides = array<i32>} : memref<104x128xf32, #tpu.memory_space<vmem>>, vector<1x16xf32>,
      %swap3A_102 = vector.shape_cast %swap3A_101 : vector<1x16xf32> to vector<16xf32>
      %swap3A_103 = vector.shape_cast %broadcast_in_dim3A_1 : vector<16xf32> to vector<1x16xf32>
      tpu.vector_store %arg10[%swap3A_99, %swap3A_100], %swap3A_103 {strides = array<i32>} : memref<104x128xf32, #tpu.memory_space<vmem>>, vector<1x16xf32>,
      %swap3A_104 = arith.index_cast %scan3A_69 : i32 to index
      %swap3A_105 = arith.constant 112 : index
      %swap3A_106 = tpu.vector_load %arg10[%swap3A_104, %swap3A_105] {strides = array<i32>} : memref<104x128xf32, #tpu.memory_space<vmem>>, vector<1x16xf32>,
      %swap3A_107 = vector.shape_cast %swap3A_106 : vector<1x16xf32> to vector<16xf32>
      %swap3A_108 = vector.shape_cast %broadcast_in_dim3A_1 : vector<16xf32> to vector<1x16xf32>
      tpu.vector_store %arg10[%swap3A_104, %swap3A_105], %swap3A_108 {strides = array<i32>} : memref<104x128xf32, #tpu.memory_space<vmem>>, vector<1x16xf32>,
    }
    %scan3A_6 = arith.constant 104 : i32
    %mul3A_7 = arith.constant 625 : i32
    %mul3A_8 = arith.muli %arg1, %mul3A_7 : i32
    %add3A_9 = arith.constant 0 : i32
    %add3A_10 = arith.addi %mul3A_8, %add3A_9 : i32
    "tpu.region"() ({
      %run_scoped3A = tpu.sem_alloc : memref<!tpu.dma_semaphore, #tpu.memory_space<semaphore_mem>>
      %dma_start3A_69 = arith.constant 0 : i32
      %dma_start3A_70 = tpu.memref_slice %arg12[%add3A_10, %dma_start3A_69] : memref<10000x128xf32, #tpu.memory_space<vmem_shared>> -> memref<104x128xf32, #tpu.memory_space<vmem_shared>>
      %dma_start3A_71 = arith.constant 0 : i32
      %dma_start3A_72 = tpu.memref_slice %arg12[%add3A_10, %dma_start3A_71] : memref<10000x128xf32, #tpu.memory_space<vmem_shared>> -> memref<104x128xf32, #tpu.memory_space<vmem_shared>>
      tpu.enqueue_dma source(%arg10 : memref<104x128xf32, #tpu.memory_space<vmem>>) target(%dma_start3A_72 : memref<104x128xf32, #tpu.memory_space<vmem_shared>>) target_semaphore(%run_scoped3A : memref<!tpu.dma_semaphore, #tpu.memory_space<semaphore_mem>>)
      %dma_wait3A_73 = arith.constant 0 : i32
      %dma_wait3A_74 = tpu.memref_slice %arg12[%add3A_10, %dma_wait3A_73] : memref<10000x128xf32, #tpu.memory_space<vmem_shared>> -> memref<104x128xf32, #tpu.memory_space<vmem_shared>>
      %dma_wait3A_75 = arith.constant 0 : i32
      %dma_wait3A_76 = tpu.memref_slice %arg12[%add3A_10, %dma_wait3A_75] : memref<10000x128xf32, #tpu.memory_space<vmem_shared>> -> memref<104x128xf32, #tpu.memory_space<vmem_shared>>
      tpu.wait_dma2 semaphore(%run_scoped3A : memref<!tpu.dma_semaphore, #tpu.memory_space<semaphore_mem>>) src(%arg10 : memref<104x128xf32, #tpu.memory_space<vmem>>) dst(%dma_wait3A_76 : memref<104x128xf32, #tpu.memory_space<vmem_shared>>)
      tpu.yield
    }) : () -> ()
    %mul3A_11 = arith.constant 625 : i32
    %mul3A_12 = arith.muli %arg1, %mul3A_11 : i32
    %add3A_13 = arith.constant 104 : i32
    %add3A_14 = arith.addi %mul3A_12, %add3A_13 : i32
    "tpu.region"() ({
      %run_scoped3A = tpu.sem_alloc : memref<!tpu.dma_semaphore, #tpu.memory_space<semaphore_mem>>
      %dma_start3A_69 = arith.constant 0 : i32
      %dma_start3A_70 = tpu.memref_slice %arg12[%add3A_14, %dma_start3A_69] : memref<10000x128xf32, #tpu.memory_space<vmem_shared>> -> memref<104x128xf32, #tpu.memory_space<vmem_shared>>
      %dma_start3A_71 = arith.constant 0 : i32
      %dma_start3A_72 = tpu.memref_slice %arg12[%add3A_14, %dma_start3A_71] : memref<10000x128xf32, #tpu.memory_space<vmem_shared>> -> memref<104x128xf32, #tpu.memory_space<vmem_shared>>
      tpu.enqueue_dma source(%arg10 : memref<104x128xf32, #tpu.memory_space<vmem>>) target(%dma_start3A_72 : memref<104x128xf32, #tpu.memory_space<vmem_shared>>) target_semaphore(%run_scoped3A : memref<!tpu.dma_semaphore, #tpu.memory_space<semaphore_mem>>)
      %dma_wait3A_73 = arith.constant 0 : i32
      %dma_wait3A_74 = tpu.memref_slice %arg12[%add3A_14, %dma_wait3A_73] : memref<10000x128xf32, #tpu.memory_space<vmem_shared>> -> memref<104x128xf32, #tpu.memory_space<vmem_shared>>
      %dma_wait3A_75 = arith.constant 0 : i32
      %dma_wait3A_76 = tpu.memref_slice %arg12[%add3A_14, %dma_wait3A_75] : memref<10000x128xf32, #tpu.memory_space<vmem_shared>> -> memref<104x128xf32, #tpu.memory_space<vmem_shared>>
      tpu.wait_dma2 semaphore(%run_scoped3A : memref<!tpu.dma_semaphore, #tpu.memory_space<semaphore_mem>>) src(%arg10 : memref<104x128xf32, #tpu.memory_space<vmem>>) dst(%dma_wait3A_76 : memref<104x128xf32, #tpu.memory_space<vmem_shared>>)
      tpu.yield
    }) : () -> ()
    %mul3A_15 = arith.constant 625 : i32
    %mul3A_16 = arith.muli %arg1, %mul3A_15 : i32
    %add3A_17 = arith.constant 208 : i32
    %add3A_18 = arith.addi %mul3A_16, %add3A_17 : i32
    "tpu.region"() ({
      %run_scoped3A = tpu.sem_alloc : memref<!tpu.dma_semaphore, #tpu.memory_space<semaphore_mem>>
      %dma_start3A_69 = arith.constant 0 : i32
      %dma_start3A_70 = tpu.memref_slice %arg12[%add3A_18, %dma_start3A_69] : memref<10000x128xf32, #tpu.memory_space<vmem_shared>> -> memref<104x128xf32, #tpu.memory_space<vmem_shared>>
      %dma_start3A_71 = arith.constant 0 : i32
      %dma_start3A_72 = tpu.memref_slice %arg12[%add3A_18, %dma_start3A_71] : memref<10000x128xf32, #tpu.memory_space<vmem_shared>> -> memref<104x128xf32, #tpu.memory_space<vmem_shared>>
      tpu.enqueue_dma source(%arg10 : memref<104x128xf32, #tpu.memory_space<vmem>>) target(%dma_start3A_72 : memref<104x128xf32, #tpu.memory_space<vmem_shared>>) target_semaphore(%run_scoped3A : memref<!tpu.dma_semaphore, #tpu.memory_space<semaphore_mem>>)
      %dma_wait3A_73 = arith.constant 0 : i32
      %dma_wait3A_74 = tpu.memref_slice %arg12[%add3A_18, %dma_wait3A_73] : memref<10000x128xf32, #tpu.memory_space<vmem_shared>> -> memref<104x128xf32, #tpu.memory_space<vmem_shared>>
      %dma_wait3A_75 = arith.constant 0 : i32
      %dma_wait3A_76 = tpu.memref_slice %arg12[%add3A_18, %dma_wait3A_75] : memref<10000x128xf32, #tpu.memory_space<vmem_shared>> -> memref<104x128xf32, #tpu.memory_space<vmem_shared>>
      tpu.wait_dma2 semaphore(%run_scoped3A : memref<!tpu.dma_semaphore, #tpu.memory_space<semaphore_mem>>) src(%arg10 : memref<104x128xf32, #tpu.memory_space<vmem>>) dst(%dma_wait3A_76 : memref<104x128xf32, #tpu.memory_space<vmem_shared>>)
      tpu.yield
    }) : () -> ()
    %mul3A_19 = arith.constant 625 : i32
    %mul3A_20 = arith.muli %arg1, %mul3A_19 : i32
    %add3A_21 = arith.constant 312 : i32
    %add3A_22 = arith.addi %mul3A_20, %add3A_21 : i32
    "tpu.region"() ({
      %run_scoped3A = tpu.sem_alloc : memref<!tpu.dma_semaphore, #tpu.memory_space<semaphore_mem>>
      %dma_start3A_69 = arith.constant 0 : i32
      %dma_start3A_70 = tpu.memref_slice %arg12[%add3A_22, %dma_start3A_69] : memref<10000x128xf32, #tpu.memory_space<vmem_shared>> -> memref<104x128xf32, #tpu.memory_space<vmem_shared>>
      %dma_start3A_71 = arith.constant 0 : i32
      %dma_start3A_72 = tpu.memref_slice %arg12[%add3A_22, %dma_start3A_71] : memref<10000x128xf32, #tpu.memory_space<vmem_shared>> -> memref<104x128xf32, #tpu.memory_space<vmem_shared>>
      tpu.enqueue_dma source(%arg10 : memref<104x128xf32, #tpu.memory_space<vmem>>) target(%dma_start3A_72 : memref<104x128xf32, #tpu.memory_space<vmem_shared>>) target_semaphore(%run_scoped3A : memref<!tpu.dma_semaphore, #tpu.memory_space<semaphore_mem>>)
      %dma_wait3A_73 = arith.constant 0 : i32
      %dma_wait3A_74 = tpu.memref_slice %arg12[%add3A_22, %dma_wait3A_73] : memref<10000x128xf32, #tpu.memory_space<vmem_shared>> -> memref<104x128xf32, #tpu.memory_space<vmem_shared>>
      %dma_wait3A_75 = arith.constant 0 : i32
      %dma_wait3A_76 = tpu.memref_slice %arg12[%add3A_22, %dma_wait3A_75] : memref<10000x128xf32, #tpu.memory_space<vmem_shared>> -> memref<104x128xf32, #tpu.memory_space<vmem_shared>>
      tpu.wait_dma2 semaphore(%run_scoped3A : memref<!tpu.dma_semaphore, #tpu.memory_space<semaphore_mem>>) src(%arg10 : memref<104x128xf32, #tpu.memory_space<vmem>>) dst(%dma_wait3A_76 : memref<104x128xf32, #tpu.memory_space<vmem_shared>>)
      tpu.yield
    }) : () -> ()
    %mul3A_23 = arith.constant 625 : i32
    %mul3A_24 = arith.muli %arg1, %mul3A_23 : i32
    %add3A_25 = arith.constant 416 : i32
    %add3A_26 = arith.addi %mul3A_24, %add3A_25 : i32
    "tpu.region"() ({
      %run_scoped3A = tpu.sem_alloc : memref<!tpu.dma_semaphore, #tpu.memory_space<semaphore_mem>>
      %dma_start3A_69 = arith.constant 0 : i32
      %dma_start3A_70 = tpu.memref_slice %arg12[%add3A_26, %dma_start3A_69] : memref<10000x128xf32, #tpu.memory_space<vmem_shared>> -> memref<104x128xf32, #tpu.memory_space<vmem_shared>>
      %dma_start3A_71 = arith.constant 0 : i32
      %dma_start3A_72 = tpu.memref_slice %arg12[%add3A_26, %dma_start3A_71] : memref<10000x128xf32, #tpu.memory_space<vmem_shared>> -> memref<104x128xf32, #tpu.memory_space<vmem_shared>>
      tpu.enqueue_dma source(%arg10 : memref<104x128xf32, #tpu.memory_space<vmem>>) target(%dma_start3A_72 : memref<104x128xf32, #tpu.memory_space<vmem_shared>>) target_semaphore(%run_scoped3A : memref<!tpu.dma_semaphore, #tpu.memory_space<semaphore_mem>>)
      %dma_wait3A_73 = arith.constant 0 : i32
      %dma_wait3A_74 = tpu.memref_slice %arg12[%add3A_26, %dma_wait3A_73] : memref<10000x128xf32, #tpu.memory_space<vmem_shared>> -> memref<104x128xf32, #tpu.memory_space<vmem_shared>>
      %dma_wait3A_75 = arith.constant 0 : i32
      %dma_wait3A_76 = tpu.memref_slice %arg12[%add3A_26, %dma_wait3A_75] : memref<10000x128xf32, #tpu.memory_space<vmem_shared>> -> memref<104x128xf32, #tpu.memory_space<vmem_shared>>
      tpu.wait_dma2 semaphore(%run_scoped3A : memref<!tpu.dma_semaphore, #tpu.memory_space<semaphore_mem>>) src(%arg10 : memref<104x128xf32, #tpu.memory_space<vmem>>) dst(%dma_wait3A_76 : memref<104x128xf32, #tpu.memory_space<vmem_shared>>)
      tpu.yield
    }) : () -> ()
    %mul3A_27 = arith.constant 625 : i32
    %mul3A_28 = arith.muli %arg1, %mul3A_27 : i32
    %add3A_29 = arith.constant 520 : i32
    %add3A_30 = arith.addi %mul3A_28, %add3A_29 : i32
    "tpu.region"() ({
      %run_scoped3A = tpu.sem_alloc : memref<!tpu.dma_semaphore, #tpu.memory_space<semaphore_mem>>
      %dma_start3A_69 = arith.constant 0 : i32
      %dma_start3A_70 = tpu.memref_slice %arg12[%add3A_30, %dma_start3A_69] : memref<10000x128xf32, #tpu.memory_space<vmem_shared>> -> memref<104x128xf32, #tpu.memory_space<vmem_shared>>
      %dma_start3A_71 = arith.constant 0 : i32
      %dma_start3A_72 = tpu.memref_slice %arg12[%add3A_30, %dma_start3A_71] : memref<10000x128xf32, #tpu.memory_space<vmem_shared>> -> memref<104x128xf32, #tpu.memory_space<vmem_shared>>
      tpu.enqueue_dma source(%arg10 : memref<104x128xf32, #tpu.memory_space<vmem>>) target(%dma_start3A_72 : memref<104x128xf32, #tpu.memory_space<vmem_shared>>) target_semaphore(%run_scoped3A : memref<!tpu.dma_semaphore, #tpu.memory_space<semaphore_mem>>)
      %dma_wait3A_73 = arith.constant 0 : i32
      %dma_wait3A_74 = tpu.memref_slice %arg12[%add3A_30, %dma_wait3A_73] : memref<10000x128xf32, #tpu.memory_space<vmem_shared>> -> memref<104x128xf32, #tpu.memory_space<vmem_shared>>
      %dma_wait3A_75 = arith.constant 0 : i32
      %dma_wait3A_76 = tpu.memref_slice %arg12[%add3A_30, %dma_wait3A_75] : memref<10000x128xf32, #tpu.memory_space<vmem_shared>> -> memref<104x128xf32, #tpu.memory_space<vmem_shared>>
      tpu.wait_dma2 semaphore(%run_scoped3A : memref<!tpu.dma_semaphore, #tpu.memory_space<semaphore_mem>>) src(%arg10 : memref<104x128xf32, #tpu.memory_space<vmem>>) dst(%dma_wait3A_76 : memref<104x128xf32, #tpu.memory_space<vmem_shared>>)
      tpu.yield
    }) : () -> ()
    %mul3A_31 = arith.constant 625 : i32
    %mul3A_32 = arith.muli %arg1, %mul3A_31 : i32
    %add3A_33 = arith.constant 624 : i32
    %add3A_34 = arith.addi %mul3A_32, %add3A_33 : i32
    "tpu.region"() ({
      %run_scoped3A = tpu.sem_alloc : memref<!tpu.dma_semaphore, #tpu.memory_space<semaphore_mem>>
      %dma_start3A_69 = arith.constant 0 : i32
      %dma_start3A_70 = arith.constant 0 : i32
      %dma_start3A_71 = tpu.memref_slice %arg10[%dma_start3A_69, %dma_start3A_70] : memref<104x128xf32, #tpu.memory_space<vmem>> -> memref<1x128xf32, #tpu.memory_space<vmem>>
      %dma_start3A_72 = arith.constant 0 : i32
      %dma_start3A_73 = tpu.memref_slice %arg12[%add3A_34, %dma_start3A_72] : memref<10000x128xf32, #tpu.memory_space<vmem_shared>> -> memref<1x128xf32, #tpu.memory_space<vmem_shared>>
      %dma_start3A_74 = arith.constant 0 : i32
      %dma_start3A_75 = tpu.memref_slice %arg12[%add3A_34, %dma_start3A_74] : memref<10000x128xf32, #tpu.memory_space<vmem_shared>> -> memref<1x128xf32, #tpu.memory_space<vmem_shared>>
      %dma_start3A_76 = arith.constant 0 : i32
      %dma_start3A_77 = arith.constant 0 : i32
      %dma_start3A_78 = tpu.memref_slice %arg10[%dma_start3A_76, %dma_start3A_77] : memref<104x128xf32, #tpu.memory_space<vmem>> -> memref<1x128xf32, #tpu.memory_space<vmem>>
      tpu.enqueue_dma source(%dma_start3A_78 : memref<1x128xf32, #tpu.memory_space<vmem>>) target(%dma_start3A_75 : memref<1x128xf32, #tpu.memory_space<vmem_shared>>) target_semaphore(%run_scoped3A : memref<!tpu.dma_semaphore, #tpu.memory_space<semaphore_mem>>)
      %dma_wait3A_79 = arith.constant 0 : i32
      %dma_wait3A_80 = arith.constant 0 : i32
      %dma_wait3A_81 = tpu.memref_slice %arg10[%dma_wait3A_79, %dma_wait3A_80] : memref<104x128xf32, #tpu.memory_space<vmem>> -> memref<1x128xf32, #tpu.memory_space<vmem>>
      %dma_wait3A_82 = arith.constant 0 : i32
      %dma_wait3A_83 = tpu.memref_slice %arg12[%add3A_34, %dma_wait3A_82] : memref<10000x128xf32, #tpu.memory_space<vmem_shared>> -> memref<1x128xf32, #tpu.memory_space<vmem_shared>>
      %dma_wait3A_84 = arith.constant 0 : i32
      %dma_wait3A_85 = tpu.memref_slice %arg12[%add3A_34, %dma_wait3A_84] : memref<10000x128xf32, #tpu.memory_space<vmem_shared>> -> memref<1x128xf32, #tpu.memory_space<vmem_shared>>
      %dma_wait3A_86 = arith.constant 0 : i32
      %dma_wait3A_87 = arith.constant 0 : i32
      %dma_wait3A_88 = tpu.memref_slice %arg10[%dma_wait3A_86, %dma_wait3A_87] : memref<104x128xf32, #tpu.memory_space<vmem>> -> memref<1x128xf32, #tpu.memory_space<vmem>>
      tpu.wait_dma2 semaphore(%run_scoped3A : memref<!tpu.dma_semaphore, #tpu.memory_space<semaphore_mem>>) src(%dma_wait3A_88 : memref<1x128xf32, #tpu.memory_space<vmem>>) dst(%dma_wait3A_85 : memref<1x128xf32, #tpu.memory_space<vmem_shared>>)
      tpu.yield
    }) : () -> ()
    %barrier3A = arith.constant 0 : index
    tpu.barrier barrier_id(%barrier3A)
    %mul3A_35 = arith.constant 10000 : i32
    %mul3A_36 = arith.muli %add3A, %mul3A_35 : i32
    "tpu.region"() ({
      %run_scoped3A = tpu.sem_alloc : memref<!tpu.dma_semaphore, #tpu.memory_space<semaphore_mem>>
      %dma_start3A_69 = tpu.memref_slice %arg3[%mul3A_36] : memref<320000xi32, #tpu.memory_space<hbm>> -> memref<10000xi32, #tpu.memory_space<hbm>>
      %dma_start3A_70 = tpu.memref_slice %arg3[%mul3A_36] : memref<320000xi32, #tpu.memory_space<hbm>> -> memref<10000xi32, #tpu.memory_space<hbm>>
      tpu.enqueue_dma source(%dma_start3A_70 : memref<10000xi32, #tpu.memory_space<hbm>>) target(%arg7 : memref<10000xi32, #tpu.memory_space<vmem>>) target_semaphore(%run_scoped3A : memref<!tpu.dma_semaphore, #tpu.memory_space<semaphore_mem>>)
      %dma_wait3A_71 = tpu.memref_slice %arg3[%mul3A_36] : memref<320000xi32, #tpu.memory_space<hbm>> -> memref<10000xi32, #tpu.memory_space<hbm>>
      %dma_wait3A_72 = tpu.memref_slice %arg3[%mul3A_36] : memref<320000xi32, #tpu.memory_space<hbm>> -> memref<10000xi32, #tpu.memory_space<hbm>>
      tpu.wait_dma2 semaphore(%run_scoped3A : memref<!tpu.dma_semaphore, #tpu.memory_space<semaphore_mem>>) src(%dma_wait3A_72 : memref<10000xi32, #tpu.memory_space<hbm>>) dst(%arg7 : memref<10000xi32, #tpu.memory_space<vmem>>)
      tpu.yield
    }) : () -> ()
    "tpu.region"() ({
      %run_scoped3A = tpu.sem_alloc : memref<!tpu.dma_semaphore, #tpu.memory_space<semaphore_mem>>
      %dma_start3A_69 = arith.constant 0 : i32
      %dma_start3A_70 = arith.constant 0 : i32
      %dma_start3A_71 = tpu.memref_slice %arg4[%add3A, %dma_start3A_69, %dma_start3A_70] : memref<32x96x104xi32, #tpu.memory_space<hbm>> -> memref<1x96x104xi32, #tpu.memory_space<hbm>>
      %dma_start3A_72 = tpu.memref_squeeze %dma_start3A_71 : memref<1x96x104xi32, #tpu.memory_space<hbm>> -> memref<96x104xi32, #tpu.memory_space<hbm>>
      %dma_start3A_73 = arith.constant 0 : i32
      %dma_start3A_74 = arith.constant 0 : i32
      %dma_start3A_75 = tpu.memref_slice %arg4[%add3A, %dma_start3A_73, %dma_start3A_74] : memref<32x96x104xi32, #tpu.memory_space<hbm>> -> memref<1x96x104xi32, #tpu.memory_space<hbm>>
      %dma_start3A_76 = tpu.memref_squeeze %dma_start3A_75 : memref<1x96x104xi32, #tpu.memory_space<hbm>> -> memref<96x104xi32, #tpu.memory_space<hbm>>
      tpu.enqueue_dma source(%dma_start3A_76 : memref<96x104xi32, #tpu.memory_space<hbm>>) target(%arg8 : memref<96x104xi32, #tpu.memory_space<vmem>>) target_semaphore(%run_scoped3A : memref<!tpu.dma_semaphore, #tpu.memory_space<semaphore_mem>>)
      %dma_wait3A_77 = arith.constant 0 : i32
      %dma_wait3A_78 = arith.constant 0 : i32
      %dma_wait3A_79 = tpu.memref_slice %arg4[%add3A, %dma_wait3A_77, %dma_wait3A_78] : memref<32x96x104xi32, #tpu.memory_space<hbm>> -> memref<1x96x104xi32, #tpu.memory_space<hbm>>
      %dma_wait3A_80 = tpu.memref_squeeze %dma_wait3A_79 : memref<1x96x104xi32, #tpu.memory_space<hbm>> -> memref<96x104xi32, #tpu.memory_space<hbm>>
      %dma_wait3A_81 = arith.constant 0 : i32
      %dma_wait3A_82 = arith.constant 0 : i32
      %dma_wait3A_83 = tpu.memref_slice %arg4[%add3A, %dma_wait3A_81, %dma_wait3A_82] : memref<32x96x104xi32, #tpu.memory_space<hbm>> -> memref<1x96x104xi32, #tpu.memory_space<hbm>>
      %dma_wait3A_84 = tpu.memref_squeeze %dma_wait3A_83 : memref<1x96x104xi32, #tpu.memory_space<hbm>> -> memref<96x104xi32, #tpu.memory_space<hbm>>
      tpu.wait_dma2 semaphore(%run_scoped3A : memref<!tpu.dma_semaphore, #tpu.memory_space<semaphore_mem>>) src(%dma_wait3A_84 : memref<96x104xi32, #tpu.memory_space<hbm>>) dst(%arg8 : memref<96x104xi32, #tpu.memory_space<vmem>>)
      tpu.yield
    }) : () -> ()
    %mul3A_37 = arith.constant 10000 : i32
    %mul3A_38 = arith.muli %add3A, %mul3A_37 : i32
    %add3A_39 = arith.constant 9984 : i32
    %add3A_40 = arith.addi %mul3A_38, %add3A_39 : i32
    "tpu.region"() ({
      %run_scoped3A = tpu.sem_alloc : memref<!tpu.dma_semaphore, #tpu.memory_space<semaphore_mem>>
      %dma_start3A_69 = tpu.memref_slice %arg5[%add3A_40] : memref<320000xi32, #tpu.memory_space<hbm>> -> memref<16xi32, #tpu.memory_space<hbm>>
      %dma_start3A_70 = tpu.memref_slice %arg5[%add3A_40] : memref<320000xi32, #tpu.memory_space<hbm>> -> memref<16xi32, #tpu.memory_space<hbm>>
      tpu.enqueue_dma source(%dma_start3A_70 : memref<16xi32, #tpu.memory_space<hbm>>) target(%arg9 : memref<16xi32, #tpu.memory_space<vmem>>) target_semaphore(%run_scoped3A : memref<!tpu.dma_semaphore, #tpu.memory_space<semaphore_mem>>)
      %dma_wait3A_71 = tpu.memref_slice %arg5[%add3A_40] : memref<320000xi32, #tpu.memory_space<hbm>> -> memref<16xi32, #tpu.memory_space<hbm>>
      %dma_wait3A_72 = tpu.memref_slice %arg5[%add3A_40] : memref<320000xi32, #tpu.memory_space<hbm>> -> memref<16xi32, #tpu.memory_space<hbm>>
      tpu.wait_dma2 semaphore(%run_scoped3A : memref<!tpu.dma_semaphore, #tpu.memory_space<semaphore_mem>>) src(%dma_wait3A_72 : memref<16xi32, #tpu.memory_space<hbm>>) dst(%arg9 : memref<16xi32, #tpu.memory_space<vmem>>)
      tpu.yield
    }) : () -> ()
    %dma_start3A = arith.constant 0 : i32
    %dma_start3A_41 = arith.constant 0 : i32
    %dma_start3A_42 = tpu.memref_slice %arg10[%dma_start3A, %dma_start3A_41] : memref<104x128xf32, #tpu.memory_space<vmem>> -> memref<16x128xf32, #tpu.memory_space<vmem>>
    %dma_start3A_43 = arith.constant 9984 : i32
    %dma_start3A_44 = tpu.memref_slice %arg7[%dma_start3A_43] : memref<10000xi32, #tpu.memory_space<vmem>> -> memref<16xi32, #tpu.memory_space<vmem>>
    %dma_start3A_45 = arith.constant 0 : i32
    %dma_start3A_46 = arith.constant 0 : i32
    %dma_start3A_47 = tpu.memref_slice %arg2[%dma_start3A_45, %dma_start3A_46] : memref<10000x128xf32, #tpu.memory_space<hbm>> -> memref<10000x128xf32, #tpu.memory_space<hbm>>
    tpu.enqueue_indirect_dma source(%dma_start3A_47 : memref<10000x128xf32, #tpu.memory_space<hbm>>) target(%dma_start3A_42 : memref<16x128xf32, #tpu.memory_space<vmem>>) offsets(%dma_start3A_44 : memref<16xi32, #tpu.memory_space<vmem>>) semaphore(%arg13 : memref<!tpu.dma_semaphore, #tpu.memory_space<semaphore_mem>>)
    %dma_wait3A = arith.constant 0 : i32
    %dma_wait3A_48 = arith.constant 0 : i32
    %dma_wait3A_49 = tpu.memref_slice %arg10[%dma_wait3A, %dma_wait3A_48] : memref<104x128xf32, #tpu.memory_space<vmem>> -> memref<16x128xf32, #tpu.memory_space<vmem>>
    %dma_wait3A_50 = arith.constant 9984 : i32
    %dma_wait3A_51 = tpu.memref_slice %arg7[%dma_wait3A_50] : memref<10000xi32, #tpu.memory_space<vmem>> -> memref<16xi32, #tpu.memory_space<vmem>>
    %dma_wait3A_52 = arith.constant 0 : i32
    %dma_wait3A_53 = arith.constant 0 : i32
    %dma_wait3A_54 = tpu.memref_slice %arg2[%dma_wait3A_52, %dma_wait3A_53] : memref<10000x128xf32, #tpu.memory_space<hbm>> -> memref<10000x128xf32, #tpu.memory_space<hbm>>
    tpu.wait_indirect_dma semaphore(%arg13 : memref<!tpu.dma_semaphore, #tpu.memory_space<semaphore_mem>>) src(%dma_wait3A_54 : memref<10000x128xf32, #tpu.memory_space<hbm>>) dst(%dma_wait3A_49 : memref<16x128xf32, #tpu.memory_space<vmem>>)
    "tpu.region"() ({
      %run_scoped3A = tpu.sem_alloc : memref<!tpu.dma_semaphore, #tpu.memory_space<semaphore_mem>>
      %dma_start3A_69 = arith.constant 0 : i32
      %dma_start3A_70 = arith.constant 0 : i32
      %dma_start3A_71 = tpu.memref_slice %arg10[%dma_start3A_69, %dma_start3A_70] : memref<104x128xf32, #tpu.memory_space<vmem>> -> memref<16x128xf32, #tpu.memory_space<vmem>>
      %dma_start3A_72 = arith.constant 0 : i32
      %dma_start3A_73 = arith.constant 0 : i32
      %dma_start3A_74 = tpu.memref_slice %arg12[%dma_start3A_72, %dma_start3A_73] : memref<10000x128xf32, #tpu.memory_space<vmem_shared>> -> memref<10000x128xf32, #tpu.memory_space<vmem_shared>>
      tpu.enqueue_indirect_dma source(%dma_start3A_71 : memref<16x128xf32, #tpu.memory_space<vmem>>) target(%dma_start3A_74 : memref<10000x128xf32, #tpu.memory_space<vmem_shared>>) offsets(%arg9 : memref<16xi32, #tpu.memory_space<vmem>>) semaphore(%run_scoped3A : memref<!tpu.dma_semaphore, #tpu.memory_space<semaphore_mem>>) {add = true}
      %dma_wait3A_75 = arith.constant 0 : i32
      %dma_wait3A_76 = arith.constant 0 : i32
      %dma_wait3A_77 = tpu.memref_slice %arg10[%dma_wait3A_75, %dma_wait3A_76] : memref<104x128xf32, #tpu.memory_space<vmem>> -> memref<16x128xf32, #tpu.memory_space<vmem>>
      %dma_wait3A_78 = arith.constant 0 : i32
      %dma_wait3A_79 = arith.constant 0 : i32
      %dma_wait3A_80 = tpu.memref_slice %arg12[%dma_wait3A_78, %dma_wait3A_79] : memref<10000x128xf32, #tpu.memory_space<vmem_shared>> -> memref<10000x128xf32, #tpu.memory_space<vmem_shared>>
      tpu.wait_indirect_dma semaphore(%run_scoped3A : memref<!tpu.dma_semaphore, #tpu.memory_space<semaphore_mem>>) src(%dma_wait3A_77 : memref<16x128xf32, #tpu.memory_space<vmem>>) dst(%dma_wait3A_80 : memref<10000x128xf32, #tpu.memory_space<vmem_shared>>)
      tpu.yield
    }) : () -> ()
    %dma_start3A_55 = arith.constant 0 : i32
    %dma_start3A_56 = tpu.memref_slice %arg7[%dma_start3A_55] : memref<10000xi32, #tpu.memory_space<vmem>> -> memref<104xi32, #tpu.memory_space<vmem>>
    %dma_start3A_57 = arith.constant 0 : i32
    %dma_start3A_58 = arith.constant 0 : i32
    %dma_start3A_59 = tpu.memref_slice %arg2[%dma_start3A_57, %dma_start3A_58] : memref<10000x128xf32, #tpu.memory_space<hbm>> -> memref<10000x128xf32, #tpu.memory_space<hbm>>
    tpu.enqueue_indirect_dma source(%dma_start3A_59 : memref<10000x128xf32, #tpu.memory_space<hbm>>) target(%arg10 : memref<104x128xf32, #tpu.memory_space<vmem>>) offsets(%dma_start3A_56 : memref<104xi32, #tpu.memory_space<vmem>>) semaphore(%arg13 : memref<!tpu.dma_semaphore, #tpu.memory_space<semaphore_mem>>)
    %scan3A_60 = arith.constant 0 : i32
    %scan3A_61 = arith.constant 0 : i32
    %scan3A_62 = arith.constant 96 : i32
    %scan3A_63 = arith.addi %scan3A_61, %scan3A_62 : i32
    %scan3A_64 = arith.constant 1 : i32
    scf.for %scan3A_69 = %scan3A_61 to %scan3A_63 step %scan3A_64  : i32 {
      %jit3A = arith.constant 2 : i32
      %eq3A = arith.constant 0 : i32
      %eq3A_70 = arith.cmpi eq, %jit3A, %eq3A : i32
      %jit3A_71 = arith.constant 1 : i32
      %select_n3A = arith.select %eq3A_70, %jit3A_71, %jit3A : i32
      %rem3A = arith.remsi %scan3A_69, %select_n3A : i32
      %ne3A = arith.constant 0 : i32
      %ne3A_72 = arith.cmpi ne, %rem3A, %ne3A : i32
      %lt3A = arith.constant 0 : i32
      %lt3A_73 = arith.cmpi slt, %rem3A, %lt3A : i32
      %lt3A_74 = arith.constant 0 : i32
      %lt3A_75 = arith.cmpi slt, %select_n3A, %lt3A_74 : i32
      %ne3A_76 = arith.xori %lt3A_73, %lt3A_75 : i1
      %and3A = arith.andi %ne3A_76, %ne3A_72 : i1
      %add3A_77 = arith.addi %rem3A, %select_n3A : i32
      %select_n3A_78 = arith.select %and3A, %add3A_77, %rem3A : i32
      %eq3A_79 = arith.constant 0 : i32
      %eq3A_80 = arith.cmpi eq, %select_n3A_78, %eq3A_79 : i32
      %convert_element_type3A = arith.extui %eq3A_80 : i1 to i32
      %cond3A = arith.constant 0 : i32
      %cond3A_81 = arith.cmpi ne, %convert_element_type3A, %cond3A : i32
      scf.if %cond3A_81 {
        %mul3A_103 = arith.constant 104 : i32
        %mul3A_104 = arith.muli %scan3A_69, %mul3A_103 : i32
        %dma_wait3A_105 = tpu.memref_slice %arg7[%mul3A_104] : memref<10000xi32, #tpu.memory_space<vmem>> -> memref<104xi32, #tpu.memory_space<vmem>>
        %dma_wait3A_106 = arith.constant 0 : i32
        %dma_wait3A_107 = arith.constant 0 : i32
        %dma_wait3A_108 = tpu.memref_slice %arg2[%dma_wait3A_106, %dma_wait3A_107] : memref<10000x128xf32, #tpu.memory_space<hbm>> -> memref<10000x128xf32, #tpu.memory_space<hbm>>
        tpu.wait_indirect_dma semaphore(%arg13 : memref<!tpu.dma_semaphore, #tpu.memory_space<semaphore_mem>>) src(%dma_wait3A_108 : memref<10000x128xf32, #tpu.memory_space<hbm>>) dst(%arg10 : memref<104x128xf32, #tpu.memory_space<vmem>>)
        %add3A_109 = arith.constant 1 : i32
        %add3A_110 = arith.addi %scan3A_69, %add3A_109 : i32
        %lt3A_111 = arith.constant 96 : i32
        %lt3A_112 = arith.cmpi slt, %add3A_110, %lt3A_111 : i32
        %convert_element_type3A_113 = arith.extui %lt3A_112 : i1 to i32
        %cond3A_114 = arith.constant 0 : i32
        %cond3A_115 = arith.cmpi ne, %convert_element_type3A_113, %cond3A_114 : i32
        scf.if %cond3A_115 {
          %add3A_116 = arith.constant 1 : i32
          %add3A_117 = arith.addi %scan3A_69, %add3A_116 : i32
          %mul3A_118 = arith.constant 104 : i32
          %mul3A_119 = arith.muli %add3A_117, %mul3A_118 : i32
          %dma_start3A_120 = tpu.memref_slice %arg7[%mul3A_119] : memref<10000xi32, #tpu.memory_space<vmem>> -> memref<104xi32, #tpu.memory_space<vmem>>
          %dma_start3A_121 = arith.constant 0 : i32
          %dma_start3A_122 = arith.constant 0 : i32
          %dma_start3A_123 = tpu.memref_slice %arg2[%dma_start3A_121, %dma_start3A_122] : memref<10000x128xf32, #tpu.memory_space<hbm>> -> memref<10000x128xf32, #tpu.memory_space<hbm>>
          tpu.enqueue_indirect_dma source(%dma_start3A_123 : memref<10000x128xf32, #tpu.memory_space<hbm>>) target(%arg11 : memref<104x128xf32, #tpu.memory_space<vmem>>) offsets(%dma_start3A_120 : memref<104xi32, #tpu.memory_space<vmem>>) semaphore(%arg14 : memref<!tpu.dma_semaphore, #tpu.memory_space<semaphore_mem>>)
        } else {
        }
        "tpu.region"() ({
          %run_scoped3A = tpu.sem_alloc : memref<!tpu.dma_semaphore, #tpu.memory_space<semaphore_mem>>
          %dma_start3A_116 = arith.constant 0 : i32
          %dma_start3A_117 = tpu.memref_slice %arg8[%scan3A_69, %dma_start3A_116] : memref<96x104xi32, #tpu.memory_space<vmem>> -> memref<1x104xi32, #tpu.memory_space<vmem>>
          %dma_start3A_118 = tpu.memref_squeeze %dma_start3A_117 : memref<1x104xi32, #tpu.memory_space<vmem>> -> memref<104xi32, #tpu.memory_space<vmem>>
          %dma_start3A_119 = arith.constant 0 : i32
          %dma_start3A_120 = arith.constant 0 : i32
          %dma_start3A_121 = tpu.memref_slice %arg12[%dma_start3A_119, %dma_start3A_120] : memref<10000x128xf32, #tpu.memory_space<vmem_shared>> -> memref<10000x128xf32, #tpu.memory_space<vmem_shared>>
          tpu.enqueue_indirect_dma source(%arg10 : memref<104x128xf32, #tpu.memory_space<vmem>>) target(%dma_start3A_121 : memref<10000x128xf32, #tpu.memory_space<vmem_shared>>) offsets(%dma_start3A_118 : memref<104xi32, #tpu.memory_space<vmem>>) semaphore(%run_scoped3A : memref<!tpu.dma_semaphore, #tpu.memory_space<semaphore_mem>>) {add = true}
          %dma_wait3A_122 = arith.constant 0 : i32
          %dma_wait3A_123 = tpu.memref_slice %arg8[%scan3A_69, %dma_wait3A_122] : memref<96x104xi32, #tpu.memory_space<vmem>> -> memref<1x104xi32, #tpu.memory_space<vmem>>
          %dma_wait3A_124 = tpu.memref_squeeze %dma_wait3A_123 : memref<1x104xi32, #tpu.memory_space<vmem>> -> memref<104xi32, #tpu.memory_space<vmem>>
          %dma_wait3A_125 = arith.constant 0 : i32
          %dma_wait3A_126 = arith.constant 0 : i32
          %dma_wait3A_127 = tpu.memref_slice %arg12[%dma_wait3A_125, %dma_wait3A_126] : memref<10000x128xf32, #tpu.memory_space<vmem_shared>> -> memref<10000x128xf32, #tpu.memory_space<vmem_shared>>
          tpu.wait_indirect_dma semaphore(%run_scoped3A : memref<!tpu.dma_semaphore, #tpu.memory_space<semaphore_mem>>) src(%arg10 : memref<104x128xf32, #tpu.memory_space<vmem>>) dst(%dma_wait3A_127 : memref<10000x128xf32, #tpu.memory_space<vmem_shared>>)
          tpu.yield
        }) : () -> ()
      } else {
      }
      %jit3A_82 = arith.constant 2 : i32
      %eq3A_83 = arith.constant 0 : i32
      %eq3A_84 = arith.cmpi eq, %jit3A_82, %eq3A_83 : i32
      %jit3A_85 = arith.constant 1 : i32
      %select_n3A_86 = arith.select %eq3A_84, %jit3A_85, %jit3A_82 : i32
      %rem3A_87 = arith.remsi %scan3A_69, %select_n3A_86 : i32
      %ne3A_88 = arith.constant 0 : i32
      %ne3A_89 = arith.cmpi ne, %rem3A_87, %ne3A_88 : i32
      %lt3A_90 = arith.constant 0 : i32
      %lt3A_91 = arith.cmpi slt, %rem3A_87, %lt3A_90 : i32
      %lt3A_92 = arith.constant 0 : i32
      %lt3A_93 = arith.cmpi slt, %select_n3A_86, %lt3A_92 : i32
      %ne3A_94 = arith.xori %lt3A_91, %lt3A_93 : i1
      %and3A_95 = arith.andi %ne3A_94, %ne3A_89 : i1
      %add3A_96 = arith.addi %rem3A_87, %select_n3A_86 : i32
      %select_n3A_97 = arith.select %and3A_95, %add3A_96, %rem3A_87 : i32
      %eq3A_98 = arith.constant 1 : i32
      %eq3A_99 = arith.cmpi eq, %select_n3A_97, %eq3A_98 : i32
      %convert_element_type3A_100 = arith.extui %eq3A_99 : i1 to i32
      %cond3A_101 = arith.constant 0 : i32
      %cond3A_102 = arith.cmpi ne, %convert_element_type3A_100, %cond3A_101 : i32
      scf.if %cond3A_102 {
        %mul3A_103 = arith.constant 104 : i32
        %mul3A_104 = arith.muli %scan3A_69, %mul3A_103 : i32
        %dma_wait3A_105 = tpu.memref_slice %arg7[%mul3A_104] : memref<10000xi32, #tpu.memory_space<vmem>> -> memref<104xi32, #tpu.memory_space<vmem>>
        %dma_wait3A_106 = arith.constant 0 : i32
        %dma_wait3A_107 = arith.constant 0 : i32
        %dma_wait3A_108 = tpu.memref_slice %arg2[%dma_wait3A_106, %dma_wait3A_107] : memref<10000x128xf32, #tpu.memory_space<hbm>> -> memref<10000x128xf32, #tpu.memory_space<hbm>>
        tpu.wait_indirect_dma semaphore(%arg14 : memref<!tpu.dma_semaphore, #tpu.memory_space<semaphore_mem>>) src(%dma_wait3A_108 : memref<10000x128xf32, #tpu.memory_space<hbm>>) dst(%arg11 : memref<104x128xf32, #tpu.memory_space<vmem>>)
        %add3A_109 = arith.constant 1 : i32
        %add3A_110 = arith.addi %scan3A_69, %add3A_109 : i32
        %lt3A_111 = arith.constant 96 : i32
        %lt3A_112 = arith.cmpi slt, %add3A_110, %lt3A_111 : i32
        %convert_element_type3A_113 = arith.extui %lt3A_112 : i1 to i32
        %cond3A_114 = arith.constant 0 : i32
        %cond3A_115 = arith.cmpi ne, %convert_element_type3A_113, %cond3A_114 : i32
        scf.if %cond3A_115 {
          %add3A_116 = arith.constant 1 : i32
          %add3A_117 = arith.addi %scan3A_69, %add3A_116 : i32
          %mul3A_118 = arith.constant 104 : i32
          %mul3A_119 = arith.muli %add3A_117, %mul3A_118 : i32
          %dma_start3A_120 = tpu.memref_slice %arg7[%mul3A_119] : memref<10000xi32, #tpu.memory_space<vmem>> -> memref<104xi32, #tpu.memory_space<vmem>>
          %dma_start3A_121 = arith.constant 0 : i32
          %dma_start3A_122 = arith.constant 0 : i32
          %dma_start3A_123 = tpu.memref_slice %arg2[%dma_start3A_121, %dma_start3A_122] : memref<10000x128xf32, #tpu.memory_space<hbm>> -> memref<10000x128xf32, #tpu.memory_space<hbm>>
          tpu.enqueue_indirect_dma source(%dma_start3A_123 : memref<10000x128xf32, #tpu.memory_space<hbm>>) target(%arg10 : memref<104x128xf32, #tpu.memory_space<vmem>>) offsets(%dma_start3A_120 : memref<104xi32, #tpu.memory_space<vmem>>) semaphore(%arg13 : memref<!tpu.dma_semaphore, #tpu.memory_space<semaphore_mem>>)
        } else {
        }
        "tpu.region"() ({
          %run_scoped3A = tpu.sem_alloc : memref<!tpu.dma_semaphore, #tpu.memory_space<semaphore_mem>>
          %dma_start3A_116 = arith.constant 0 : i32
          %dma_start3A_117 = tpu.memref_slice %arg8[%scan3A_69, %dma_start3A_116] : memref<96x104xi32, #tpu.memory_space<vmem>> -> memref<1x104xi32, #tpu.memory_space<vmem>>
          %dma_start3A_118 = tpu.memref_squeeze %dma_start3A_117 : memref<1x104xi32, #tpu.memory_space<vmem>> -> memref<104xi32, #tpu.memory_space<vmem>>
          %dma_start3A_119 = arith.constant 0 : i32
          %dma_start3A_120 = arith.constant 0 : i32
          %dma_start3A_121 = tpu.memref_slice %arg12[%dma_start3A_119, %dma_start3A_120] : memref<10000x128xf32, #tpu.memory_space<vmem_shared>> -> memref<10000x128xf32, #tpu.memory_space<vmem_shared>>
          tpu.enqueue_indirect_dma source(%arg11 : memref<104x128xf32, #tpu.memory_space<vmem>>) target(%dma_start3A_121 : memref<10000x128xf32, #tpu.memory_space<vmem_shared>>) offsets(%dma_start3A_118 : memref<104xi32, #tpu.memory_space<vmem>>) semaphore(%run_scoped3A : memref<!tpu.dma_semaphore, #tpu.memory_space<semaphore_mem>>) {add = true}
          %dma_wait3A_122 = arith.constant 0 : i32
          %dma_wait3A_123 = tpu.memref_slice %arg8[%scan3A_69, %dma_wait3A_122] : memref<96x104xi32, #tpu.memory_space<vmem>> -> memref<1x104xi32, #tpu.memory_space<vmem>>
          %dma_wait3A_124 = tpu.memref_squeeze %dma_wait3A_123 : memref<1x104xi32, #tpu.memory_space<vmem>> -> memref<104xi32, #tpu.memory_space<vmem>>
          %dma_wait3A_125 = arith.constant 0 : i32
          %dma_wait3A_126 = arith.constant 0 : i32
          %dma_wait3A_127 = tpu.memref_slice %arg12[%dma_wait3A_125, %dma_wait3A_126] : memref<10000x128xf32, #tpu.memory_space<vmem_shared>> -> memref<10000x128xf32, #tpu.memory_space<vmem_shared>>
          tpu.wait_indirect_dma semaphore(%run_scoped3A : memref<!tpu.dma_semaphore, #tpu.memory_space<semaphore_mem>>) src(%arg11 : memref<104x128xf32, #tpu.memory_space<vmem>>) dst(%dma_wait3A_127 : memref<10000x128xf32, #tpu.memory_space<vmem_shared>>)
          tpu.yield
        }) : () -> ()
      } else {
      }
    }
    %scan3A_65 = arith.constant 96 : i32
    %barrier3A_66 = arith.constant 0 : index
    tpu.barrier barrier_id(%barrier3A_66)
    %mul3A_67 = arith.constant 625 : i32
    %mul3A_68 = arith.muli %arg1, %mul3A_67 : i32
    "tpu.region"() ({
      %run_scoped3A = tpu.sem_alloc : memref<!tpu.dma_semaphore, #tpu.memory_space<semaphore_mem>>
      %dma_start3A_69 = arith.constant 0 : i32
      %dma_start3A_70 = arith.constant 0 : i32
      %dma_start3A_71 = tpu.memref_slice %arg6[%arg0, %arg1, %dma_start3A_69, %dma_start3A_70] : memref<2x16x625x128xf32, #tpu.memory_space<hbm>> -> memref<1x1x625x128xf32, #tpu.memory_space<hbm>>
      %dma_start3A_72 = tpu.memref_squeeze %dma_start3A_71 : memref<1x1x625x128xf32, #tpu.memory_space<hbm>> -> memref<625x128xf32, #tpu.memory_space<hbm>>
      %dma_start3A_73 = arith.constant 0 : i32
      %dma_start3A_74 = tpu.memref_slice %arg12[%mul3A_68, %dma_start3A_73] : memref<10000x128xf32, #tpu.memory_space<vmem_shared>> -> memref<625x128xf32, #tpu.memory_space<vmem_shared>>
      tpu.enqueue_dma source(%dma_start3A_74 : memref<625x128xf32, #tpu.memory_space<vmem_shared>>) target(%dma_start3A_72 : memref<625x128xf32, #tpu.memory_space<hbm>>) target_semaphore(%run_scoped3A : memref<!tpu.dma_semaphore, #tpu.memory_space<semaphore_mem>>)
      %dma_wait3A_75 = arith.constant 0 : i32
      %dma_wait3A_76 = arith.constant 0 : i32
      %dma_wait3A_77 = tpu.memref_slice %arg6[%arg0, %arg1, %dma_wait3A_75, %dma_wait3A_76] : memref<2x16x625x128xf32, #tpu.memory_space<hbm>> -> memref<1x1x625x128xf32, #tpu.memory_space<hbm>>
      %dma_wait3A_78 = tpu.memref_squeeze %dma_wait3A_77 : memref<1x1x625x128xf32, #tpu.memory_space<hbm>> -> memref<625x128xf32, #tpu.memory_space<hbm>>
      %dma_wait3A_79 = arith.constant 0 : i32
      %dma_wait3A_80 = tpu.memref_slice %arg12[%mul3A_68, %dma_wait3A_79] : memref<10000x128xf32, #tpu.memory_space<vmem_shared>> -> memref<625x128xf32, #tpu.memory_space<vmem_shared>>
      tpu.wait_dma2 semaphore(%run_scoped3A : memref<!tpu.dma_semaphore, #tpu.memory_space<semaphore_mem>>) src(%dma_wait3A_80 : memref<625x128xf32, #tpu.memory_space<vmem_shared>>) dst(%dma_wait3A_78 : memref<625x128xf32, #tpu.memory_space<hbm>>)
      tpu.yield
    }) : () -> ()
    return
  }
}

#map = affine_map<(d0, d1) -> (0, 0)>
#map1 = affine_map<(d0, d1) -> (0)>
#map2 = affine_map<(d0, d1) -> (0, 0, 0)>
#map3 = affine_map<(d0, d1) -> (0, 0, 0, 0)>
module attributes {stable_mosaic.version = 14 : i64} {
  func.func @_prop_kernel(%arg0: i32, %arg1: i32, %arg2: memref<10000x128xf32, #tpu.memory_space<hbm>>, %arg3: memref<320000xi32, #tpu.memory_space<hbm>>, %arg4: memref<32x96x104xi32, #tpu.memory_space<hbm>>, %arg5: memref<320000xi32, #tpu.memory_space<hbm>>, %arg6: memref<2x16x625x128xf32, #tpu.memory_space<hbm>>, %arg7: memref<10000xi32, #tpu.memory_space<vmem>>, %arg8: memref<96x104xi32, #tpu.memory_space<vmem>>, %arg9: memref<16xi32, #tpu.memory_space<vmem>>, %arg10: memref<104x128xf32, #tpu.memory_space<vmem>>, %arg11: memref<104x128xf32, #tpu.memory_space<vmem>>, %arg12: memref<10000x128xf32, #tpu.memory_space<vmem_shared>>, %arg13: memref<!tpu.dma_semaphore, #tpu.memory_space<semaphore_mem>>, %arg14: memref<!tpu.dma_semaphore, #tpu.memory_space<semaphore_mem>>) attributes {dimension_semantics = [#tpu.dimension_semantics<core_parallel>, #tpu.dimension_semantics<subcore_parallel>], iteration_bounds = array<i64: 2, 16>, scalar_prefetch = 0 : i64, scratch_operands = 8 : i64, tpu.core_type = #tpu.core_type<sc_vector_subcore>, window_params = [{transform_indices = #map}, {transform_indices = #map1}, {transform_indices = #map2}, {transform_indices = #map1}, {transform_indices = #map3}]} {
    %mul3A = arith.constant 16 : i32
    %mul3A_0 = arith.muli %arg0, %mul3A : i32
    %add3A = arith.addi %mul3A_0, %arg1 : i32
    %broadcast_in_dim3A = arith.constant 0.000000e+00 : f32
    %broadcast_in_dim3A_1 = vector.broadcast %broadcast_in_dim3A : f32 to vector<16xf32>
    %scan3A = arith.constant 0 : i32
    %scan3A_2 = arith.constant 0 : i32
    %scan3A_3 = arith.constant 104 : i32
    %scan3A_4 = arith.addi %scan3A_2, %scan3A_3 : i32
    %scan3A_5 = arith.constant 1 : i32
    scf.for %scan3A_69 = %scan3A_2 to %scan3A_4 step %scan3A_5  : i32 {
      %swap3A = arith.index_cast %scan3A_69 : i32 to index
      %swap3A_70 = arith.constant 0 : index
      %swap3A_71 = tpu.vector_load %arg10[%swap3A, %swap3A_70] {strides = array<i32>} : memref<104x128xf32, #tpu.memory_space<vmem>>, vector<1x16xf32>,
      %swap3A_72 = vector.shape_cast %swap3A_71 : vector<1x16xf32> to vector<16xf32>
      %swap3A_73 = vector.shape_cast %broadcast_in_dim3A_1 : vector<16xf32> to vector<1x16xf32>
      tpu.vector_store %arg10[%swap3A, %swap3A_70], %swap3A_73 {strides = array<i32>} : memref<104x128xf32, #tpu.memory_space<vmem>>, vector<1x16xf32>,
      %swap3A_74 = arith.index_cast %scan3A_69 : i32 to index
      %swap3A_75 = arith.constant 16 : index
      %swap3A_76 = tpu.vector_load %arg10[%swap3A_74, %swap3A_75] {strides = array<i32>} : memref<104x128xf32, #tpu.memory_space<vmem>>, vector<1x16xf32>,
      %swap3A_77 = vector.shape_cast %swap3A_76 : vector<1x16xf32> to vector<16xf32>
      %swap3A_78 = vector.shape_cast %broadcast_in_dim3A_1 : vector<16xf32> to vector<1x16xf32>
      tpu.vector_store %arg10[%swap3A_74, %swap3A_75], %swap3A_78 {strides = array<i32>} : memref<104x128xf32, #tpu.memory_space<vmem>>, vector<1x16xf32>,
      %swap3A_79 = arith.index_cast %scan3A_69 : i32 to index
      %swap3A_80 = arith.constant 32 : index
      %swap3A_81 = tpu.vector_load %arg10[%swap3A_79, %swap3A_80] {strides = array<i32>} : memref<104x128xf32, #tpu.memory_space<vmem>>, vector<1x16xf32>,
      %swap3A_82 = vector.shape_cast %swap3A_81 : vector<1x16xf32> to vector<16xf32>
      %swap3A_83 = vector.shape_cast %broadcast_in_dim3A_1 : vector<16xf32> to vector<1x16xf32>
      tpu.vector_store %arg10[%swap3A_79, %swap3A_80], %swap3A_83 {strides = array<i32>} : memref<104x128xf32, #tpu.memory_space<vmem>>, vector<1x16xf32>,
      %swap3A_84 = arith.index_cast %scan3A_69 : i32 to index
      %swap3A_85 = arith.constant 48 : index
      %swap3A_86 = tpu.vector_load %arg10[%swap3A_84, %swap3A_85] {strides = array<i32>} : memref<104x128xf32, #tpu.memory_space<vmem>>, vector<1x16xf32>,
      %swap3A_87 = vector.shape_cast %swap3A_86 : vector<1x16xf32> to vector<16xf32>
      %swap3A_88 = vector.shape_cast %broadcast_in_dim3A_1 : vector<16xf32> to vector<1x16xf32>
      tpu.vector_store %arg10[%swap3A_84, %swap3A_85], %swap3A_88 {strides = array<i32>} : memref<104x128xf32, #tpu.memory_space<vmem>>, vector<1x16xf32>,
      %swap3A_89 = arith.index_cast %scan3A_69 : i32 to index
      %swap3A_90 = arith.constant 64 : index
      %swap3A_91 = tpu.vector_load %arg10[%swap3A_89, %swap3A_90] {strides = array<i32>} : memref<104x128xf32, #tpu.memory_space<vmem>>, vector<1x16xf32>,
      %swap3A_92 = vector.shape_cast %swap3A_91 : vector<1x16xf32> to vector<16xf32>
      %swap3A_93 = vector.shape_cast %broadcast_in_dim3A_1 : vector<16xf32> to vector<1x16xf32>
      tpu.vector_store %arg10[%swap3A_89, %swap3A_90], %swap3A_93 {strides = array<i32>} : memref<104x128xf32, #tpu.memory_space<vmem>>, vector<1x16xf32>,
      %swap3A_94 = arith.index_cast %scan3A_69 : i32 to index
      %swap3A_95 = arith.constant 80 : index
      %swap3A_96 = tpu.vector_load %arg10[%swap3A_94, %swap3A_95] {strides = array<i32>} : memref<104x128xf32, #tpu.memory_space<vmem>>, vector<1x16xf32>,
      %swap3A_97 = vector.shape_cast %swap3A_96 : vector<1x16xf32> to vector<16xf32>
      %swap3A_98 = vector.shape_cast %broadcast_in_dim3A_1 : vector<16xf32> to vector<1x16xf32>
      tpu.vector_store %arg10[%swap3A_94, %swap3A_95], %swap3A_98 {strides = array<i32>} : memref<104x128xf32, #tpu.memory_space<vmem>>, vector<1x16xf32>,
      %swap3A_99 = arith.index_cast %scan3A_69 : i32 to index
      %swap3A_100 = arith.constant 96 : index
      %swap3A_101 = tpu.vector_load %arg10[%swap3A_99, %swap3A_100] {strides = array<i32>} : memref<104x128xf32, #tpu.memory_space<vmem>>, vector<1x16xf32>,
      %swap3A_102 = vector.shape_cast %swap3A_101 : vector<1x16xf32> to vector<16xf32>
      %swap3A_103 = vector.shape_cast %broadcast_in_dim3A_1 : vector<16xf32> to vector<1x16xf32>
      tpu.vector_store %arg10[%swap3A_99, %swap3A_100], %swap3A_103 {strides = array<i32>} : memref<104x128xf32, #tpu.memory_space<vmem>>, vector<1x16xf32>,
      %swap3A_104 = arith.index_cast %scan3A_69 : i32 to index
      %swap3A_105 = arith.constant 112 : index
      %swap3A_106 = tpu.vector_load %arg10[%swap3A_104, %swap3A_105] {strides = array<i32>} : memref<104x128xf32, #tpu.memory_space<vmem>>, vector<1x16xf32>,
      %swap3A_107 = vector.shape_cast %swap3A_106 : vector<1x16xf32> to vector<16xf32>
      %swap3A_108 = vector.shape_cast %broadcast_in_dim3A_1 : vector<16xf32> to vector<1x16xf32>
      tpu.vector_store %arg10[%swap3A_104, %swap3A_105], %swap3A_108 {strides = array<i32>} : memref<104x128xf32, #tpu.memory_space<vmem>>, vector<1x16xf32>,
    }
    %scan3A_6 = arith.constant 104 : i32
    %mul3A_7 = arith.constant 625 : i32
    %mul3A_8 = arith.muli %arg1, %mul3A_7 : i32
    %add3A_9 = arith.constant 0 : i32
    %add3A_10 = arith.addi %mul3A_8, %add3A_9 : i32
    "tpu.region"() ({
      %run_scoped3A = tpu.sem_alloc : memref<!tpu.dma_semaphore, #tpu.memory_space<semaphore_mem>>
      %dma_start3A_69 = arith.constant 0 : i32
      %dma_start3A_70 = tpu.memref_slice %arg12[%add3A_10, %dma_start3A_69] : memref<10000x128xf32, #tpu.memory_space<vmem_shared>> -> memref<104x128xf32, #tpu.memory_space<vmem_shared>>
      %dma_start3A_71 = arith.constant 0 : i32
      %dma_start3A_72 = tpu.memref_slice %arg12[%add3A_10, %dma_start3A_71] : memref<10000x128xf32, #tpu.memory_space<vmem_shared>> -> memref<104x128xf32, #tpu.memory_space<vmem_shared>>
      tpu.enqueue_dma source(%arg10 : memref<104x128xf32, #tpu.memory_space<vmem>>) target(%dma_start3A_72 : memref<104x128xf32, #tpu.memory_space<vmem_shared>>) target_semaphore(%run_scoped3A : memref<!tpu.dma_semaphore, #tpu.memory_space<semaphore_mem>>)
      %dma_wait3A_73 = arith.constant 0 : i32
      %dma_wait3A_74 = tpu.memref_slice %arg12[%add3A_10, %dma_wait3A_73] : memref<10000x128xf32, #tpu.memory_space<vmem_shared>> -> memref<104x128xf32, #tpu.memory_space<vmem_shared>>
      %dma_wait3A_75 = arith.constant 0 : i32
      %dma_wait3A_76 = tpu.memref_slice %arg12[%add3A_10, %dma_wait3A_75] : memref<10000x128xf32, #tpu.memory_space<vmem_shared>> -> memref<104x128xf32, #tpu.memory_space<vmem_shared>>
      tpu.wait_dma2 semaphore(%run_scoped3A : memref<!tpu.dma_semaphore, #tpu.memory_space<semaphore_mem>>) src(%arg10 : memref<104x128xf32, #tpu.memory_space<vmem>>) dst(%dma_wait3A_76 : memref<104x128xf32, #tpu.memory_space<vmem_shared>>)
      tpu.yield
    }) : () -> ()
    %mul3A_11 = arith.constant 625 : i32
    %mul3A_12 = arith.muli %arg1, %mul3A_11 : i32
    %add3A_13 = arith.constant 104 : i32
    %add3A_14 = arith.addi %mul3A_12, %add3A_13 : i32
    "tpu.region"() ({
      %run_scoped3A = tpu.sem_alloc : memref<!tpu.dma_semaphore, #tpu.memory_space<semaphore_mem>>
      %dma_start3A_69 = arith.constant 0 : i32
      %dma_start3A_70 = tpu.memref_slice %arg12[%add3A_14, %dma_start3A_69] : memref<10000x128xf32, #tpu.memory_space<vmem_shared>> -> memref<104x128xf32, #tpu.memory_space<vmem_shared>>
      %dma_start3A_71 = arith.constant 0 : i32
      %dma_start3A_72 = tpu.memref_slice %arg12[%add3A_14, %dma_start3A_71] : memref<10000x128xf32, #tpu.memory_space<vmem_shared>> -> memref<104x128xf32, #tpu.memory_space<vmem_shared>>
      tpu.enqueue_dma source(%arg10 : memref<104x128xf32, #tpu.memory_space<vmem>>) target(%dma_start3A_72 : memref<104x128xf32, #tpu.memory_space<vmem_shared>>) target_semaphore(%run_scoped3A : memref<!tpu.dma_semaphore, #tpu.memory_space<semaphore_mem>>)
      %dma_wait3A_73 = arith.constant 0 : i32
      %dma_wait3A_74 = tpu.memref_slice %arg12[%add3A_14, %dma_wait3A_73] : memref<10000x128xf32, #tpu.memory_space<vmem_shared>> -> memref<104x128xf32, #tpu.memory_space<vmem_shared>>
      %dma_wait3A_75 = arith.constant 0 : i32
      %dma_wait3A_76 = tpu.memref_slice %arg12[%add3A_14, %dma_wait3A_75] : memref<10000x128xf32, #tpu.memory_space<vmem_shared>> -> memref<104x128xf32, #tpu.memory_space<vmem_shared>>
      tpu.wait_dma2 semaphore(%run_scoped3A : memref<!tpu.dma_semaphore, #tpu.memory_space<semaphore_mem>>) src(%arg10 : memref<104x128xf32, #tpu.memory_space<vmem>>) dst(%dma_wait3A_76 : memref<104x128xf32, #tpu.memory_space<vmem_shared>>)
      tpu.yield
    }) : () -> ()
    %mul3A_15 = arith.constant 625 : i32
    %mul3A_16 = arith.muli %arg1, %mul3A_15 : i32
    %add3A_17 = arith.constant 208 : i32
    %add3A_18 = arith.addi %mul3A_16, %add3A_17 : i32
    "tpu.region"() ({
      %run_scoped3A = tpu.sem_alloc : memref<!tpu.dma_semaphore, #tpu.memory_space<semaphore_mem>>
      %dma_start3A_69 = arith.constant 0 : i32
      %dma_start3A_70 = tpu.memref_slice %arg12[%add3A_18, %dma_start3A_69] : memref<10000x128xf32, #tpu.memory_space<vmem_shared>> -> memref<104x128xf32, #tpu.memory_space<vmem_shared>>
      %dma_start3A_71 = arith.constant 0 : i32
      %dma_start3A_72 = tpu.memref_slice %arg12[%add3A_18, %dma_start3A_71] : memref<10000x128xf32, #tpu.memory_space<vmem_shared>> -> memref<104x128xf32, #tpu.memory_space<vmem_shared>>
      tpu.enqueue_dma source(%arg10 : memref<104x128xf32, #tpu.memory_space<vmem>>) target(%dma_start3A_72 : memref<104x128xf32, #tpu.memory_space<vmem_shared>>) target_semaphore(%run_scoped3A : memref<!tpu.dma_semaphore, #tpu.memory_space<semaphore_mem>>)
      %dma_wait3A_73 = arith.constant 0 : i32
      %dma_wait3A_74 = tpu.memref_slice %arg12[%add3A_18, %dma_wait3A_73] : memref<10000x128xf32, #tpu.memory_space<vmem_shared>> -> memref<104x128xf32, #tpu.memory_space<vmem_shared>>
      %dma_wait3A_75 = arith.constant 0 : i32
      %dma_wait3A_76 = tpu.memref_slice %arg12[%add3A_18, %dma_wait3A_75] : memref<10000x128xf32, #tpu.memory_space<vmem_shared>> -> memref<104x128xf32, #tpu.memory_space<vmem_shared>>
      tpu.wait_dma2 semaphore(%run_scoped3A : memref<!tpu.dma_semaphore, #tpu.memory_space<semaphore_mem>>) src(%arg10 : memref<104x128xf32, #tpu.memory_space<vmem>>) dst(%dma_wait3A_76 : memref<104x128xf32, #tpu.memory_space<vmem_shared>>)
      tpu.yield
    }) : () -> ()
    %mul3A_19 = arith.constant 625 : i32
    %mul3A_20 = arith.muli %arg1, %mul3A_19 : i32
    %add3A_21 = arith.constant 312 : i32
    %add3A_22 = arith.addi %mul3A_20, %add3A_21 : i32
    "tpu.region"() ({
      %run_scoped3A = tpu.sem_alloc : memref<!tpu.dma_semaphore, #tpu.memory_space<semaphore_mem>>
      %dma_start3A_69 = arith.constant 0 : i32
      %dma_start3A_70 = tpu.memref_slice %arg12[%add3A_22, %dma_start3A_69] : memref<10000x128xf32, #tpu.memory_space<vmem_shared>> -> memref<104x128xf32, #tpu.memory_space<vmem_shared>>
      %dma_start3A_71 = arith.constant 0 : i32
      %dma_start3A_72 = tpu.memref_slice %arg12[%add3A_22, %dma_start3A_71] : memref<10000x128xf32, #tpu.memory_space<vmem_shared>> -> memref<104x128xf32, #tpu.memory_space<vmem_shared>>
      tpu.enqueue_dma source(%arg10 : memref<104x128xf32, #tpu.memory_space<vmem>>) target(%dma_start3A_72 : memref<104x128xf32, #tpu.memory_space<vmem_shared>>) target_semaphore(%run_scoped3A : memref<!tpu.dma_semaphore, #tpu.memory_space<semaphore_mem>>)
      %dma_wait3A_73 = arith.constant 0 : i32
      %dma_wait3A_74 = tpu.memref_slice %arg12[%add3A_22, %dma_wait3A_73] : memref<10000x128xf32, #tpu.memory_space<vmem_shared>> -> memref<104x128xf32, #tpu.memory_space<vmem_shared>>
      %dma_wait3A_75 = arith.constant 0 : i32
      %dma_wait3A_76 = tpu.memref_slice %arg12[%add3A_22, %dma_wait3A_75] : memref<10000x128xf32, #tpu.memory_space<vmem_shared>> -> memref<104x128xf32, #tpu.memory_space<vmem_shared>>
      tpu.wait_dma2 semaphore(%run_scoped3A : memref<!tpu.dma_semaphore, #tpu.memory_space<semaphore_mem>>) src(%arg10 : memref<104x128xf32, #tpu.memory_space<vmem>>) dst(%dma_wait3A_76 : memref<104x128xf32, #tpu.memory_space<vmem_shared>>)
      tpu.yield
    }) : () -> ()
    %mul3A_23 = arith.constant 625 : i32
    %mul3A_24 = arith.muli %arg1, %mul3A_23 : i32
    %add3A_25 = arith.constant 416 : i32
    %add3A_26 = arith.addi %mul3A_24, %add3A_25 : i32
    "tpu.region"() ({
      %run_scoped3A = tpu.sem_alloc : memref<!tpu.dma_semaphore, #tpu.memory_space<semaphore_mem>>
      %dma_start3A_69 = arith.constant 0 : i32
      %dma_start3A_70 = tpu.memref_slice %arg12[%add3A_26, %dma_start3A_69] : memref<10000x128xf32, #tpu.memory_space<vmem_shared>> -> memref<104x128xf32, #tpu.memory_space<vmem_shared>>
      %dma_start3A_71 = arith.constant 0 : i32
      %dma_start3A_72 = tpu.memref_slice %arg12[%add3A_26, %dma_start3A_71] : memref<10000x128xf32, #tpu.memory_space<vmem_shared>> -> memref<104x128xf32, #tpu.memory_space<vmem_shared>>
      tpu.enqueue_dma source(%arg10 : memref<104x128xf32, #tpu.memory_space<vmem>>) target(%dma_start3A_72 : memref<104x128xf32, #tpu.memory_space<vmem_shared>>) target_semaphore(%run_scoped3A : memref<!tpu.dma_semaphore, #tpu.memory_space<semaphore_mem>>)
      %dma_wait3A_73 = arith.constant 0 : i32
      %dma_wait3A_74 = tpu.memref_slice %arg12[%add3A_26, %dma_wait3A_73] : memref<10000x128xf32, #tpu.memory_space<vmem_shared>> -> memref<104x128xf32, #tpu.memory_space<vmem_shared>>
      %dma_wait3A_75 = arith.constant 0 : i32
      %dma_wait3A_76 = tpu.memref_slice %arg12[%add3A_26, %dma_wait3A_75] : memref<10000x128xf32, #tpu.memory_space<vmem_shared>> -> memref<104x128xf32, #tpu.memory_space<vmem_shared>>
      tpu.wait_dma2 semaphore(%run_scoped3A : memref<!tpu.dma_semaphore, #tpu.memory_space<semaphore_mem>>) src(%arg10 : memref<104x128xf32, #tpu.memory_space<vmem>>) dst(%dma_wait3A_76 : memref<104x128xf32, #tpu.memory_space<vmem_shared>>)
      tpu.yield
    }) : () -> ()
    %mul3A_27 = arith.constant 625 : i32
    %mul3A_28 = arith.muli %arg1, %mul3A_27 : i32
    %add3A_29 = arith.constant 520 : i32
    %add3A_30 = arith.addi %mul3A_28, %add3A_29 : i32
    "tpu.region"() ({
      %run_scoped3A = tpu.sem_alloc : memref<!tpu.dma_semaphore, #tpu.memory_space<semaphore_mem>>
      %dma_start3A_69 = arith.constant 0 : i32
      %dma_start3A_70 = tpu.memref_slice %arg12[%add3A_30, %dma_start3A_69] : memref<10000x128xf32, #tpu.memory_space<vmem_shared>> -> memref<104x128xf32, #tpu.memory_space<vmem_shared>>
      %dma_start3A_71 = arith.constant 0 : i32
      %dma_start3A_72 = tpu.memref_slice %arg12[%add3A_30, %dma_start3A_71] : memref<10000x128xf32, #tpu.memory_space<vmem_shared>> -> memref<104x128xf32, #tpu.memory_space<vmem_shared>>
      tpu.enqueue_dma source(%arg10 : memref<104x128xf32, #tpu.memory_space<vmem>>) target(%dma_start3A_72 : memref<104x128xf32, #tpu.memory_space<vmem_shared>>) target_semaphore(%run_scoped3A : memref<!tpu.dma_semaphore, #tpu.memory_space<semaphore_mem>>)
      %dma_wait3A_73 = arith.constant 0 : i32
      %dma_wait3A_74 = tpu.memref_slice %arg12[%add3A_30, %dma_wait3A_73] : memref<10000x128xf32, #tpu.memory_space<vmem_shared>> -> memref<104x128xf32, #tpu.memory_space<vmem_shared>>
      %dma_wait3A_75 = arith.constant 0 : i32
      %dma_wait3A_76 = tpu.memref_slice %arg12[%add3A_30, %dma_wait3A_75] : memref<10000x128xf32, #tpu.memory_space<vmem_shared>> -> memref<104x128xf32, #tpu.memory_space<vmem_shared>>
      tpu.wait_dma2 semaphore(%run_scoped3A : memref<!tpu.dma_semaphore, #tpu.memory_space<semaphore_mem>>) src(%arg10 : memref<104x128xf32, #tpu.memory_space<vmem>>) dst(%dma_wait3A_76 : memref<104x128xf32, #tpu.memory_space<vmem_shared>>)
      tpu.yield
    }) : () -> ()
    %mul3A_31 = arith.constant 625 : i32
    %mul3A_32 = arith.muli %arg1, %mul3A_31 : i32
    %add3A_33 = arith.constant 624 : i32
    %add3A_34 = arith.addi %mul3A_32, %add3A_33 : i32
    "tpu.region"() ({
      %run_scoped3A = tpu.sem_alloc : memref<!tpu.dma_semaphore, #tpu.memory_space<semaphore_mem>>
      %dma_start3A_69 = arith.constant 0 : i32
      %dma_start3A_70 = arith.constant 0 : i32
      %dma_start3A_71 = tpu.memref_slice %arg10[%dma_start3A_69, %dma_start3A_70] : memref<104x128xf32, #tpu.memory_space<vmem>> -> memref<1x128xf32, #tpu.memory_space<vmem>>
      %dma_start3A_72 = arith.constant 0 : i32
      %dma_start3A_73 = tpu.memref_slice %arg12[%add3A_34, %dma_start3A_72] : memref<10000x128xf32, #tpu.memory_space<vmem_shared>> -> memref<1x128xf32, #tpu.memory_space<vmem_shared>>
      %dma_start3A_74 = arith.constant 0 : i32
      %dma_start3A_75 = tpu.memref_slice %arg12[%add3A_34, %dma_start3A_74] : memref<10000x128xf32, #tpu.memory_space<vmem_shared>> -> memref<1x128xf32, #tpu.memory_space<vmem_shared>>
      %dma_start3A_76 = arith.constant 0 : i32
      %dma_start3A_77 = arith.constant 0 : i32
      %dma_start3A_78 = tpu.memref_slice %arg10[%dma_start3A_76, %dma_start3A_77] : memref<104x128xf32, #tpu.memory_space<vmem>> -> memref<1x128xf32, #tpu.memory_space<vmem>>
      tpu.enqueue_dma source(%dma_start3A_78 : memref<1x128xf32, #tpu.memory_space<vmem>>) target(%dma_start3A_75 : memref<1x128xf32, #tpu.memory_space<vmem_shared>>) target_semaphore(%run_scoped3A : memref<!tpu.dma_semaphore, #tpu.memory_space<semaphore_mem>>)
      %dma_wait3A_79 = arith.constant 0 : i32
      %dma_wait3A_80 = arith.constant 0 : i32
      %dma_wait3A_81 = tpu.memref_slice %arg10[%dma_wait3A_79, %dma_wait3A_80] : memref<104x128xf32, #tpu.memory_space<vmem>> -> memref<1x128xf32, #tpu.memory_space<vmem>>
      %dma_wait3A_82 = arith.constant 0 : i32
      %dma_wait3A_83 = tpu.memref_slice %arg12[%add3A_34, %dma_wait3A_82] : memref<10000x128xf32, #tpu.memory_space<vmem_shared>> -> memref<1x128xf32, #tpu.memory_space<vmem_shared>>
      %dma_wait3A_84 = arith.constant 0 : i32
      %dma_wait3A_85 = tpu.memref_slice %arg12[%add3A_34, %dma_wait3A_84] : memref<10000x128xf32, #tpu.memory_space<vmem_shared>> -> memref<1x128xf32, #tpu.memory_space<vmem_shared>>
      %dma_wait3A_86 = arith.constant 0 : i32
      %dma_wait3A_87 = arith.constant 0 : i32
      %dma_wait3A_88 = tpu.memref_slice %arg10[%dma_wait3A_86, %dma_wait3A_87] : memref<104x128xf32, #tpu.memory_space<vmem>> -> memref<1x128xf32, #tpu.memory_space<vmem>>
      tpu.wait_dma2 semaphore(%run_scoped3A : memref<!tpu.dma_semaphore, #tpu.memory_space<semaphore_mem>>) src(%dma_wait3A_88 : memref<1x128xf32, #tpu.memory_space<vmem>>) dst(%dma_wait3A_85 : memref<1x128xf32, #tpu.memory_space<vmem_shared>>)
      tpu.yield
    }) : () -> ()
    %barrier3A = arith.constant 0 : index
    tpu.barrier barrier_id(%barrier3A)
    %mul3A_35 = arith.constant 10000 : i32
    %mul3A_36 = arith.muli %add3A, %mul3A_35 : i32
    "tpu.region"() ({
      %run_scoped3A = tpu.sem_alloc : memref<!tpu.dma_semaphore, #tpu.memory_space<semaphore_mem>>
      %dma_start3A_69 = tpu.memref_slice %arg3[%mul3A_36] : memref<320000xi32, #tpu.memory_space<hbm>> -> memref<10000xi32, #tpu.memory_space<hbm>>
      %dma_start3A_70 = tpu.memref_slice %arg3[%mul3A_36] : memref<320000xi32, #tpu.memory_space<hbm>> -> memref<10000xi32, #tpu.memory_space<hbm>>
      tpu.enqueue_dma source(%dma_start3A_70 : memref<10000xi32, #tpu.memory_space<hbm>>) target(%arg7 : memref<10000xi32, #tpu.memory_space<vmem>>) target_semaphore(%run_scoped3A : memref<!tpu.dma_semaphore, #tpu.memory_space<semaphore_mem>>)
      %dma_wait3A_71 = tpu.memref_slice %arg3[%mul3A_36] : memref<320000xi32, #tpu.memory_space<hbm>> -> memref<10000xi32, #tpu.memory_space<hbm>>
      %dma_wait3A_72 = tpu.memref_slice %arg3[%mul3A_36] : memref<320000xi32, #tpu.memory_space<hbm>> -> memref<10000xi32, #tpu.memory_space<hbm>>
      tpu.wait_dma2 semaphore(%run_scoped3A : memref<!tpu.dma_semaphore, #tpu.memory_space<semaphore_mem>>) src(%dma_wait3A_72 : memref<10000xi32, #tpu.memory_space<hbm>>) dst(%arg7 : memref<10000xi32, #tpu.memory_space<vmem>>)
      tpu.yield
    }) : () -> ()
    "tpu.region"() ({
      %run_scoped3A = tpu.sem_alloc : memref<!tpu.dma_semaphore, #tpu.memory_space<semaphore_mem>>
      %dma_start3A_69 = arith.constant 0 : i32
      %dma_start3A_70 = arith.constant 0 : i32
      %dma_start3A_71 = tpu.memref_slice %arg4[%add3A, %dma_start3A_69, %dma_start3A_70] : memref<32x96x104xi32, #tpu.memory_space<hbm>> -> memref<1x96x104xi32, #tpu.memory_space<hbm>>
      %dma_start3A_72 = tpu.memref_squeeze %dma_start3A_71 : memref<1x96x104xi32, #tpu.memory_space<hbm>> -> memref<96x104xi32, #tpu.memory_space<hbm>>
      %dma_start3A_73 = arith.constant 0 : i32
      %dma_start3A_74 = arith.constant 0 : i32
      %dma_start3A_75 = tpu.memref_slice %arg4[%add3A, %dma_start3A_73, %dma_start3A_74] : memref<32x96x104xi32, #tpu.memory_space<hbm>> -> memref<1x96x104xi32, #tpu.memory_space<hbm>>
      %dma_start3A_76 = tpu.memref_squeeze %dma_start3A_75 : memref<1x96x104xi32, #tpu.memory_space<hbm>> -> memref<96x104xi32, #tpu.memory_space<hbm>>
      tpu.enqueue_dma source(%dma_start3A_76 : memref<96x104xi32, #tpu.memory_space<hbm>>) target(%arg8 : memref<96x104xi32, #tpu.memory_space<vmem>>) target_semaphore(%run_scoped3A : memref<!tpu.dma_semaphore, #tpu.memory_space<semaphore_mem>>)
      %dma_wait3A_77 = arith.constant 0 : i32
      %dma_wait3A_78 = arith.constant 0 : i32
      %dma_wait3A_79 = tpu.memref_slice %arg4[%add3A, %dma_wait3A_77, %dma_wait3A_78] : memref<32x96x104xi32, #tpu.memory_space<hbm>> -> memref<1x96x104xi32, #tpu.memory_space<hbm>>
      %dma_wait3A_80 = tpu.memref_squeeze %dma_wait3A_79 : memref<1x96x104xi32, #tpu.memory_space<hbm>> -> memref<96x104xi32, #tpu.memory_space<hbm>>
      %dma_wait3A_81 = arith.constant 0 : i32
      %dma_wait3A_82 = arith.constant 0 : i32
      %dma_wait3A_83 = tpu.memref_slice %arg4[%add3A, %dma_wait3A_81, %dma_wait3A_82] : memref<32x96x104xi32, #tpu.memory_space<hbm>> -> memref<1x96x104xi32, #tpu.memory_space<hbm>>
      %dma_wait3A_84 = tpu.memref_squeeze %dma_wait3A_83 : memref<1x96x104xi32, #tpu.memory_space<hbm>> -> memref<96x104xi32, #tpu.memory_space<hbm>>
      tpu.wait_dma2 semaphore(%run_scoped3A : memref<!tpu.dma_semaphore, #tpu.memory_space<semaphore_mem>>) src(%dma_wait3A_84 : memref<96x104xi32, #tpu.memory_space<hbm>>) dst(%arg8 : memref<96x104xi32, #tpu.memory_space<vmem>>)
      tpu.yield
    }) : () -> ()
    %mul3A_37 = arith.constant 10000 : i32
    %mul3A_38 = arith.muli %add3A, %mul3A_37 : i32
    %add3A_39 = arith.constant 9984 : i32
    %add3A_40 = arith.addi %mul3A_38, %add3A_39 : i32
    "tpu.region"() ({
      %run_scoped3A = tpu.sem_alloc : memref<!tpu.dma_semaphore, #tpu.memory_space<semaphore_mem>>
      %dma_start3A_69 = tpu.memref_slice %arg5[%add3A_40] : memref<320000xi32, #tpu.memory_space<hbm>> -> memref<16xi32, #tpu.memory_space<hbm>>
      %dma_start3A_70 = tpu.memref_slice %arg5[%add3A_40] : memref<320000xi32, #tpu.memory_space<hbm>> -> memref<16xi32, #tpu.memory_space<hbm>>
      tpu.enqueue_dma source(%dma_start3A_70 : memref<16xi32, #tpu.memory_space<hbm>>) target(%arg9 : memref<16xi32, #tpu.memory_space<vmem>>) target_semaphore(%run_scoped3A : memref<!tpu.dma_semaphore, #tpu.memory_space<semaphore_mem>>)
      %dma_wait3A_71 = tpu.memref_slice %arg5[%add3A_40] : memref<320000xi32, #tpu.memory_space<hbm>> -> memref<16xi32, #tpu.memory_space<hbm>>
      %dma_wait3A_72 = tpu.memref_slice %arg5[%add3A_40] : memref<320000xi32, #tpu.memory_space<hbm>> -> memref<16xi32, #tpu.memory_space<hbm>>
      tpu.wait_dma2 semaphore(%run_scoped3A : memref<!tpu.dma_semaphore, #tpu.memory_space<semaphore_mem>>) src(%dma_wait3A_72 : memref<16xi32, #tpu.memory_space<hbm>>) dst(%arg9 : memref<16xi32, #tpu.memory_space<vmem>>)
      tpu.yield
    }) : () -> ()
    %dma_start3A = arith.constant 0 : i32
    %dma_start3A_41 = arith.constant 0 : i32
    %dma_start3A_42 = tpu.memref_slice %arg10[%dma_start3A, %dma_start3A_41] : memref<104x128xf32, #tpu.memory_space<vmem>> -> memref<16x128xf32, #tpu.memory_space<vmem>>
    %dma_start3A_43 = arith.constant 9984 : i32
    %dma_start3A_44 = tpu.memref_slice %arg7[%dma_start3A_43] : memref<10000xi32, #tpu.memory_space<vmem>> -> memref<16xi32, #tpu.memory_space<vmem>>
    %dma_start3A_45 = arith.constant 0 : i32
    %dma_start3A_46 = arith.constant 0 : i32
    %dma_start3A_47 = tpu.memref_slice %arg2[%dma_start3A_45, %dma_start3A_46] : memref<10000x128xf32, #tpu.memory_space<hbm>> -> memref<10000x128xf32, #tpu.memory_space<hbm>>
    tpu.enqueue_indirect_dma source(%dma_start3A_47 : memref<10000x128xf32, #tpu.memory_space<hbm>>) target(%dma_start3A_42 : memref<16x128xf32, #tpu.memory_space<vmem>>) offsets(%dma_start3A_44 : memref<16xi32, #tpu.memory_space<vmem>>) semaphore(%arg13 : memref<!tpu.dma_semaphore, #tpu.memory_space<semaphore_mem>>)
    %dma_wait3A = arith.constant 0 : i32
    %dma_wait3A_48 = arith.constant 0 : i32
    %dma_wait3A_49 = tpu.memref_slice %arg10[%dma_wait3A, %dma_wait3A_48] : memref<104x128xf32, #tpu.memory_space<vmem>> -> memref<16x128xf32, #tpu.memory_space<vmem>>
    %dma_wait3A_50 = arith.constant 9984 : i32
    %dma_wait3A_51 = tpu.memref_slice %arg7[%dma_wait3A_50] : memref<10000xi32, #tpu.memory_space<vmem>> -> memref<16xi32, #tpu.memory_space<vmem>>
    %dma_wait3A_52 = arith.constant 0 : i32
    %dma_wait3A_53 = arith.constant 0 : i32
    %dma_wait3A_54 = tpu.memref_slice %arg2[%dma_wait3A_52, %dma_wait3A_53] : memref<10000x128xf32, #tpu.memory_space<hbm>> -> memref<10000x128xf32, #tpu.memory_space<hbm>>
    tpu.wait_indirect_dma semaphore(%arg13 : memref<!tpu.dma_semaphore, #tpu.memory_space<semaphore_mem>>) src(%dma_wait3A_54 : memref<10000x128xf32, #tpu.memory_space<hbm>>) dst(%dma_wait3A_49 : memref<16x128xf32, #tpu.memory_space<vmem>>)
    "tpu.region"() ({
      %run_scoped3A = tpu.sem_alloc : memref<!tpu.dma_semaphore, #tpu.memory_space<semaphore_mem>>
      %dma_start3A_69 = arith.constant 0 : i32
      %dma_start3A_70 = arith.constant 0 : i32
      %dma_start3A_71 = tpu.memref_slice %arg10[%dma_start3A_69, %dma_start3A_70] : memref<104x128xf32, #tpu.memory_space<vmem>> -> memref<16x128xf32, #tpu.memory_space<vmem>>
      %dma_start3A_72 = arith.constant 0 : i32
      %dma_start3A_73 = arith.constant 0 : i32
      %dma_start3A_74 = tpu.memref_slice %arg12[%dma_start3A_72, %dma_start3A_73] : memref<10000x128xf32, #tpu.memory_space<vmem_shared>> -> memref<10000x128xf32, #tpu.memory_space<vmem_shared>>
      tpu.enqueue_indirect_dma source(%dma_start3A_71 : memref<16x128xf32, #tpu.memory_space<vmem>>) target(%dma_start3A_74 : memref<10000x128xf32, #tpu.memory_space<vmem_shared>>) offsets(%arg9 : memref<16xi32, #tpu.memory_space<vmem>>) semaphore(%run_scoped3A : memref<!tpu.dma_semaphore, #tpu.memory_space<semaphore_mem>>) {add = true}
      %dma_wait3A_75 = arith.constant 0 : i32
      %dma_wait3A_76 = arith.constant 0 : i32
      %dma_wait3A_77 = tpu.memref_slice %arg10[%dma_wait3A_75, %dma_wait3A_76] : memref<104x128xf32, #tpu.memory_space<vmem>> -> memref<16x128xf32, #tpu.memory_space<vmem>>
      %dma_wait3A_78 = arith.constant 0 : i32
      %dma_wait3A_79 = arith.constant 0 : i32
      %dma_wait3A_80 = tpu.memref_slice %arg12[%dma_wait3A_78, %dma_wait3A_79] : memref<10000x128xf32, #tpu.memory_space<vmem_shared>> -> memref<10000x128xf32, #tpu.memory_space<vmem_shared>>
      tpu.wait_indirect_dma semaphore(%run_scoped3A : memref<!tpu.dma_semaphore, #tpu.memory_space<semaphore_mem>>) src(%dma_wait3A_77 : memref<16x128xf32, #tpu.memory_space<vmem>>) dst(%dma_wait3A_80 : memref<10000x128xf32, #tpu.memory_space<vmem_shared>>)
      tpu.yield
    }) : () -> ()
    %dma_start3A_55 = arith.constant 0 : i32
    %dma_start3A_56 = tpu.memref_slice %arg7[%dma_start3A_55] : memref<10000xi32, #tpu.memory_space<vmem>> -> memref<104xi32, #tpu.memory_space<vmem>>
    %dma_start3A_57 = arith.constant 0 : i32
    %dma_start3A_58 = arith.constant 0 : i32
    %dma_start3A_59 = tpu.memref_slice %arg2[%dma_start3A_57, %dma_start3A_58] : memref<10000x128xf32, #tpu.memory_space<hbm>> -> memref<10000x128xf32, #tpu.memory_space<hbm>>
    tpu.enqueue_indirect_dma source(%dma_start3A_59 : memref<10000x128xf32, #tpu.memory_space<hbm>>) target(%arg10 : memref<104x128xf32, #tpu.memory_space<vmem>>) offsets(%dma_start3A_56 : memref<104xi32, #tpu.memory_space<vmem>>) semaphore(%arg13 : memref<!tpu.dma_semaphore, #tpu.memory_space<semaphore_mem>>)
    %scan3A_60 = arith.constant 0 : i32
    %scan3A_61 = arith.constant 0 : i32
    %scan3A_62 = arith.constant 96 : i32
    %scan3A_63 = arith.addi %scan3A_61, %scan3A_62 : i32
    %scan3A_64 = arith.constant 1 : i32
    scf.for %scan3A_69 = %scan3A_61 to %scan3A_63 step %scan3A_64  : i32 {
      %jit3A = arith.constant 2 : i32
      %eq3A = arith.constant 0 : i32
      %eq3A_70 = arith.cmpi eq, %jit3A, %eq3A : i32
      %jit3A_71 = arith.constant 1 : i32
      %select_n3A = arith.select %eq3A_70, %jit3A_71, %jit3A : i32
      %rem3A = arith.remsi %scan3A_69, %select_n3A : i32
      %ne3A = arith.constant 0 : i32
      %ne3A_72 = arith.cmpi ne, %rem3A, %ne3A : i32
      %lt3A = arith.constant 0 : i32
      %lt3A_73 = arith.cmpi slt, %rem3A, %lt3A : i32
      %lt3A_74 = arith.constant 0 : i32
      %lt3A_75 = arith.cmpi slt, %select_n3A, %lt3A_74 : i32
      %ne3A_76 = arith.xori %lt3A_73, %lt3A_75 : i1
      %and3A = arith.andi %ne3A_76, %ne3A_72 : i1
      %add3A_77 = arith.addi %rem3A, %select_n3A : i32
      %select_n3A_78 = arith.select %and3A, %add3A_77, %rem3A : i32
      %eq3A_79 = arith.constant 0 : i32
      %eq3A_80 = arith.cmpi eq, %select_n3A_78, %eq3A_79 : i32
      %convert_element_type3A = arith.extui %eq3A_80 : i1 to i32
      %cond3A = arith.constant 0 : i32
      %cond3A_81 = arith.cmpi ne, %convert_element_type3A, %cond3A : i32
      scf.if %cond3A_81 {
        %mul3A_103 = arith.constant 104 : i32
        %mul3A_104 = arith.muli %scan3A_69, %mul3A_103 : i32
        %dma_wait3A_105 = tpu.memref_slice %arg7[%mul3A_104] : memref<10000xi32, #tpu.memory_space<vmem>> -> memref<104xi32, #tpu.memory_space<vmem>>
        %dma_wait3A_106 = arith.constant 0 : i32
        %dma_wait3A_107 = arith.constant 0 : i32
        %dma_wait3A_108 = tpu.memref_slice %arg2[%dma_wait3A_106, %dma_wait3A_107] : memref<10000x128xf32, #tpu.memory_space<hbm>> -> memref<10000x128xf32, #tpu.memory_space<hbm>>
        tpu.wait_indirect_dma semaphore(%arg13 : memref<!tpu.dma_semaphore, #tpu.memory_space<semaphore_mem>>) src(%dma_wait3A_108 : memref<10000x128xf32, #tpu.memory_space<hbm>>) dst(%arg10 : memref<104x128xf32, #tpu.memory_space<vmem>>)
        %add3A_109 = arith.constant 1 : i32
        %add3A_110 = arith.addi %scan3A_69, %add3A_109 : i32
        %lt3A_111 = arith.constant 96 : i32
        %lt3A_112 = arith.cmpi slt, %add3A_110, %lt3A_111 : i32
        %convert_element_type3A_113 = arith.extui %lt3A_112 : i1 to i32
        %cond3A_114 = arith.constant 0 : i32
        %cond3A_115 = arith.cmpi ne, %convert_element_type3A_113, %cond3A_114 : i32
        scf.if %cond3A_115 {
          %add3A_116 = arith.constant 1 : i32
          %add3A_117 = arith.addi %scan3A_69, %add3A_116 : i32
          %mul3A_118 = arith.constant 104 : i32
          %mul3A_119 = arith.muli %add3A_117, %mul3A_118 : i32
          %dma_start3A_120 = tpu.memref_slice %arg7[%mul3A_119] : memref<10000xi32, #tpu.memory_space<vmem>> -> memref<104xi32, #tpu.memory_space<vmem>>
          %dma_start3A_121 = arith.constant 0 : i32
          %dma_start3A_122 = arith.constant 0 : i32
          %dma_start3A_123 = tpu.memref_slice %arg2[%dma_start3A_121, %dma_start3A_122] : memref<10000x128xf32, #tpu.memory_space<hbm>> -> memref<10000x128xf32, #tpu.memory_space<hbm>>
          tpu.enqueue_indirect_dma source(%dma_start3A_123 : memref<10000x128xf32, #tpu.memory_space<hbm>>) target(%arg11 : memref<104x128xf32, #tpu.memory_space<vmem>>) offsets(%dma_start3A_120 : memref<104xi32, #tpu.memory_space<vmem>>) semaphore(%arg14 : memref<!tpu.dma_semaphore, #tpu.memory_space<semaphore_mem>>)
        } else {
        }
        "tpu.region"() ({
          %run_scoped3A = tpu.sem_alloc : memref<!tpu.dma_semaphore, #tpu.memory_space<semaphore_mem>>
          %dma_start3A_116 = arith.constant 0 : i32
          %dma_start3A_117 = tpu.memref_slice %arg8[%scan3A_69, %dma_start3A_116] : memref<96x104xi32, #tpu.memory_space<vmem>> -> memref<1x104xi32, #tpu.memory_space<vmem>>
          %dma_start3A_118 = tpu.memref_squeeze %dma_start3A_117 : memref<1x104xi32, #tpu.memory_space<vmem>> -> memref<104xi32, #tpu.memory_space<vmem>>
          %dma_start3A_119 = arith.constant 0 : i32
          %dma_start3A_120 = arith.constant 0 : i32
          %dma_start3A_121 = tpu.memref_slice %arg12[%dma_start3A_119, %dma_start3A_120] : memref<10000x128xf32, #tpu.memory_space<vmem_shared>> -> memref<10000x128xf32, #tpu.memory_space<vmem_shared>>
          tpu.enqueue_indirect_dma source(%arg10 : memref<104x128xf32, #tpu.memory_space<vmem>>) target(%dma_start3A_121 : memref<10000x128xf32, #tpu.memory_space<vmem_shared>>) offsets(%dma_start3A_118 : memref<104xi32, #tpu.memory_space<vmem>>) semaphore(%run_scoped3A : memref<!tpu.dma_semaphore, #tpu.memory_space<semaphore_mem>>) {add = true}
          %dma_wait3A_122 = arith.constant 0 : i32
          %dma_wait3A_123 = tpu.memref_slice %arg8[%scan3A_69, %dma_wait3A_122] : memref<96x104xi32, #tpu.memory_space<vmem>> -> memref<1x104xi32, #tpu.memory_space<vmem>>
          %dma_wait3A_124 = tpu.memref_squeeze %dma_wait3A_123 : memref<1x104xi32, #tpu.memory_space<vmem>> -> memref<104xi32, #tpu.memory_space<vmem>>
          %dma_wait3A_125 = arith.constant 0 : i32
          %dma_wait3A_126 = arith.constant 0 : i32
          %dma_wait3A_127 = tpu.memref_slice %arg12[%dma_wait3A_125, %dma_wait3A_126] : memref<10000x128xf32, #tpu.memory_space<vmem_shared>> -> memref<10000x128xf32, #tpu.memory_space<vmem_shared>>
          tpu.wait_indirect_dma semaphore(%run_scoped3A : memref<!tpu.dma_semaphore, #tpu.memory_space<semaphore_mem>>) src(%arg10 : memref<104x128xf32, #tpu.memory_space<vmem>>) dst(%dma_wait3A_127 : memref<10000x128xf32, #tpu.memory_space<vmem_shared>>)
          tpu.yield
        }) : () -> ()
      } else {
      }
      %jit3A_82 = arith.constant 2 : i32
      %eq3A_83 = arith.constant 0 : i32
      %eq3A_84 = arith.cmpi eq, %jit3A_82, %eq3A_83 : i32
      %jit3A_85 = arith.constant 1 : i32
      %select_n3A_86 = arith.select %eq3A_84, %jit3A_85, %jit3A_82 : i32
      %rem3A_87 = arith.remsi %scan3A_69, %select_n3A_86 : i32
      %ne3A_88 = arith.constant 0 : i32
      %ne3A_89 = arith.cmpi ne, %rem3A_87, %ne3A_88 : i32
      %lt3A_90 = arith.constant 0 : i32
      %lt3A_91 = arith.cmpi slt, %rem3A_87, %lt3A_90 : i32
      %lt3A_92 = arith.constant 0 : i32
      %lt3A_93 = arith.cmpi slt, %select_n3A_86, %lt3A_92 : i32
      %ne3A_94 = arith.xori %lt3A_91, %lt3A_93 : i1
      %and3A_95 = arith.andi %ne3A_94, %ne3A_89 : i1
      %add3A_96 = arith.addi %rem3A_87, %select_n3A_86 : i32
      %select_n3A_97 = arith.select %and3A_95, %add3A_96, %rem3A_87 : i32
      %eq3A_98 = arith.constant 1 : i32
      %eq3A_99 = arith.cmpi eq, %select_n3A_97, %eq3A_98 : i32
      %convert_element_type3A_100 = arith.extui %eq3A_99 : i1 to i32
      %cond3A_101 = arith.constant 0 : i32
      %cond3A_102 = arith.cmpi ne, %convert_element_type3A_100, %cond3A_101 : i32
      scf.if %cond3A_102 {
        %mul3A_103 = arith.constant 104 : i32
        %mul3A_104 = arith.muli %scan3A_69, %mul3A_103 : i32
        %dma_wait3A_105 = tpu.memref_slice %arg7[%mul3A_104] : memref<10000xi32, #tpu.memory_space<vmem>> -> memref<104xi32, #tpu.memory_space<vmem>>
        %dma_wait3A_106 = arith.constant 0 : i32
        %dma_wait3A_107 = arith.constant 0 : i32
        %dma_wait3A_108 = tpu.memref_slice %arg2[%dma_wait3A_106, %dma_wait3A_107] : memref<10000x128xf32, #tpu.memory_space<hbm>> -> memref<10000x128xf32, #tpu.memory_space<hbm>>
        tpu.wait_indirect_dma semaphore(%arg14 : memref<!tpu.dma_semaphore, #tpu.memory_space<semaphore_mem>>) src(%dma_wait3A_108 : memref<10000x128xf32, #tpu.memory_space<hbm>>) dst(%arg11 : memref<104x128xf32, #tpu.memory_space<vmem>>)
        %add3A_109 = arith.constant 1 : i32
        %add3A_110 = arith.addi %scan3A_69, %add3A_109 : i32
        %lt3A_111 = arith.constant 96 : i32
        %lt3A_112 = arith.cmpi slt, %add3A_110, %lt3A_111 : i32
        %convert_element_type3A_113 = arith.extui %lt3A_112 : i1 to i32
        %cond3A_114 = arith.constant 0 : i32
        %cond3A_115 = arith.cmpi ne, %convert_element_type3A_113, %cond3A_114 : i32
        scf.if %cond3A_115 {
          %add3A_116 = arith.constant 1 : i32
          %add3A_117 = arith.addi %scan3A_69, %add3A_116 : i32
          %mul3A_118 = arith.constant 104 : i32
          %mul3A_119 = arith.muli %add3A_117, %mul3A_118 : i32
          %dma_start3A_120 = tpu.memref_slice %arg7[%mul3A_119] : memref<10000xi32, #tpu.memory_space<vmem>> -> memref<104xi32, #tpu.memory_space<vmem>>
          %dma_start3A_121 = arith.constant 0 : i32
          %dma_start3A_122 = arith.constant 0 : i32
          %dma_start3A_123 = tpu.memref_slice %arg2[%dma_start3A_121, %dma_start3A_122] : memref<10000x128xf32, #tpu.memory_space<hbm>> -> memref<10000x128xf32, #tpu.memory_space<hbm>>
          tpu.enqueue_indirect_dma source(%dma_start3A_123 : memref<10000x128xf32, #tpu.memory_space<hbm>>) target(%arg10 : memref<104x128xf32, #tpu.memory_space<vmem>>) offsets(%dma_start3A_120 : memref<104xi32, #tpu.memory_space<vmem>>) semaphore(%arg13 : memref<!tpu.dma_semaphore, #tpu.memory_space<semaphore_mem>>)
        } else {
        }
        "tpu.region"() ({
          %run_scoped3A = tpu.sem_alloc : memref<!tpu.dma_semaphore, #tpu.memory_space<semaphore_mem>>
          %dma_start3A_116 = arith.constant 0 : i32
          %dma_start3A_117 = tpu.memref_slice %arg8[%scan3A_69, %dma_start3A_116] : memref<96x104xi32, #tpu.memory_space<vmem>> -> memref<1x104xi32, #tpu.memory_space<vmem>>
          %dma_start3A_118 = tpu.memref_squeeze %dma_start3A_117 : memref<1x104xi32, #tpu.memory_space<vmem>> -> memref<104xi32, #tpu.memory_space<vmem>>
          %dma_start3A_119 = arith.constant 0 : i32
          %dma_start3A_120 = arith.constant 0 : i32
          %dma_start3A_121 = tpu.memref_slice %arg12[%dma_start3A_119, %dma_start3A_120] : memref<10000x128xf32, #tpu.memory_space<vmem_shared>> -> memref<10000x128xf32, #tpu.memory_space<vmem_shared>>
          tpu.enqueue_indirect_dma source(%arg11 : memref<104x128xf32, #tpu.memory_space<vmem>>) target(%dma_start3A_121 : memref<10000x128xf32, #tpu.memory_space<vmem_shared>>) offsets(%dma_start3A_118 : memref<104xi32, #tpu.memory_space<vmem>>) semaphore(%run_scoped3A : memref<!tpu.dma_semaphore, #tpu.memory_space<semaphore_mem>>) {add = true}
          %dma_wait3A_122 = arith.constant 0 : i32
          %dma_wait3A_123 = tpu.memref_slice %arg8[%scan3A_69, %dma_wait3A_122] : memref<96x104xi32, #tpu.memory_space<vmem>> -> memref<1x104xi32, #tpu.memory_space<vmem>>
          %dma_wait3A_124 = tpu.memref_squeeze %dma_wait3A_123 : memref<1x104xi32, #tpu.memory_space<vmem>> -> memref<104xi32, #tpu.memory_space<vmem>>
          %dma_wait3A_125 = arith.constant 0 : i32
          %dma_wait3A_126 = arith.constant 0 : i32
          %dma_wait3A_127 = tpu.memref_slice %arg12[%dma_wait3A_125, %dma_wait3A_126] : memref<10000x128xf32, #tpu.memory_space<vmem_shared>> -> memref<10000x128xf32, #tpu.memory_space<vmem_shared>>
          tpu.wait_indirect_dma semaphore(%run_scoped3A : memref<!tpu.dma_semaphore, #tpu.memory_space<semaphore_mem>>) src(%arg11 : memref<104x128xf32, #tpu.memory_space<vmem>>) dst(%dma_wait3A_127 : memref<10000x128xf32, #tpu.memory_space<vmem_shared>>)
          tpu.yield
        }) : () -> ()
      } else {
      }
    }
    %scan3A_65 = arith.constant 96 : i32
    %barrier3A_66 = arith.constant 0 : index
    tpu.barrier barrier_id(%barrier3A_66)
    %mul3A_67 = arith.constant 625 : i32
    %mul3A_68 = arith.muli %arg1, %mul3A_67 : i32
    "tpu.region"() ({
      %run_scoped3A = tpu.sem_alloc : memref<!tpu.dma_semaphore, #tpu.memory_space<semaphore_mem>>
      %dma_start3A_69 = arith.constant 0 : i32
      %dma_start3A_70 = arith.constant 0 : i32
      %dma_start3A_71 = tpu.memref_slice %arg6[%arg0, %arg1, %dma_start3A_69, %dma_start3A_70] : memref<2x16x625x128xf32, #tpu.memory_space<hbm>> -> memref<1x1x625x128xf32, #tpu.memory_space<hbm>>
      %dma_start3A_72 = tpu.memref_squeeze %dma_start3A_71 : memref<1x1x625x128xf32, #tpu.memory_space<hbm>> -> memref<625x128xf32, #tpu.memory_space<hbm>>
      %dma_start3A_73 = arith.constant 0 : i32
      %dma_start3A_74 = tpu.memref_slice %arg12[%mul3A_68, %dma_start3A_73] : memref<10000x128xf32, #tpu.memory_space<vmem_shared>> -> memref<625x128xf32, #tpu.memory_space<vmem_shared>>
      tpu.enqueue_dma source(%dma_start3A_74 : memref<625x128xf32, #tpu.memory_space<vmem_shared>>) target(%dma_start3A_72 : memref<625x128xf32, #tpu.memory_space<hbm>>) target_semaphore(%run_scoped3A : memref<!tpu.dma_semaphore, #tpu.memory_space<semaphore_mem>>)
      %dma_wait3A_75 = arith.constant 0 : i32
      %dma_wait3A_76 = arith.constant 0 : i32
      %dma_wait3A_77 = tpu.memref_slice %arg6[%arg0, %arg1, %dma_wait3A_75, %dma_wait3A_76] : memref<2x16x625x128xf32, #tpu.memory_space<hbm>> -> memref<1x1x625x128xf32, #tpu.memory_space<hbm>>
      %dma_wait3A_78 = tpu.memref_squeeze %dma_wait3A_77 : memref<1x1x625x128xf32, #tpu.memory_space<hbm>> -> memref<625x128xf32, #tpu.memory_space<hbm>>
      %dma_wait3A_79 = arith.constant 0 : i32
      %dma_wait3A_80 = tpu.memref_slice %arg12[%mul3A_68, %dma_wait3A_79] : memref<10000x128xf32, #tpu.memory_space<vmem_shared>> -> memref<625x128xf32, #tpu.memory_space<vmem_shared>>
      tpu.wait_dma2 semaphore(%run_scoped3A : memref<!tpu.dma_semaphore, #tpu.memory_space<semaphore_mem>>) src(%dma_wait3A_80 : memref<625x128xf32, #tpu.memory_space<vmem_shared>>) dst(%dma_wait3A_78 : memref<625x128xf32, #tpu.memory_space<hbm>>)
      tpu.yield
    }) : () -> ()
    return
  }
}

module attributes {stable_mosaic.version = 14 : i64} {
  func.func @_tc_first_body(%arg0: memref<10000x16xf32, #tpu.memory_space<vmem>>, %arg1: memref<10000x16xf32, #tpu.memory_space<vmem>>, %arg2: memref<10000x128xf32, #tpu.memory_space<vmem>>, %arg3: memref<128x128xf32, #tpu.memory_space<vmem>>, %arg4: memref<10000x128xf32, #tpu.memory_space<vmem>>) attributes {dimension_semantics = [], scalar_prefetch = 0 : i64, scratch_operands = 0 : i64, tpu.core_type = #tpu.core_type<tc>} {
    %get3A = arith.constant 0 : index
    %get3A_0 = arith.constant 0 : index
    %get3A_1 = vector.load %arg0[%get3A, %get3A_0] : memref<10000x16xf32, #tpu.memory_space<vmem>>, vector<10000x1xf32>
    %get3A_2 = arith.constant 0 : index
    %get3A_3 = arith.constant 0 : index
    %get3A_4 = vector.load %arg1[%get3A_2, %get3A_3] : memref<10000x16xf32, #tpu.memory_space<vmem>>, vector<10000x1xf32>
    %add3A = arith.addf %get3A_1, %get3A_4 : vector<10000x1xf32>
    %add3A_5 = arith.constant 1.000000e+00 : f32
    %add3A_6 = vector.broadcast %add3A_5 : f32 to vector<10000x1xf32>
    %add3A_7 = arith.addf %add3A, %add3A_6 : vector<10000x1xf32>
    %rsqrt3A = math.rsqrt %add3A_7 : vector<10000x1xf32>
    %get3A_8 = arith.constant 0 : index
    %get3A_9 = arith.constant 0 : index
    %get3A_10 = vector.load %arg2[%get3A_8, %get3A_9] : memref<10000x128xf32, #tpu.memory_space<vmem>>, vector<10000x128xf32>
    %get3A_11 = arith.constant 0 : index
    %get3A_12 = arith.constant 0 : index
    %get3A_13 = vector.load %arg3[%get3A_11, %get3A_12] : memref<128x128xf32, #tpu.memory_space<vmem>>, vector<128x128xf32>
    %dot_general3A = arith.constant dense<0.000000e+00> : vector<10000x128xf32>
    %dot_general3A_14 = tpu.matmul %get3A_10, %get3A_13, %dot_general3A {dimension_numbers = #tpu.dot_dimension_numbers<[1], [0], [0], [1], [0, 0, 1, 1], [], []>, transpose_lhs_hint = false} : vector<10000x128xf32>, vector<128x128xf32>, vector<10000x128xf32> -> vector<10000x128xf32>
    %mul3A = vector.broadcast %rsqrt3A : vector<10000x1xf32> to vector<10000x128xf32>
    %mul3A_15 = arith.mulf %mul3A, %dot_general3A_14 : vector<10000x128xf32>
    %swap3A = arith.constant 0 : index
    %swap3A_16 = arith.constant 0 : index
    %swap3A_17 = vector.load %arg4[%swap3A, %swap3A_16] : memref<10000x128xf32, #tpu.memory_space<vmem>>, vector<10000x128xf32>
    tpu.vector_store %arg4[%swap3A, %swap3A_16], %mul3A_15 {strides = array<i32>} : memref<10000x128xf32, #tpu.memory_space<vmem>>, vector<10000x128xf32>,
    return
  }
}

module attributes {stable_mosaic.version = 14 : i64} {
  func.func @_tc_mid_body(%arg0: memref<10000x16xf32, #tpu.memory_space<vmem>>, %arg1: memref<10000x16xf32, #tpu.memory_space<vmem>>, %arg2: memref<10000x128xf32, #tpu.memory_space<vmem>>, %arg3: memref<10000x128xf32, #tpu.memory_space<vmem>>, %arg4: memref<10000x128xf32, #tpu.memory_space<vmem>>, %arg5: memref<1x128xf32, #tpu.memory_space<vmem>>, %arg6: memref<128x128xf32, #tpu.memory_space<vmem>>, %arg7: memref<10000x128xf32, #tpu.memory_space<vmem>>) attributes {dimension_semantics = [], scalar_prefetch = 0 : i64, scratch_operands = 0 : i64, tpu.core_type = #tpu.core_type<tc>} {
    %get3A = arith.constant 0 : index
    %get3A_0 = arith.constant 0 : index
    %get3A_1 = vector.load %arg0[%get3A, %get3A_0] : memref<10000x16xf32, #tpu.memory_space<vmem>>, vector<10000x1xf32>
    %get3A_2 = arith.constant 0 : index
    %get3A_3 = arith.constant 0 : index
    %get3A_4 = vector.load %arg1[%get3A_2, %get3A_3] : memref<10000x16xf32, #tpu.memory_space<vmem>>, vector<10000x1xf32>
    %add3A = arith.addf %get3A_1, %get3A_4 : vector<10000x1xf32>
    %add3A_5 = arith.constant 1.000000e+00 : f32
    %add3A_6 = vector.broadcast %add3A_5 : f32 to vector<10000x1xf32>
    %add3A_7 = arith.addf %add3A, %add3A_6 : vector<10000x1xf32>
    %rsqrt3A = math.rsqrt %add3A_7 : vector<10000x1xf32>
    %get3A_8 = arith.constant 0 : index
    %get3A_9 = arith.constant 0 : index
    %get3A_10 = vector.load %arg2[%get3A_8, %get3A_9] : memref<10000x128xf32, #tpu.memory_space<vmem>>, vector<10000x128xf32>
    %get3A_11 = arith.constant 0 : index
    %get3A_12 = arith.constant 0 : index
    %get3A_13 = vector.load %arg3[%get3A_11, %get3A_12] : memref<10000x128xf32, #tpu.memory_space<vmem>>, vector<10000x128xf32>
    %add3A_14 = arith.addf %get3A_10, %get3A_13 : vector<10000x128xf32>
    %get3A_15 = arith.constant 0 : index
    %get3A_16 = arith.constant 0 : index
    %get3A_17 = vector.load %arg4[%get3A_15, %get3A_16] : memref<10000x128xf32, #tpu.memory_space<vmem>>, vector<10000x128xf32>
    %add3A_18 = arith.addf %add3A_14, %get3A_17 : vector<10000x128xf32>
    %mul3A = vector.broadcast %rsqrt3A : vector<10000x1xf32> to vector<10000x128xf32>
    %mul3A_19 = arith.mulf %mul3A, %add3A_18 : vector<10000x128xf32>
    %get3A_20 = arith.constant 0 : index
    %get3A_21 = arith.constant 0 : index
    %get3A_22 = vector.load %arg5[%get3A_20, %get3A_21] : memref<1x128xf32, #tpu.memory_space<vmem>>, vector<1x128xf32>
    %add3A_23 = vector.broadcast %get3A_22 : vector<1x128xf32> to vector<10000x128xf32>
    %add3A_24 = arith.addf %mul3A_19, %add3A_23 : vector<10000x128xf32>
    %max3A = arith.constant 0.000000e+00 : f32
    %max3A_25 = vector.broadcast %max3A : f32 to vector<10000x128xf32>
    %max3A_26 = arith.maximumf %add3A_24, %max3A_25 : vector<10000x128xf32>
    %get3A_27 = arith.constant 0 : index
    %get3A_28 = arith.constant 0 : index
    %get3A_29 = vector.load %arg6[%get3A_27, %get3A_28] : memref<128x128xf32, #tpu.memory_space<vmem>>, vector<128x128xf32>
    %dot_general3A = arith.constant dense<0.000000e+00> : vector<10000x128xf32>
    %dot_general3A_30 = tpu.matmul %max3A_26, %get3A_29, %dot_general3A {dimension_numbers = #tpu.dot_dimension_numbers<[1], [0], [0], [1], [0, 0, 1, 1], [], []>, transpose_lhs_hint = false} : vector<10000x128xf32>, vector<128x128xf32>, vector<10000x128xf32> -> vector<10000x128xf32>
    %mul3A_31 = vector.broadcast %rsqrt3A : vector<10000x1xf32> to vector<10000x128xf32>
    %mul3A_32 = arith.mulf %mul3A_31, %dot_general3A_30 : vector<10000x128xf32>
    %swap3A = arith.constant 0 : index
    %swap3A_33 = arith.constant 0 : index
    %swap3A_34 = vector.load %arg7[%swap3A, %swap3A_33] : memref<10000x128xf32, #tpu.memory_space<vmem>>, vector<10000x128xf32>
    tpu.vector_store %arg7[%swap3A, %swap3A_33], %mul3A_32 {strides = array<i32>} : memref<10000x128xf32, #tpu.memory_space<vmem>>, vector<10000x128xf32>,
    return
  }
}

module attributes {stable_mosaic.version = 14 : i64} {
  func.func @_tc_final_body(%arg0: memref<10000x16xf32, #tpu.memory_space<vmem>>, %arg1: memref<10000x16xf32, #tpu.memory_space<vmem>>, %arg2: memref<10000x128xf32, #tpu.memory_space<vmem>>, %arg3: memref<10000x128xf32, #tpu.memory_space<vmem>>, %arg4: memref<10000x128xf32, #tpu.memory_space<vmem>>, %arg5: memref<1x128xf32, #tpu.memory_space<vmem>>, %arg6: memref<1x10000xi32, #tpu.memory_space<vmem>>, %arg7: memref<128x4xf32, #tpu.memory_space<vmem>>, %arg8: memref<1x4xf32, #tpu.memory_space<vmem>>, %arg9: memref<64x4xf32, #tpu.memory_space<vmem>>) attributes {dimension_semantics = [], scalar_prefetch = 0 : i64, scratch_operands = 0 : i64, tpu.core_type = #tpu.core_type<tc>} {
    %get3A = arith.constant 0 : index
    %get3A_0 = arith.constant 0 : index
    %get3A_1 = vector.load %arg0[%get3A, %get3A_0] : memref<10000x16xf32, #tpu.memory_space<vmem>>, vector<10000x1xf32>
    %get3A_2 = arith.constant 0 : index
    %get3A_3 = arith.constant 0 : index
    %get3A_4 = vector.load %arg1[%get3A_2, %get3A_3] : memref<10000x16xf32, #tpu.memory_space<vmem>>, vector<10000x1xf32>
    %add3A = arith.addf %get3A_1, %get3A_4 : vector<10000x1xf32>
    %add3A_5 = arith.constant 1.000000e+00 : f32
    %add3A_6 = vector.broadcast %add3A_5 : f32 to vector<10000x1xf32>
    %add3A_7 = arith.addf %add3A, %add3A_6 : vector<10000x1xf32>
    %rsqrt3A = math.rsqrt %add3A_7 : vector<10000x1xf32>
    %get3A_8 = arith.constant 0 : index
    %get3A_9 = arith.constant 0 : index
    %get3A_10 = vector.load %arg2[%get3A_8, %get3A_9] : memref<10000x128xf32, #tpu.memory_space<vmem>>, vector<10000x128xf32>
    %get3A_11 = arith.constant 0 : index
    %get3A_12 = arith.constant 0 : index
    %get3A_13 = vector.load %arg3[%get3A_11, %get3A_12] : memref<10000x128xf32, #tpu.memory_space<vmem>>, vector<10000x128xf32>
    %add3A_14 = arith.addf %get3A_10, %get3A_13 : vector<10000x128xf32>
    %get3A_15 = arith.constant 0 : index
    %get3A_16 = arith.constant 0 : index
    %get3A_17 = vector.load %arg4[%get3A_15, %get3A_16] : memref<10000x128xf32, #tpu.memory_space<vmem>>, vector<10000x128xf32>
    %add3A_18 = arith.addf %add3A_14, %get3A_17 : vector<10000x128xf32>
    %mul3A = vector.broadcast %rsqrt3A : vector<10000x1xf32> to vector<10000x128xf32>
    %mul3A_19 = arith.mulf %mul3A, %add3A_18 : vector<10000x128xf32>
    %get3A_20 = arith.constant 0 : index
    %get3A_21 = arith.constant 0 : index
    %get3A_22 = vector.load %arg5[%get3A_20, %get3A_21] : memref<1x128xf32, #tpu.memory_space<vmem>>, vector<1x128xf32>
    %add3A_23 = vector.broadcast %get3A_22 : vector<1x128xf32> to vector<10000x128xf32>
    %add3A_24 = arith.addf %mul3A_19, %add3A_23 : vector<10000x128xf32>
    %iota3A = tpu.iota {dimensions = array<i32: 0>} : vector<64x10000xi32>
    %get3A_25 = arith.constant 0 : index
    %get3A_26 = arith.constant 0 : index
    %get3A_27 = vector.load %arg6[%get3A_25, %get3A_26] : memref<1x10000xi32, #tpu.memory_space<vmem>>, vector<1x10000xi32>
    %eq3A = vector.broadcast %get3A_27 : vector<1x10000xi32> to vector<64x10000xi32>
    %eq3A_28 = arith.cmpi eq, %iota3A, %eq3A : vector<64x10000xi32>
    %convert_element_type3A = arith.extui %eq3A_28 : vector<64x10000xi1> to vector<64x10000xi32>
    %convert_element_type3A_29 = arith.sitofp %convert_element_type3A : vector<64x10000xi32> to vector<64x10000xf32>
    %dot_general3A = arith.constant dense<0.000000e+00> : vector<64x128xf32>
    %dot_general3A_30 = tpu.matmul %convert_element_type3A_29, %add3A_24, %dot_general3A {dimension_numbers = #tpu.dot_dimension_numbers<[1], [0], [0], [1], [0, 0, 1, 1], [], []>, transpose_lhs_hint = false} : vector<64x10000xf32>, vector<10000x128xf32>, vector<64x128xf32> -> vector<64x128xf32>
    %reduce_sum3A = arith.constant dense<0.000000e+00> : vector<64xf32>
    %reduce_sum3A_31 = vector.multi_reduction <add>, %convert_element_type3A_29, %reduce_sum3A [1] : vector<64x10000xf32> to vector<64xf32>
    %broadcast_in_dim3A = vector.shape_cast %reduce_sum3A_31 : vector<64xf32> to vector<64x1xf32>
    %max3A = arith.constant 1.000000e+00 : f32
    %max3A_32 = vector.broadcast %max3A : f32 to vector<64x1xf32>
    %max3A_33 = arith.maximumf %broadcast_in_dim3A, %max3A_32 : vector<64x1xf32>
    %div3A = vector.broadcast %max3A_33 : vector<64x1xf32> to vector<64x128xf32>
    %div3A_34 = arith.divf %dot_general3A_30, %div3A : vector<64x128xf32>
    %get3A_35 = arith.constant 0 : index
    %get3A_36 = arith.constant 0 : index
    %get3A_37 = vector.load %arg7[%get3A_35, %get3A_36] : memref<128x4xf32, #tpu.memory_space<vmem>>, vector<128x4xf32>
    %dot_general3A_38 = arith.constant dense<0.000000e+00> : vector<64x4xf32>
    %dot_general3A_39 = tpu.matmul %div3A_34, %get3A_37, %dot_general3A_38 {dimension_numbers = #tpu.dot_dimension_numbers<[1], [0], [0], [1], [0, 0, 1, 1], [], []>, transpose_lhs_hint = false} : vector<64x128xf32>, vector<128x4xf32>, vector<64x4xf32> -> vector<64x4xf32>
    %get3A_40 = arith.constant 0 : index
    %get3A_41 = arith.constant 0 : index
    %get3A_42 = vector.load %arg8[%get3A_40, %get3A_41] : memref<1x4xf32, #tpu.memory_space<vmem>>, vector<1x4xf32>
    %add3A_43 = vector.broadcast %get3A_42 : vector<1x4xf32> to vector<64x4xf32>
    %add3A_44 = arith.addf %dot_general3A_39, %add3A_43 : vector<64x4xf32>
    %reduce_max3A = arith.constant dense<0xFF800000> : vector<64xf32>
    %reduce_max3A_45 = vector.multi_reduction <maximumf>, %add3A_44, %reduce_max3A [1] : vector<64x4xf32> to vector<64xf32>
    %broadcast_in_dim3A_46 = vector.shape_cast %reduce_max3A_45 : vector<64xf32> to vector<64x1xf32>
    %sub3A = vector.broadcast %broadcast_in_dim3A_46 : vector<64x1xf32> to vector<64x4xf32>
    %sub3A_47 = arith.subf %add3A_44, %sub3A : vector<64x4xf32>
    %exp3A = math.exp %sub3A_47 : vector<64x4xf32>
    %reduce_sum3A_48 = arith.constant dense<0.000000e+00> : vector<64xf32>
    %reduce_sum3A_49 = vector.multi_reduction <add>, %exp3A, %reduce_sum3A_48 [1] : vector<64x4xf32> to vector<64xf32>
    %broadcast_in_dim3A_50 = vector.shape_cast %reduce_sum3A_49 : vector<64xf32> to vector<64x1xf32>
    %log3A = math.log %broadcast_in_dim3A_50 : vector<64x1xf32>
    %add3A_51 = arith.addf %log3A, %broadcast_in_dim3A_46 : vector<64x1xf32>
    %sub3A_52 = vector.broadcast %add3A_51 : vector<64x1xf32> to vector<64x4xf32>
    %sub3A_53 = arith.subf %add3A_44, %sub3A_52 : vector<64x4xf32>
    %swap3A = arith.constant 0 : index
    %swap3A_54 = arith.constant 0 : index
    %swap3A_55 = vector.load %arg9[%swap3A, %swap3A_54] : memref<64x4xf32, #tpu.memory_space<vmem>>, vector<64x4xf32>
    tpu.vector_store %arg9[%swap3A, %swap3A_54], %sub3A_53 {strides = array<i32>} : memref<64x4xf32, #tpu.memory_space<vmem>>, vector<64x4xf32>,
    return
  }
}

</mosaic_0001>

<sc_bundles>
// kernel: kernel.10.cloned.1.call-start
scs
__scs_entry_jumppad:
0x0: {  	(pc) =	sbr.rel $0x88, $3  }
0x1: {  	(tag) =	ssettag $0x0;
	lr =	simm.s32 $0x1  }
0x2: {  	[smem:$0x3F96] =	sst lr;
	_ =	strace $0xD0000000  }
0x3: {  	_ = 	snop  }
0x4: {  	_ = 	snop  }
0x5: {  	_ = 	snop  }
0x6: {  	_ = 	snop  }
0x7: {  	_ = 	snop  }
__scs_overlays_trampoline_lowered:
0x8: {  	[smem:$0x3FA5] =	sst s0  }
0x9: {  	[smem:$0x3FA6] =	sst s1  }
0xa: {  	[smem:$0x3FA7] =	sst s2  }
0xb: {  	[smem:$0x3FA8] =	sst s3  }
0xc: {  	[smem:$0x3FA9] =	sst s4  }
0xd: {  	[smem:$0x3FAA] =	sst s5  }
0xe: {  	[smem:$0x3FAB] =	sst s6  }
0xf: {  	[smem:$0x3FAC] =	sst s7  }
0x10: {  	[smem:$0x3FAD] =	sst s8  }
0x11: {  	[smem:$0x3FAE] =	sst s9;
	s0 =	simm.s32 @!p0 $0x0  }
0x12: {  	s1 =	sld [smem:$0x3F94];
	s0 =	simm.s32 @p0 $0x1  }
0x13: {  	[smem:$0x3FAF] =	sst s0;
	s0 =	simm.s32 @!p1 $0x0  }
0x14: {  	s2 =	sld [smem:$0x3F93];
	s0 =	simm.s32 @p1 $0x1  }
0x15: {  	[smem:$0x3FB0] =	sst s0;
	s0 =	simm.s32 @!p2 $0x0  }
0x16: {  	s3 =	sld [smem:$0x3FDB];
	s0 =	simm.s32 @p2 $0x1  }
0x17: {  	s4 =	simm.s32 $0x1BF5;
	[smem:$0x3FB2] =	sst s0  }
0x18: {  	s0 =	sld [smem:$0x3F95];
	_ =	swait.ge [sflag:s4], $0x0  }
0x19: {  	s7 =	sld [smem:$0x3F96]  }
0x1a: {  	s8 =	sadd.s32 $0xFFFFE003, lr  }
0x1b: {  	s9 =	sadd.s32 $0xFFFFFEF7, lr;
	s5 =	simm.s32 $0xFFFFFFFF;
	p2 =	slt.u32 s8, $0xFFFFF086  }
0x1c: {  	p1 =	slt.u32 s9, $0xF7A;
	s5 =	simm.s32 @!p2 $0x0  }
0x1d: {  	s5 =	simm.s32 @p1 $0x1;
	p0 =	seq.s32 s7, s2  }
0x1e: {  	s7 =	smul.u32 @!p0 $0xF7A, s2;
	p2 =	seq.s32 @!p0 s5, $0x0  }
0x1f: {  	s9 =	smul.u32 $0xF7A, s1;
	s8 =	simm.s32 @!p0 $0x1BF5;
	p2 =	por !p2, p0  }
0x20: {  	[sflag:s8] =	ssyncset.s32 @!p0 $0xFFFFF086;
	s6 =	sadd.s32 @!p0 s3, s7;
	s7 =	simm.s32 @!p0 $0x108  }
0x21: {  	s3 =	sadd.s32 s3, s9;
	s6 =	sadd.s32 @!p0 $0x88, s6;
	s7 =	simm.s32 @p2 $0x1082  }
0x22: {  	[simem:s7], [sflag:s8] =	dma.local @!p0 [hbm:s6], $0xF7A  }
0x23: {  	s9 =	sor.u32 $0xD0000000, s2;
	s6 =	simm.s32 $0x108;
	_ =	swait.ge @!p0 [sflag:s8], $0x0  }
0x24: {  	s3 =	sadd.s32 $0x88, s3;
	s6 =	simm.s32 @!p1 $0x1082;
	[sflag:s4] =	ssyncset.s32 $0xFFFFF086  }
0x25: {  	[simem:s6], [sflag:s4] =	dma.local [hbm:s3], $0xF7A  }
0x26: {  	[smem:$0x3F96] =	sst s1;
	(tag) =	ssettag s2;
	_ =	strace s9  }
0x27: {  	s1 =	sld [smem:$0x3FA6]  }
0x28: {  	s2 =	sld [smem:$0x3FA7]  }
0x29: {  	s4 =	sld [smem:$0x3FA9]  }
0x2a: {  	p0 =	seq.s32 s5, $0x0;
	s5 =	sld [smem:$0x3FAA]  }
0x2b: {  	s6 =	sld [smem:$0x3FAB]  }
0x2c: {  	s7 =	sld [smem:$0x3FAC]  }
0x2d: {  	s3 =	simm.s32 $0x108;
	s8 =	sld [smem:$0x3FAD]  }
0x2e: {  	s3 =	simm.s32 @!p0 $0x1082;
	s9 =	sld [smem:$0x3FAE]  }
0x2f: {  	lr =	sadd.s32 s0, s3;
	s0 =	sld [smem:$0x3FA5]  }
0x30: {  	s3 =	sld [smem:$0x3FA8]  }
0x31: {  	[smem:$0x3FB1] =	sst s10  }
0x32: {  	s10 =	sld [smem:$0x3FAF];
	_ =	sdelay $0x3  }
0x33: {  	p0 =	seq.s32 s10, $0x1;
	s10 =	sld [smem:$0x3FB1];
	_ =	sdelay $0x3  }
0x34: {  	[smem:$0x3FB1] =	sst s10  }
0x35: {  	s10 =	sld [smem:$0x3FB0];
	_ =	sdelay $0x3  }
0x36: {  	p1 =	seq.s32 s10, $0x1;
	s10 =	sld [smem:$0x3FB1];
	_ =	sdelay $0x3  }
0x37: {  	[smem:$0x3FB1] =	sst s10  }
0x38: {  	s10 =	sld [smem:$0x3FB2]  }
0x39: {  	_ = 	snop;
	(pc) =	sbr.ind lr, $3  }
0x3a: {  	_ = 	snop  }
0x3b: {  	_ = 	snop  }
0x3c: {  	p2 =	seq.s32 s10, $0x1;
	s10 =	sld [smem:$0x3FB1]  }
0x3d: {  	_ =	shalt  }
0x3e: {  	_ =	shalt  }
0x3f: {  	_ =	shalt  }
0x40: {  	_ =	shalt  }
0x41: {  	_ =	shalt  }
0x42: {  	_ =	shalt  }
0x43: {  	_ =	shalt  }
0x44: {  	_ =	shalt  }
0x45: {  	_ =	shalt  }
0x46: {  	_ =	shalt  }
0x47: {  	_ =	shalt  }
0x48: {  	_ =	shalt  }
0x49: {  	_ =	shalt  }
0x4a: {  	_ =	shalt  }
0x4b: {  	_ =	shalt  }
0x4c: {  	_ =	shalt  }
0x4d: {  	_ =	shalt  }
0x4e: {  	_ =	shalt  }
0x4f: {  	_ =	shalt  }
0x50: {  	_ =	shalt  }
0x51: {  	_ =	shalt  }
0x52: {  	_ =	shalt  }
0x53: {  	_ =	shalt  }
0x54: {  	_ =	shalt  }
0x55: {  	_ =	shalt  }
0x56: {  	_ =	shalt  }
0x57: {  	_ =	shalt  }
0x58: {  	_ =	shalt  }
0x59: {  	_ =	shalt  }
0x5a: {  	_ =	shalt  }
0x5b: {  	_ =	shalt  }
0x5c: {  	_ =	shalt  }
0x5d: {  	_ =	shalt  }
0x5e: {  	_ =	shalt  }
0x5f: {  	_ =	shalt  }
0x60: {  	_ =	shalt  }
0x61: {  	_ =	shalt  }
0x62: {  	_ =	shalt  }
0x63: {  	_ =	shalt  }
0x64: {  	_ =	shalt  }
0x65: {  	_ =	shalt  }
0x66: {  	_ =	shalt  }
0x67: {  	_ =	shalt  }
0x68: {  	_ =	shalt  }
0x69: {  	_ =	shalt  }
0x6a: {  	_ =	shalt  }
0x6b: {  	_ =	shalt  }
0x6c: {  	_ =	shalt  }
0x6d: {  	_ =	shalt  }
0x6e: {  	_ =	shalt  }
0x6f: {  	_ =	shalt  }
0x70: {  	_ =	shalt  }
0x71: {  	_ =	shalt  }
0x72: {  	_ =	shalt  }
0x73: {  	_ =	shalt  }
0x74: {  	_ =	shalt  }
0x75: {  	_ =	shalt  }
0x76: {  	_ =	shalt  }
0x77: {  	_ =	shalt  }
0x78: {  	_ =	shalt  }
0x79: {  	_ =	shalt  }
0x7a: {  	_ =	shalt  }
0x7b: {  	_ =	shalt  }
0x7c: {  	_ =	shalt  }
0x7d: {  	_ =	shalt  }
0x7e: {  	_ =	shalt  }
0x7f: {  	_ =	shalt  }
0x80: {  	_ =	shalt  }
0x81: {  	_ =	shalt  }
0x82: {  	_ =	shalt  }
0x83: {  	_ =	shalt  }
0x84: {  	_ =	shalt  }
0x85: {  	_ =	shalt  }
0x86: {  	_ =	shalt  }
0x87: {  	_ =	shalt  }
.Lfunc_end0:
.L_simem_size_0:
called_computation_lowered:
.L_overlay_start_0:
0x88: {  	s2 =	sld [smem:$0x3FD9]  }
0x89: {  	s3 =	sld [smem:$0x3FFE];
	_ =	sdelay $0x1  }
0x8a: {  	s1 =	srdreg.scid  }
0x8b: {  	s0 =	sand.u32 $0x1, s1  }
0x8c: {  	s16 =	sshll.u32 s0, $0xA;
	s2 =	sadd.s32 s3, s2  }
0x8d: {  	s2 =	sadd.s32 s2, s16  }
0x8e: {  	[smem:$0x3FBD] =	sst s2  }
0x8f: {  	_ = 	snop  }
0x90: {  	(tm) =	ssettm $0x1  }
0x91: {  	s17 =	sld [smem:$0x3FFB];
	_ =	sdelay $0x3  }
0x92: {  	_ =	strace s17  }
0x93: {  	s2 =	sld [smem:$0x3FFC];
	_ =	sdelay $0x3  }
0x94: {  	_ =	strace s2  }
0x95: {  	s2 =	sld [smem:$0x3FFD];
	_ =	sdelay $0x3  }
0x96: {  	_ =	strace s2  }
0x97: {  	_ =	strace $0x8FFFFFFF  }
0x98: {  	s18 =	sld [smem:$0x3FDB];
	_ =	sdelay $0x1  }
0x99: {  	s19 =	simm.s32 $_scs_section_size  }
0x9a: {  	s4 =	simm.s32 $_size__tile_overlayer_lowered;
	s5 =	simm.s32 $_tile_overlayer_lowered  }
0x9b: {  	s22 =	simm.s32 $0x1BFF;
	s21 =	sshll.u32 s5, $0x1;
	s2 =	sadd.s32 s19, s18  }
0x9c: {  	s6 =	simm.s32 $0x0;
	s20 =	sshll.u32 s4, $0x1;
	s4 =	sadd.s32 s21, s2  }
0x9d: {  	[timem:s6], [sflag:s22] =	dma.local [hbm:s4], s20  }
0x9e: {  	_ =	swait.ge [sflag:s22], s20  }
0x9f: {  	s3 =	ssub.s32 $0x0, s20;
	[sflag:s22] =	ssyncset.done $0x0  }
0xa0: {  	[sflag:s22] =	ssyncadd.s32 s3;
	_ =	sdelay $0x1  }
0xa1: {  	s23 =	simm.s32 $0x1B8B  }
0xa2: {  	_ =	swait.ge [sflag:s23], $0x1  }
0xa3: {  	[sflag:s23] =	ssyncset.done $0x0  }
0xa4: {  	s25 =	simm.s32 $0x1B8E;
	s24 =	sld [smem:$0x3FFE];
	[sflag:s23] =	ssyncadd.s32 $0xFFFFFFFF  }
0xa5: {  	s26 =	simm.s32 $execute0_lowered;
	[smem:$0x3FD2] =	sst s25  }
0xa6: {  	s4 =	sshll.u32 s26, $0x1;
	_ =	strace $0x80000046;
	[dreg:$0x1] =	wrdreg $0xFFFFFFFF  }
0xa7: {  	s28 =	simm.s32 $_size_execute0_lowered;
	s2 =	sadd.s32 s2, s4;
	[dreg:$0x0] =	wrdreg $0x0  }
0xa8: {  	s4 =	sshll.u32 s28, $0x1;
	[dreg:$0x2] =	wrdreg s2  }
0xa9: {  	[dreg:$0x3] =	wrdreg s4  }
0xaa: {  	[dreg:$0x4] =	wrdreg $0xC0  }
0xab: {  	_ =	task [dreg:s6], $0x5FFFF  }
0xac: {  	[dreg:$0x1] =	wrdreg $0xFFFFFFFF  }
0xad: {  	[dreg:$0x0] =	wrdreg $0x60  }
0xae: {  	[dreg:$0x2] =	wrdreg s24  }
0xaf: {  	[dreg:$0x3] =	wrdreg $0x90000  }
0xb0: {  	[dreg:$0x4] =	wrdreg $0x9  }
0xb1: {  	_ =	task.clear_ibuf [dreg:s6], $0x5FFFF;
	_ =	strace $0x90000046  }
0xb2: {  	s29 =	simm.s32 $0x9;
	_ =	strace $0x80000048  }
0xb3: {  	_ =	swait.ge [sflag:s29], $0x1  }
0xb4: {  	[sflag:s29] =	ssyncadd.s32 $0xFFFFFFFF  }
0xb5: {  	_ =	strace $0x90000048  }
0xb6: {  	_ =	sfence  }
0xb7: {  	s30 =	sld [smem:$0x0];
	_ =	sdelay $0x2  }
0xb8: {  	s31 =	sshll.u32 s1, $0xD;
	s1 =	sshrl.u32 s1, $0x2  }
0xb9: {  	s3 =	sand.u32 $0x4000, s31;
	s1 =	sadd.s32 s1, s30  }
0xba: {  	s0 =	sor.u32 s3, s0;
	s1 =	sshll.u32 s1, $0x11  }
0xbb: {  	s0 =	sor.u32 s1, s0  }
0xbc: {  	s0 =	sadd.s32 $0x8F2B, s0  }
0xbd: {  	[sflag:s0] =	ssyncadd.remote.s32 $0x1  }
0xbe: {  	_ =	sfence.sel $0xFFFF  }
0xbf: {  	[dreg:$0x0] =	wrdreg $0xFFFFFFFF;
	(pc) =	sbr.abs _section_cstart, $3  }
0xc0: {  	[dreg:$0x1] =	wrdreg $0xFFFFFFFF  }
0xc1: {  	_ =	task.clear_ibuf [dreg:s6], $0x2FFFF;
	_ =	strace $0x9FFFFFFF  }
0xc2: {  	(tm) =	ssettm $0x7FFFFFFF  }
0xc3: {  	_ =	shalt  }
tec
execute0_lowered:
.L_overlay_start_1:
0x0: {  	(tag) =	ssettag $0x1  }
0x1: {  	s5 =	rddreg [dreg:$0x0];
	s0 =	srdreg.scid  }
0x2: {  	s2 =	rddreg [dreg:$0x1];
	s1 =	stileid.u32;
	s3 =	simm.s32 $0x0  }
0x3: {  	s15 =	simm.s32 $0x6800;
	s16 =	simm.s32 $0x1;
	s17 =	simm.s32 $0x50  }
0x4: {  	s8 =	sand.u32 $0x1, s0;
	s0 =	rddreg [dreg:$0x2];
	s6 =	smul.u32 $0x13C00, s1  }
0x5: {  	s18 =	simm.s32 $0x4000;
	[smem:$0x7FF] =	sst s3;
	s9 =	smul.u32 $0x4E200, s1  }
0x6: {  	s7 =	sshll.u32 s1, $0xB;
	s19 =	sshll.u32 s1, $0x6;
	s4 =	smul.u32 $0x13C000, s8  }
0x7: {  	_ =	strace $0x80000047;
	s10 =	sadd.s32 s7, s5;
	s28 =	ssub.s32 $0x2, s8  }
0x8: {  	s31 =	sshll.u32 s8, $0xF;
	s19 =	sor.u32 $0x1C01, s19;
	s29 =	sshrl.u32 s9, $0x2  }
0x9: {  	s11 =	sshrl.u32 s28, $0x1;
	s12 =	sadd.s32 s31, s10;
	s4 =	sadd.s32 s6, s4  }
0xa: {  	s14 =	ssub.s32 s28, s11;
	s12 =	sadd.s32 $0x16E00, s12;
	s30 =	sshrl.u32 s4, $0x3  }
0xb: {  	s4 =	sadd.s32 s29, s2;
	s14 =	smax.u32 s14, $0x1;
	s13 =	sadd.s32 s30, s5  }
0xc: {  	s5 =	sadd.s32 $0x2800, s4;
	s6 =	sadd.s32 $0x5000, s4;
	s7 =	sadd.s32 $0x7800, s4  }
0xd: {  	s8 =	sadd.s32 $0xA000, s4;
	s9 =	sadd.s32 $0xC800, s4;
	s10 =	sadd.s32 $0xF000, s4  }
0xe: {  	v0 =	vimm.f32 $1.000000000e+00;
	v1 =	vimm.f32 $0.0e+00;
	s11 =	sadd.s32 $0x11800, s4;
	s20 =	sshrl.u32 s4, $0x3;
	s13 =	sadd.s32 $0x26E00, s13  }
.LBB2_1:
0xf: {  	s21 =	simm.s32 $0x0  }
.LBB2_2:
0x10: {  	p0 =	sne.s32 s21, $0x9E00  }
.Ltmp0:
0x11: {  	_ = 	snop;
	(pc) =	sbr.rel @p0 .LBB2_2-.Ltmp0, $3  }
0x12: {  	_ =	sdelay $0x1  }
0x13: {  	s22 =	sshra.s32 s21, $0x2  }
0x14: {  	s21 =	sadd.s32 $0x200, s21;
	[tilespmem:s22+$0x4000] =	vst v0  }
0x15: {  	s21 =	simm.s32 $0x200;
	s22 =	simm.s32 $0x0  }
.LBB2_4:
0x16: {  	p0 =	sne.s32 s21, $0x9E00;
	[tilespmem:s22+$0x6800] =	vst v1;
	s22 =	smov.u32 s21;
	s21 =	sadd.s32 $0x200, s21  }
.Ltmp1:
0x17: {  	(pc) =	sbr.rel @p0 .LBB2_4-.Ltmp1, $2  }
0x18: {  	_ =	sdelay $0x2  }
0x19: {  	s22 =	sshra.s32 s22, $0x2  }
0x1a: {  	[tilespmem:s22+$0x6800] =	vst v1  }
0x1b: {  	[spmem:s4] =	stream.linear.scatter [tilespmem:s15], [sflag:$0x1], $0x2800, $0x38;
	[tilespmem:$0xB710] =	vst v63  }
0x1c: {  	_ =	swait.ge [sflag:s16], $0x2800  }
0x1d: {  	[sflag:s16] =	ssyncset.done $0x0  }
0x1e: {  	[sflag:s16] =	ssyncadd.s32 $0xFFFFD800  }
0x1f: {  	[spmem:s5] =	stream.linear.scatter [tilespmem:s15], [sflag:$0x1], $0x2800, $0x38;
	[tilespmem:$0xB710] =	vst v63  }
0x20: {  	_ =	swait.ge [sflag:s16], $0x2800  }
0x21: {  	[sflag:s16] =	ssyncset.done $0x0  }
0x22: {  	[sflag:s16] =	ssyncadd.s32 $0xFFFFD800  }
0x23: {  	[spmem:s6] =	stream.linear.scatter [tilespmem:s15], [sflag:$0x1], $0x2800, $0x38;
	[tilespmem:$0xB710] =	vst v63  }
0x24: {  	_ =	swait.ge [sflag:s16], $0x2800  }
0x25: {  	[sflag:s16] =	ssyncset.done $0x0  }
0x26: {  	[sflag:s16] =	ssyncadd.s32 $0xFFFFD800  }
0x27: {  	[spmem:s7] =	stream.linear.scatter [tilespmem:s15], [sflag:$0x1], $0x2800, $0x38;
	[tilespmem:$0xB710] =	vst v63  }
0x28: {  	_ =	swait.ge [sflag:s16], $0x2800  }
0x29: {  	[sflag:s16] =	ssyncset.done $0x0  }
0x2a: {  	[sflag:s16] =	ssyncadd.s32 $0xFFFFD800  }
0x2b: {  	[spmem:s8] =	stream.linear.scatter [tilespmem:s15], [sflag:$0x1], $0x2800, $0x38;
	[tilespmem:$0xB710] =	vst v63  }
0x2c: {  	_ =	swait.ge [sflag:s16], $0x2800  }
0x2d: {  	[sflag:s16] =	ssyncset.done $0x0  }
0x2e: {  	[sflag:s16] =	ssyncadd.s32 $0xFFFFD800  }
0x2f: {  	[spmem:s9] =	stream.linear.scatter [tilespmem:s15], [sflag:$0x1], $0x2800, $0x38;
	[tilespmem:$0xB710] =	vst v63  }
0x30: {  	_ =	swait.ge [sflag:s16], $0x2800  }
0x31: {  	[sflag:s16] =	ssyncset.done $0x0  }
0x32: {  	[sflag:s16] =	ssyncadd.s32 $0xFFFFD800  }
0x33: {  	[spmem:s10] =	stream.linear.scatter [tilespmem:s15], [sflag:$0x1], $0x2800, $0x38;
	[tilespmem:$0xB710] =	vst v63  }
0x34: {  	_ =	swait.ge [sflag:s16], $0x2800  }
0x35: {  	[sflag:s16] =	ssyncset.done $0x0  }
0x36: {  	[sflag:s16] =	ssyncadd.s32 $0xFFFFD800  }
0x37: {  	[spmem:s11] =	stream.linear.scatter [tilespmem:s15], [sflag:$0x1], $0x2080, $0x38;
	[tilespmem:$0xB710] =	vst v63  }
0x38: {  	_ =	swait.ge [sflag:s16], $0x2080  }
0x39: {  	[sflag:s16] =	ssyncset.done $0x0  }
0x3a: {  	[sflag:s16] =	ssyncadd.s32 $0xFFFFDF80  }
0x3b: {  	s21 =	simm.s32 $0x0;
	[bflag:$0x0] =	sbarrier.arrive $0xFFFF  }
0x3c: {  	[tilespmem:s21], [sflag:$0x1] =	stream.linear.gather [hbm4b:s12+s21], $0x3E80, $0x38;
	[tilespmem:$0xB710] =	vst v63  }
0x3d: {  	_ =	swait.ge [sflag:s16], $0x3E80  }
0x3e: {  	[sflag:s16] =	ssyncset.done $0x0  }
0x3f: {  	s31 =	simm.s32 $0x0;
	[sflag:s16] =	ssyncadd.s32 $0xFFFFC180  }
0x40: {  	[spmem:s2] =	stream.indirect.scatter.add.f32 [tilespmem:s18], [sflag:$0x1], $0x10, s31, s17, $0xb8;
	[tilespmem:$0xB710] =	vst v63  }
0x41: {  	_ =	swait.ge [sflag:s16], $0x500  }
0x42: {  	s21 =	simm.s32 $0x200;
	[sflag:s16] =	ssyncset.done $0x0  }
.LBB2_6:
0x43: {  	s22 =	sshra.s32 s21, $0x2;
	[sflag:s16] =	ssyncadd.s32 $0xFFFFFB00;
	p0 =	sne.s32 s21, $0xF800  }
0x44: {  	[spmem:s2] =	stream.indirect.scatter.add.f32 [tilespmem:s18], [sflag:$0x1], $0x10, s22, s17, $0xb8;
	[tilespmem:$0xB710] =	vst v63  }
.Ltmp2:
0x45: {  	_ = 	snop;
	(pc) =	sbr.rel @p0 .LBB2_6-.Ltmp2, $4  }
0x46: {  	_ = 	snop  }
0x47: {  	s21 =	sadd.s32 $0x200, s21  }
0x48: {  	_ =	swait.ge [sflag:s16], $0x500  }
0x49: {  	[sflag:s16] =	ssyncset.done $0x0  }
0x4a: {  	s3 =	sadd.s32 $0x1, s3  }
0x4b: {  	[sflag:s16] =	ssyncadd.s32 $0xFFFFFB00;
	p0 =	sne.s32 s3, s14  }
.Ltmp3:
0x4c: {  	[bflag:$0x0] =	sbarrier.arrive $0xFFFF;
	(pc) =	sbr.rel @p0 .LBB2_1-.Ltmp3, $4  }
0x4d: {  	[hbm:s13], [sflag:s19] =	dma.local [spmem:s20], $0x2710  }
0x4e: {  	_ =	swait.ge [sflag:s16], $0x2710  }
0x4f: {  	[sflag:s16] =	ssyncset.done $0x0  }
0x50: {  	[sflag:s16] =	ssyncadd.s32 $0xFFFFD8F0  }
0x51: {  	_ =	sfence.sel $0x180000  }
0x52: {  	[bflag:$0x0] =	sbarrier.arrive $0xFFFF  }
0x53: {  	p0 =	sne.s32 s1, $0x0;
	_ =	strace $0x90000047  }
0x54: {  	s0 =	sadd.s32 @!p0 $0x100000, s0;
	[bflag:$0x2] =	sbarrier.arrive $0xFFFF  }
0x55: {  	[sflag:s0] =	ssyncadd.tile.s32 @!p0 $0x1;
	_ =	shalt  }
.Lfunc_end2:
_tile_overlayer_lowered:
.L_overlay_start_2:
0x56: {  	(tag) =	ssettag $0x2  }
0x57: {  	s0 =	rddreg [dreg:$0x0];
	s2 =	stileid.u32  }
0x58: {  	s1 =	rddreg [dreg:$0x1];
	p0 =	sne.s32 s2, $0x0  }
0x59: {  	s3 =	rddreg [dreg:$0x2];
	[bflag:$0x3] =	sbarrier.arrive $0xFFFF;
	s2 =	simm.s32 @!p0 $0x1C01  }
0x5a: {  	[timem:s3], [sflag:s2] =	dma.local @!p0 [hbm:s0], s1  }
0x5b: {  	s0 =	simm.s32 @!p0 $0x1  }
0x5c: {  	_ =	swait.ge @!p0 [sflag:s0], s1  }
0x5d: {  	s1 =	ssub.s32 @!p0 $0x0, s1;
	[sflag:s0] =	ssyncset.done @!p0 $0x0  }
0x5e: {  	[sflag:s0] =	ssyncadd.s32 @!p0 s1  }
0x5f: {  	[bflag:$0x3] =	sbarrier.arrive $0xFFFF  }
0x60: {  	_ =	shalt  }

// kernel: kernel.13.cloned.1.call-start
scs
__scs_entry_jumppad:
0x0: {  	(pc) =	sbr.rel $0x88, $3  }
0x1: {  	(tag) =	ssettag $0x0;
	lr =	simm.s32 $0x1  }
0x2: {  	[smem:$0x3F96] =	sst lr;
	_ =	strace $0xD0000000  }
0x3: {  	_ = 	snop  }
0x4: {  	_ = 	snop  }
0x5: {  	_ = 	snop  }
0x6: {  	_ = 	snop  }
0x7: {  	_ = 	snop  }
__scs_overlays_trampoline_lowered:
0x8: {  	[smem:$0x3FA5] =	sst s0  }
0x9: {  	[smem:$0x3FA6] =	sst s1  }
0xa: {  	[smem:$0x3FA7] =	sst s2  }
0xb: {  	[smem:$0x3FA8] =	sst s3  }
0xc: {  	[smem:$0x3FA9] =	sst s4  }
0xd: {  	[smem:$0x3FAA] =	sst s5  }
0xe: {  	[smem:$0x3FAB] =	sst s6  }
0xf: {  	[smem:$0x3FAC] =	sst s7  }
0x10: {  	[smem:$0x3FAD] =	sst s8  }
0x11: {  	[smem:$0x3FAE] =	sst s9;
	s0 =	simm.s32 @!p0 $0x0  }
0x12: {  	s1 =	sld [smem:$0x3F94];
	s0 =	simm.s32 @p0 $0x1  }
0x13: {  	[smem:$0x3FAF] =	sst s0;
	s0 =	simm.s32 @!p1 $0x0  }
0x14: {  	s2 =	sld [smem:$0x3F93];
	s0 =	simm.s32 @p1 $0x1  }
0x15: {  	[smem:$0x3FB0] =	sst s0;
	s0 =	simm.s32 @!p2 $0x0  }
0x16: {  	s3 =	sld [smem:$0x3FDB];
	s0 =	simm.s32 @p2 $0x1  }
0x17: {  	s4 =	simm.s32 $0x1BF5;
	[smem:$0x3FB2] =	sst s0  }
0x18: {  	s0 =	sld [smem:$0x3F95];
	_ =	swait.ge [sflag:s4], $0x0  }
0x19: {  	s7 =	sld [smem:$0x3F96]  }
0x1a: {  	s8 =	sadd.s32 $0xFFFFE003, lr  }
0x1b: {  	s9 =	sadd.s32 $0xFFFFFEF7, lr;
	s5 =	simm.s32 $0xFFFFFFFF;
	p2 =	slt.u32 s8, $0xFFFFF086  }
0x1c: {  	p1 =	slt.u32 s9, $0xF7A;
	s5 =	simm.s32 @!p2 $0x0  }
0x1d: {  	s5 =	simm.s32 @p1 $0x1;
	p0 =	seq.s32 s7, s2  }
0x1e: {  	s7 =	smul.u32 @!p0 $0xF7A, s2;
	p2 =	seq.s32 @!p0 s5, $0x0  }
0x1f: {  	s9 =	smul.u32 $0xF7A, s1;
	s8 =	simm.s32 @!p0 $0x1BF5;
	p2 =	por !p2, p0  }
0x20: {  	[sflag:s8] =	ssyncset.s32 @!p0 $0xFFFFF086;
	s6 =	sadd.s32 @!p0 s3, s7;
	s7 =	simm.s32 @!p0 $0x108  }
0x21: {  	s3 =	sadd.s32 s3, s9;
	s6 =	sadd.s32 @!p0 $0x88, s6;
	s7 =	simm.s32 @p2 $0x1082  }
0x22: {  	[simem:s7], [sflag:s8] =	dma.local @!p0 [hbm:s6], $0xF7A  }
0x23: {  	s9 =	sor.u32 $0xD0000000, s2;
	s6 =	simm.s32 $0x108;
	_ =	swait.ge @!p0 [sflag:s8], $0x0  }
0x24: {  	s3 =	sadd.s32 $0x88, s3;
	s6 =	simm.s32 @!p1 $0x1082;
	[sflag:s4] =	ssyncset.s32 $0xFFFFF086  }
0x25: {  	[simem:s6], [sflag:s4] =	dma.local [hbm:s3], $0xF7A  }
0x26: {  	[smem:$0x3F96] =	sst s1;
	(tag) =	ssettag s2;
	_ =	strace s9  }
0x27: {  	s1 =	sld [smem:$0x3FA6]  }
0x28: {  	s2 =	sld [smem:$0x3FA7]  }
0x29: {  	s4 =	sld [smem:$0x3FA9]  }
0x2a: {  	p0 =	seq.s32 s5, $0x0;
	s5 =	sld [smem:$0x3FAA]  }
0x2b: {  	s6 =	sld [smem:$0x3FAB]  }
0x2c: {  	s7 =	sld [smem:$0x3FAC]  }
0x2d: {  	s3 =	simm.s32 $0x108;
	s8 =	sld [smem:$0x3FAD]  }
0x2e: {  	s3 =	simm.s32 @!p0 $0x1082;
	s9 =	sld [smem:$0x3FAE]  }
0x2f: {  	lr =	sadd.s32 s0, s3;
	s0 =	sld [smem:$0x3FA5]  }
0x30: {  	s3 =	sld [smem:$0x3FA8]  }
0x31: {  	[smem:$0x3FB1] =	sst s10  }
0x32: {  	s10 =	sld [smem:$0x3FAF];
	_ =	sdelay $0x3  }
0x33: {  	p0 =	seq.s32 s10, $0x1;
	s10 =	sld [smem:$0x3FB1];
	_ =	sdelay $0x3  }
0x34: {  	[smem:$0x3FB1] =	sst s10  }
0x35: {  	s10 =	sld [smem:$0x3FB0];
	_ =	sdelay $0x3  }
0x36: {  	p1 =	seq.s32 s10, $0x1;
	s10 =	sld [smem:$0x3FB1];
	_ =	sdelay $0x3  }
0x37: {  	[smem:$0x3FB1] =	sst s10  }
0x38: {  	s10 =	sld [smem:$0x3FB2]  }
0x39: {  	_ = 	snop;
	(pc) =	sbr.ind lr, $3  }
0x3a: {  	_ = 	snop  }
0x3b: {  	_ = 	snop  }
0x3c: {  	p2 =	seq.s32 s10, $0x1;
	s10 =	sld [smem:$0x3FB1]  }
0x3d: {  	_ =	shalt  }
0x3e: {  	_ =	shalt  }
0x3f: {  	_ =	shalt  }
0x40: {  	_ =	shalt  }
0x41: {  	_ =	shalt  }
0x42: {  	_ =	shalt  }
0x43: {  	_ =	shalt  }
0x44: {  	_ =	shalt  }
0x45: {  	_ =	shalt  }
0x46: {  	_ =	shalt  }
0x47: {  	_ =	shalt  }
0x48: {  	_ =	shalt  }
0x49: {  	_ =	shalt  }
0x4a: {  	_ =	shalt  }
0x4b: {  	_ =	shalt  }
0x4c: {  	_ =	shalt  }
0x4d: {  	_ =	shalt  }
0x4e: {  	_ =	shalt  }
0x4f: {  	_ =	shalt  }
0x50: {  	_ =	shalt  }
0x51: {  	_ =	shalt  }
0x52: {  	_ =	shalt  }
0x53: {  	_ =	shalt  }
0x54: {  	_ =	shalt  }
0x55: {  	_ =	shalt  }
0x56: {  	_ =	shalt  }
0x57: {  	_ =	shalt  }
0x58: {  	_ =	shalt  }
0x59: {  	_ =	shalt  }
0x5a: {  	_ =	shalt  }
0x5b: {  	_ =	shalt  }
0x5c: {  	_ =	shalt  }
0x5d: {  	_ =	shalt  }
0x5e: {  	_ =	shalt  }
0x5f: {  	_ =	shalt  }
0x60: {  	_ =	shalt  }
0x61: {  	_ =	shalt  }
0x62: {  	_ =	shalt  }
0x63: {  	_ =	shalt  }
0x64: {  	_ =	shalt  }
0x65: {  	_ =	shalt  }
0x66: {  	_ =	shalt  }
0x67: {  	_ =	shalt  }
0x68: {  	_ =	shalt  }
0x69: {  	_ =	shalt  }
0x6a: {  	_ =	shalt  }
0x6b: {  	_ =	shalt  }
0x6c: {  	_ =	shalt  }
0x6d: {  	_ =	shalt  }
0x6e: {  	_ =	shalt  }
0x6f: {  	_ =	shalt  }
0x70: {  	_ =	shalt  }
0x71: {  	_ =	shalt  }
0x72: {  	_ =	shalt  }
0x73: {  	_ =	shalt  }
0x74: {  	_ =	shalt  }
0x75: {  	_ =	shalt  }
0x76: {  	_ =	shalt  }
0x77: {  	_ =	shalt  }
0x78: {  	_ =	shalt  }
0x79: {  	_ =	shalt  }
0x7a: {  	_ =	shalt  }
0x7b: {  	_ =	shalt  }
0x7c: {  	_ =	shalt  }
0x7d: {  	_ =	shalt  }
0x7e: {  	_ =	shalt  }
0x7f: {  	_ =	shalt  }
0x80: {  	_ =	shalt  }
0x81: {  	_ =	shalt  }
0x82: {  	_ =	shalt  }
0x83: {  	_ =	shalt  }
0x84: {  	_ =	shalt  }
0x85: {  	_ =	shalt  }
0x86: {  	_ =	shalt  }
0x87: {  	_ =	shalt  }
.Lfunc_end0:
.L_simem_size_0:
called_computation.1_lowered:
.L_overlay_start_0:
0x88: {  	s2 =	sld [smem:$0x3FD9]  }
0x89: {  	s3 =	sld [smem:$0x3FFE];
	_ =	sdelay $0x1  }
0x8a: {  	s1 =	srdreg.scid  }
0x8b: {  	s0 =	sand.u32 $0x1, s1  }
0x8c: {  	s16 =	sshll.u32 s0, $0xA;
	s2 =	sadd.s32 s3, s2  }
0x8d: {  	s2 =	sadd.s32 s2, s16  }
0x8e: {  	[smem:$0x3FBD] =	sst s2  }
0x8f: {  	_ = 	snop  }
0x90: {  	(tm) =	ssettm $0x1  }
0x91: {  	s17 =	sld [smem:$0x3FFB];
	_ =	sdelay $0x3  }
0x92: {  	_ =	strace s17  }
0x93: {  	s2 =	sld [smem:$0x3FFC];
	_ =	sdelay $0x3  }
0x94: {  	_ =	strace s2  }
0x95: {  	s2 =	sld [smem:$0x3FFD];
	_ =	sdelay $0x3  }
0x96: {  	_ =	strace s2  }
0x97: {  	_ =	strace $0x8FFFFFFF  }
0x98: {  	s18 =	sld [smem:$0x3FDB];
	_ =	sdelay $0x1  }
0x99: {  	s19 =	simm.s32 $_scs_section_size  }
0x9a: {  	s4 =	simm.s32 $_size__tile_overlayer_lowered;
	s5 =	simm.s32 $_tile_overlayer_lowered  }
0x9b: {  	s22 =	simm.s32 $0x1BFF;
	s21 =	sshll.u32 s5, $0x1;
	s2 =	sadd.s32 s19, s18  }
0x9c: {  	s6 =	simm.s32 $0x0;
	s20 =	sshll.u32 s4, $0x1;
	s4 =	sadd.s32 s21, s2  }
0x9d: {  	[timem:s6], [sflag:s22] =	dma.local [hbm:s4], s20  }
0x9e: {  	_ =	swait.ge [sflag:s22], s20  }
0x9f: {  	s3 =	ssub.s32 $0x0, s20;
	[sflag:s22] =	ssyncset.done $0x0  }
0xa0: {  	[sflag:s22] =	ssyncadd.s32 s3;
	_ =	sdelay $0x1  }
0xa1: {  	s23 =	simm.s32 $0x1B8B  }
0xa2: {  	_ =	swait.ge [sflag:s23], $0x1  }
0xa3: {  	[sflag:s23] =	ssyncset.done $0x0  }
0xa4: {  	s25 =	simm.s32 $0x1B8E;
	s24 =	sld [smem:$0x3FFE];
	[sflag:s23] =	ssyncadd.s32 $0xFFFFFFFF  }
0xa5: {  	s26 =	simm.s32 $execute0_lowered;
	[smem:$0x3FD2] =	sst s25  }
0xa6: {  	s4 =	sshll.u32 s26, $0x1;
	_ =	strace $0x80000049;
	[dreg:$0x1] =	wrdreg $0xFFFFFFFF  }
0xa7: {  	s28 =	simm.s32 $_size_execute0_lowered;
	s2 =	sadd.s32 s2, s4;
	[dreg:$0x0] =	wrdreg $0x0  }
0xa8: {  	s4 =	sshll.u32 s28, $0x1;
	[dreg:$0x2] =	wrdreg s2  }
0xa9: {  	[dreg:$0x3] =	wrdreg s4  }
0xaa: {  	[dreg:$0x4] =	wrdreg $0xC0  }
0xab: {  	_ =	task [dreg:s6], $0x5FFFF  }
0xac: {  	[dreg:$0x1] =	wrdreg $0xFFFFFFFF  }
0xad: {  	[dreg:$0x0] =	wrdreg $0x60  }
0xae: {  	[dreg:$0x2] =	wrdreg s24  }
0xaf: {  	[dreg:$0x3] =	wrdreg $0xC0000  }
0xb0: {  	[dreg:$0x4] =	wrdreg $0x9  }
0xb1: {  	_ =	task.clear_ibuf [dreg:s6], $0x5FFFF;
	_ =	strace $0x90000049  }
0xb2: {  	s29 =	simm.s32 $0x9;
	_ =	strace $0x8000004B  }
0xb3: {  	_ =	swait.ge [sflag:s29], $0x1  }
0xb4: {  	[sflag:s29] =	ssyncadd.s32 $0xFFFFFFFF  }
0xb5: {  	_ =	strace $0x9000004B  }
0xb6: {  	_ =	sfence  }
0xb7: {  	s30 =	sld [smem:$0x0];
	_ =	sdelay $0x2  }
0xb8: {  	s31 =	sshll.u32 s1, $0xD;
	s1 =	sshrl.u32 s1, $0x2  }
0xb9: {  	s3 =	sand.u32 $0x4000, s31;
	s1 =	sadd.s32 s1, s30  }
0xba: {  	s0 =	sor.u32 s3, s0;
	s1 =	sshll.u32 s1, $0x11  }
0xbb: {  	s0 =	sor.u32 s1, s0  }
0xbc: {  	s0 =	sadd.s32 $0x8F2B, s0  }
0xbd: {  	[sflag:s0] =	ssyncadd.remote.s32 $0x1  }
0xbe: {  	_ =	sfence.sel $0xFFFF  }
0xbf: {  	[dreg:$0x0] =	wrdreg $0xFFFFFFFF;
	(pc) =	sbr.abs _section_cstart, $3  }
0xc0: {  	[dreg:$0x1] =	wrdreg $0xFFFFFFFF  }
0xc1: {  	_ =	task.clear_ibuf [dreg:s6], $0x2FFFF;
	_ =	strace $0x9FFFFFFF  }
0xc2: {  	(tm) =	ssettm $0x7FFFFFFF  }
0xc3: {  	_ =	shalt  }
tec
execute0_lowered:
.L_overlay_start_1:
0x0: {  	(tag) =	ssettag $0x1  }
0x1: {  	s0 =	rddreg [dreg:$0x0]  }
0x2: {  	s2 =	rddreg [dreg:$0x1]  }
0x3: {  	s1 =	srdreg.scid;
	s26 =	stileid.u32  }
0x4: {  	s3 =	simm.s32 $0x0;
	s17 =	simm.s32 $0x5800;
	s18 =	simm.s32 $0x3  }
0x5: {  	s19 =	simm.s32 $0x5780;
	s20 =	simm.s32 $0x10;
	s22 =	simm.s32 $0x1  }
0x6: {  	s23 =	simm.s32 $0x2;
	s25 =	simm.s32 $0x5700;
	s28 =	smul.u32 $0x13C00, s26  }
0x7: {  	s5 =	sand.u32 $0x1, s1;
	[smem:$0x7FF] =	sst s3;
	s9 =	smul.u32 $0x4E200, s26  }
0x8: {  	s4 =	sshll.u32 s5, $0x4;
	s6 =	smul.u32 $0x13C000, s5;
	_ =	strace $0x8000004A  }
0x9: {  	s29 =	ssub.s32 $0x2, s5;
	s7 =	sor.u32 s26, s4;
	s4 =	sadd.s32 $0x16E00, s0  }
0xa: {  	s30 =	sshrl.u32 s9, $0x2;
	s31 =	sshrl.u32 s29, $0x1;
	s26 =	simm.s32 $0x8C00  }
0xb: {  	s8 =	smul.u32 $0x600, s7;
	s6 =	sadd.s32 s28, s6;
	s5 =	sadd.s32 s30, s2  }
0xc: {  	s10 =	smul.u32 $0x2710, s7;
	s16 =	ssub.s32 s29, s31;
	s6 =	sshrl.u32 s6, $0x3  }
0xd: {  	s7 =	sadd.s32 $0x6800, s5;
	s9 =	sadd.s32 $0xD000, s5;
	s11 =	sadd.s32 $0x13800, s5  }
0xe: {  	s16 =	smax.u32 s16, $0x1;
	s13 =	sadd.s32 s8, s0;
	s15 =	sadd.s32 s6, s0  }
0xf: {  	s6 =	sadd.s32 $0x3400, s5;
	s8 =	sadd.s32 $0x9C00, s5;
	s12 =	sshrl.u32 s10, $0x3  }
0x10: {  	s10 =	sadd.s32 $0x10400, s5;
	s0 =	sadd.s32 s0, s12;
	s13 =	sadd.s32 $0x75E00, s13  }
0x11: {  	v0 =	vimm.f32 $0.0e+00;
	s15 =	sadd.s32 $0x81E00, s15;
	s12 =	sadd.s32 $0x3200, s0;
	s14 =	sadd.s32 $0xD4E0, s0  }
.LBB2_1:
0x12: {  	s28 =	simm.s32 $0x0;
	s29 =	simm.s32 $0x200  }
.LBB2_2:
0x13: {  	p0 =	sne.s32 s29, $0xCE00;
	[tilespmem:s28+$0x5870] =	vst v0  }
0x14: {  	[tilespmem:s28+$0x5800] =	vst v0  }
0x15: {  	[tilespmem:s28+$0x5810] =	vst v0  }
.Ltmp0:
0x16: {  	[tilespmem:s28+$0x5820] =	vst v0;
	(pc) =	sbr.rel @p0 .LBB2_2-.Ltmp0, $4  }
0x17: {  	[tilespmem:s28+$0x5830] =	vst v0  }
0x18: {  	[tilespmem:s28+$0x5840] =	vst v0  }
0x19: {  	[tilespmem:s28+$0x5850] =	vst v0  }
0x1a: {  	[tilespmem:s28+$0x5860] =	vst v0;
	s28 =	sshra.s32 s29, $0x2;
	s29 =	sadd.s32 $0x200, s29  }
0x1b: {  	[tilespmem:s28+$0x5870] =	vst v0  }
0x1c: {  	[tilespmem:s28+$0x5800] =	vst v0  }
0x1d: {  	[tilespmem:s28+$0x5810] =	vst v0  }
0x1e: {  	[tilespmem:s28+$0x5820] =	vst v0  }
0x1f: {  	[tilespmem:s28+$0x5830] =	vst v0  }
0x20: {  	[tilespmem:s28+$0x5840] =	vst v0  }
0x21: {  	[tilespmem:s28+$0x5850] =	vst v0  }
0x22: {  	[tilespmem:s28+$0x5860] =	vst v0  }
0x23: {  	[spmem:s5] =	stream.linear.scatter [tilespmem:s17], [sflag:$0x3], $0x3400, $0x38;
	[tilespmem:$0x1F880] =	vst v63  }
0x24: {  	_ =	swait.ge [sflag:s18], $0x3400  }
0x25: {  	[sflag:s18] =	ssyncset.done $0x0  }
0x26: {  	[sflag:s18] =	ssyncadd.s32 $0xFFFFCC00  }
0x27: {  	[spmem:s6] =	stream.linear.scatter [tilespmem:s17], [sflag:$0x3], $0x3400, $0x38;
	[tilespmem:$0x1F880] =	vst v63  }
0x28: {  	_ =	swait.ge [sflag:s18], $0x3400  }
0x29: {  	[sflag:s18] =	ssyncset.done $0x0  }
0x2a: {  	[sflag:s18] =	ssyncadd.s32 $0xFFFFCC00  }
0x2b: {  	[spmem:s7] =	stream.linear.scatter [tilespmem:s17], [sflag:$0x3], $0x3400, $0x38;
	[tilespmem:$0x1F880] =	vst v63  }
0x2c: {  	_ =	swait.ge [sflag:s18], $0x3400  }
0x2d: {  	[sflag:s18] =	ssyncset.done $0x0  }
0x2e: {  	[sflag:s18] =	ssyncadd.s32 $0xFFFFCC00  }
0x2f: {  	[spmem:s8] =	stream.linear.scatter [tilespmem:s17], [sflag:$0x3], $0x3400, $0x38;
	[tilespmem:$0x1F880] =	vst v63  }
0x30: {  	_ =	swait.ge [sflag:s18], $0x3400  }
0x31: {  	[sflag:s18] =	ssyncset.done $0x0  }
0x32: {  	[sflag:s18] =	ssyncadd.s32 $0xFFFFCC00  }
0x33: {  	[spmem:s9] =	stream.linear.scatter [tilespmem:s17], [sflag:$0x3], $0x3400, $0x38;
	[tilespmem:$0x1F880] =	vst v63  }
0x34: {  	_ =	swait.ge [sflag:s18], $0x3400  }
0x35: {  	[sflag:s18] =	ssyncset.done $0x0  }
0x36: {  	[sflag:s18] =	ssyncadd.s32 $0xFFFFCC00  }
0x37: {  	[spmem:s10] =	stream.linear.scatter [tilespmem:s17], [sflag:$0x3], $0x3400, $0x38;
	[tilespmem:$0x1F880] =	vst v63  }
0x38: {  	_ =	swait.ge [sflag:s18], $0x3400  }
0x39: {  	[sflag:s18] =	ssyncset.done $0x0  }
0x3a: {  	[sflag:s18] =	ssyncadd.s32 $0xFFFFCC00  }
0x3b: {  	[spmem:s11] =	stream.linear.scatter [tilespmem:s17], [sflag:$0x3], $0x80, $0x38;
	[tilespmem:$0x1F880] =	vst v63  }
0x3c: {  	_ =	swait.ge [sflag:s18], $0x80  }
0x3d: {  	[sflag:s18] =	ssyncset.done $0x0  }
0x3e: {  	[sflag:s18] =	ssyncadd.s32 $0xFFFFFF80  }
0x3f: {  	s0 =	simm.s32 $0x0;
	[bflag:$0x0] =	sbarrier.arrive $0xFFFF  }
0x40: {  	[tilespmem:s0], [sflag:$0x3] =	stream.linear.gather [hbm4b:s12+s0], $0x2710, $0x38;
	[tilespmem:$0x1F880] =	vst v63  }
0x41: {  	_ =	swait.ge [sflag:s18], $0x2710  }
0x42: {  	[sflag:s18] =	ssyncset.done $0x0  }
0x43: {  	s28 =	simm.s32 $0x2780;
	[sflag:s18] =	ssyncadd.s32 $0xFFFFD8F0  }
0x44: {  	[tilespmem:s28], [sflag:$0x3] =	stream.linear.gather [hbm4b:s13+s0], $0x3000, $0x38;
	[tilespmem:$0x1F880] =	vst v63  }
0x45: {  	_ =	swait.ge [sflag:s18], $0x3000  }
0x46: {  	[sflag:s18] =	ssyncset.done $0x0  }
0x47: {  	[sflag:s18] =	ssyncadd.s32 $0xFFFFD000  }
0x48: {  	[tilespmem:s19], [sflag:$0x3] =	stream.linear.gather [hbm4b:s14+s0], $0x10, $0x38;
	[tilespmem:$0x1F880] =	vst v63  }
0x49: {  	_ =	swait.ge [sflag:s18], $0x10  }
0x4a: {  	[sflag:s18] =	ssyncset.done $0x0  }
0x4b: {  	s1 =	simm.s32 $0x2700;
	[sflag:s18] =	ssyncadd.s32 $0xFFFFFFF0  }
0x4c: {  	[tilespmem:s17], [sflag:$0x1] =	stream.indirect.gather [hbm4b:s4+s20], $0x80, s1, s20, $0xb8;
	[tilespmem:$0x1F880] =	vst v63  }
0x4d: {  	_ =	swait.ge [sflag:s22], $0x800  }
0x4e: {  	[sflag:s22] =	ssyncset.done $0x0  }
0x4f: {  	[sflag:s22] =	ssyncadd.s32 $0xFFFFF800  }
0x50: {  	[spmem:s2] =	stream.indirect.scatter.add.f32 [tilespmem:s17], [sflag:$0x3], $0x80, s19, s20, $0xb8;
	[tilespmem:$0x1F880] =	vst v63  }
0x51: {  	_ =	swait.ge [sflag:s18], $0x800  }
0x52: {  	[sflag:s18] =	ssyncset.done $0x0  }
0x53: {  	s29 =	simm.s32 $0x68;
	[sflag:s18] =	ssyncadd.s32 $0xFFFFF800  }
0x54: {  	[tilespmem:s17], [sflag:$0x1] =	stream.indirect.gather [hbm4b:s4+s29], $0x80, s0, s29, $0xb8;
	[tilespmem:$0x1F880] =	vst v63  }
0x55: {  	s0 =	sand.u32 $0x1, s0  }
0x56: {  	p0 =	seq.s32 s0, $0x1  }
0x57: {  	s0 =	simm.s32 @p0 $0x2  }
0x58: {  	_ =	swait.ge @p0 [sflag:s0], $0x3400  }
0x59: {  	[sflag:s0] =	ssyncset.done @p0 $0x0  }
0x5a: {  	s30 =	simm.s32 @p0 $0x5800;
	[sflag:s0] =	ssyncadd.s32 @p0 $0xFFFFCC00;
	s0 =	simm.s32 @p0 $0x68  }
0x5b: {  	[tilespmem:s30], [sflag:$0x1] =	stream.indirect.gather @p0 [hbm4b:s4+s0], $0x80, s29, s0, $0xb8;
	[tilespmem:$0x1F880] =	vst v63  }
0x5c: {  	s31 =	simm.s32 @!p0 $0x1;
	s30 =	simm.s32 @p0 $0x8C00  }
0x5d: {  	[spmem:s2] =	stream.indirect.scatter.add.f32 @p0 [tilespmem:s30], [sflag:$0x3], $0x80, s28, s0, $0xb8;
	[tilespmem:$0x1F880] =	vst v63  }
0x5e: {  	_ =	swait.ge @!p0 [sflag:s31], $0x3400  }
0x5f: {  	s30 =	simm.s32 @!p0 $0x4;
	[sflag:s31] =	ssyncset.done @!p0 $0x0  }
0x60: {  	s0 =	simm.s32 @!p0 $0x68;
	[sflag:s31] =	ssyncadd.s32 @!p0 $0xFFFFCC00;
	s31 =	simm.s32 @!p0 $0x8C00  }
0x61: {  	[tilespmem:s31], [sflag:$0x2] =	stream.indirect.gather @!p0 [hbm4b:s4+s0], $0x80, s29, s0, $0xb8;
	[tilespmem:$0x1F880] =	vst v63  }
0x62: {  	s30 =	simm.s32 @p0 $0x3;
	s29 =	simm.s32 $0x1;
	s31 =	simm.s32 @!p0 $0x5800  }
0x63: {  	[spmem:s2] =	stream.indirect.scatter.add.f32 @!p0 [tilespmem:s31], [sflag:$0x4], $0x80, s28, s0, $0xb8;
	[tilespmem:$0x1F880] =	vst v63  }
0x64: {  	s31 =	simm.s32 $0x2;
	s28 =	simm.s32 $0xD0;
	_ =	swait.ge [sflag:s30], $0x3400  }
0x65: {  	s0 =	sand.u32 $0x1, s29;
	s29 =	simm.s32 $0x2800;
	[sflag:s30] =	ssyncset.done $0x0  }
.LBB2_4:
0x66: {  	p1 =	seq.s32 s0, $0x1  }
0x67: {  	[sflag:s30] =	ssyncadd.s32 $0xFFFFCC00;
	s0 =	smov.u32 s31;
	s31 =	sadd.s32 $0x1, s31  }
0x68: {  	p0 =	sne.s32 s31, $0x5F;
	s1 =	simm.s32 @p1 $0x2;
	s30 =	simm.s32 @!p1 $0x4  }
0x69: {  	_ =	swait.ge @p1 [sflag:s1], $0x3400  }
0x6a: {  	[sflag:s1] =	ssyncset.done @p1 $0x0  }
0x6b: {  	s21 =	simm.s32 @p1 $0x5800;
	[sflag:s1] =	ssyncadd.s32 @p1 $0xFFFFCC00;
	s1 =	simm.s32 @p1 $0x68  }
0x6c: {  	[tilespmem:s21], [sflag:$0x1] =	stream.indirect.gather @p1 [hbm4b:s4+s1], $0x80, s28, s1, $0xb8;
	[tilespmem:$0x1F880] =	vst v63  }
0x6d: {  	s24 =	simm.s32 @!p1 $0x1;
	s21 =	simm.s32 @p1 $0x8C00  }
0x6e: {  	[spmem:s2] =	stream.indirect.scatter.add.f32 @p1 [tilespmem:s21], [sflag:$0x3], $0x80, s29, s1, $0xb8;
	[tilespmem:$0x1F880] =	vst v63  }
0x6f: {  	_ =	swait.ge @!p1 [sflag:s24], $0x3400  }
0x70: {  	[sflag:s24] =	ssyncset.done @!p1 $0x0  }
0x71: {  	s1 =	simm.s32 @!p1 $0x68;
	s21 =	simm.s32 @!p1 $0x8C00;
	[sflag:s24] =	ssyncadd.s32 @!p1 $0xFFFFCC00  }
0x72: {  	[tilespmem:s21], [sflag:$0x2] =	stream.indirect.gather @!p1 [hbm4b:s4+s1], $0x80, s28, s1, $0xb8;
	[tilespmem:$0x1F880] =	vst v63  }
.Ltmp1:
0x73: {  	_ = 	snop;
	(pc) =	sbr.rel @p0 .LBB2_4-.Ltmp1, $4  }
0x74: {  	s30 =	simm.s32 @p1 $0x3;
	s21 =	simm.s32 @!p1 $0x5800  }
0x75: {  	[spmem:s2] =	stream.indirect.scatter.add.f32 @!p1 [tilespmem:s21], [sflag:$0x4], $0x80, s29, s1, $0xb8;
	[tilespmem:$0x1F880] =	vst v63  }
0x76: {  	s28 =	sadd.s32 $0x68, s28;
	_ =	swait.ge [sflag:s30], $0x3400  }
0x77: {  	s0 =	sand.u32 $0x1, s0;
	s29 =	sadd.s32 $0x80, s29;
	[sflag:s30] =	ssyncset.done $0x0  }
0x78: {  	p0 =	seq.s32 s0, $0x1  }
0x79: {  	[sflag:s30] =	ssyncadd.s32 $0xFFFFCC00;
	s0 =	simm.s32 @p0 $0x2  }
0x7a: {  	_ =	swait.ge @p0 [sflag:s0], $0x3400  }
0x7b: {  	[sflag:s0] =	ssyncset.done @p0 $0x0  }
0x7c: {  	s1 =	simm.s32 @p0 $0x5800;
	[sflag:s0] =	ssyncadd.s32 @p0 $0xFFFFCC00;
	s0 =	simm.s32 @p0 $0x68  }
0x7d: {  	[tilespmem:s1], [sflag:$0x1] =	stream.indirect.gather @p0 [hbm4b:s4+s0], $0x80, s28, s0, $0xb8;
	[tilespmem:$0x1F880] =	vst v63  }
0x7e: {  	s21 =	simm.s32 @!p0 $0x1;
	s1 =	simm.s32 @p0 $0x8C00  }
0x7f: {  	[spmem:s2] =	stream.indirect.scatter.add.f32 @p0 [tilespmem:s1], [sflag:$0x3], $0x80, s29, s0, $0xb8;
	[tilespmem:$0x1F880] =	vst v63  }
0x80: {  	_ =	swait.ge @!p0 [sflag:s21], $0x3400  }
0x81: {  	s0 =	simm.s32 @!p0 $0x4;
	[sflag:s21] =	ssyncset.done @!p0 $0x0  }
0x82: {  	s1 =	simm.s32 @!p0 $0x68;
	[sflag:s21] =	ssyncadd.s32 @!p0 $0xFFFFCC00;
	s21 =	simm.s32 @!p0 $0x8C00  }
0x83: {  	[tilespmem:s21], [sflag:$0x2] =	stream.indirect.gather @!p0 [hbm4b:s4+s1], $0x80, s28, s1, $0xb8;
	[tilespmem:$0x1F880] =	vst v63  }
0x84: {  	s0 =	simm.s32 @p0 $0x3;
	s21 =	simm.s32 @!p0 $0x5800  }
0x85: {  	[spmem:s2] =	stream.indirect.scatter.add.f32 @!p0 [tilespmem:s21], [sflag:$0x4], $0x80, s29, s1, $0xb8;
	[tilespmem:$0x1F880] =	vst v63  }
0x86: {  	_ =	swait.ge [sflag:s0], $0x3400  }
0x87: {  	[sflag:s0] =	ssyncset.done $0x0  }
0x88: {  	[sflag:s0] =	ssyncadd.s32 $0xFFFFCC00  }
0x89: {  	_ =	swait.ge [sflag:s23], $0x3400  }
0x8a: {  	[sflag:s23] =	ssyncset.done $0x0  }
0x8b: {  	s29 =	simm.s32 $0x68;
	[sflag:s23] =	ssyncadd.s32 $0xFFFFCC00  }
0x8c: {  	[spmem:s2] =	stream.indirect.scatter.add.f32 [tilespmem:s26], [sflag:$0x3], $0x80, s25, s29, $0xb8;
	[tilespmem:$0x1F880] =	vst v63  }
0x8d: {  	s30 =	stileid.u32;
	_ =	swait.ge [sflag:s18], $0x3400  }
0x8e: {  	s31 =	sshrl.u32 s5, $0x3;
	s3 =	sadd.s32 $0x1, s3;
	[sflag:s18] =	ssyncset.done $0x0  }
0x8f: {  	p0 =	sne.s32 s3, s16;
	s0 =	sshll.u32 s30, $0x6;
	[sflag:s18] =	ssyncadd.s32 $0xFFFFCC00  }
.Ltmp2:
0x90: {  	s0 =	sor.u32 $0x1C03, s0;
	[bflag:$0x0] =	sbarrier.arrive $0xFFFF;
	(pc) =	sbr.rel @p0 .LBB2_1-.Ltmp2, $4  }
0x91: {  	[hbm:s15], [sflag:s0] =	dma.local [spmem:s31], $0x2710  }
0x92: {  	_ =	swait.ge [sflag:s18], $0x2710  }
0x93: {  	[sflag:s18] =	ssyncset.done $0x0  }
0x94: {  	[sflag:s18] =	ssyncadd.s32 $0xFFFFD8F0  }
0x95: {  	_ =	sfence.sel $0x180000  }
0x96: {  	[bflag:$0x0] =	sbarrier.arrive $0xFFFF  }
0x97: {  	_ =	strace $0x9000004A  }
0x98: {  	s0 =	stileid.u32;
	[bflag:$0x2] =	sbarrier.arrive $0xFFFF  }
0x99: {  	p0 =	sne.s32 s0, $0x0;
	s0 =	rddreg [dreg:$0x2]  }
0x9a: {  	s0 =	sadd.s32 @!p0 $0x100000, s0  }
0x9b: {  	[sflag:s0] =	ssyncadd.tile.s32 @!p0 $0x1;
	_ =	shalt  }
.Lfunc_end2:
_tile_overlayer_lowered:
.L_overlay_start_2:
0x9c: {  	(tag) =	ssettag $0x2  }
0x9d: {  	s0 =	rddreg [dreg:$0x0];
	s2 =	stileid.u32  }
0x9e: {  	s1 =	rddreg [dreg:$0x1];
	p0 =	sne.s32 s2, $0x0  }
0x9f: {  	s3 =	rddreg [dreg:$0x2];
	[bflag:$0x3] =	sbarrier.arrive $0xFFFF;
	s2 =	simm.s32 @!p0 $0x1C03  }
0xa0: {  	[timem:s3], [sflag:s2] =	dma.local @!p0 [hbm:s0], s1  }
0xa1: {  	s0 =	simm.s32 @!p0 $0x3  }
0xa2: {  	_ =	swait.ge @!p0 [sflag:s0], s1  }
0xa3: {  	s1 =	ssub.s32 @!p0 $0x0, s1;
	[sflag:s0] =	ssyncset.done @!p0 $0x0  }
0xa4: {  	[sflag:s0] =	ssyncadd.s32 @!p0 s1  }
0xa5: {  	[bflag:$0x3] =	sbarrier.arrive $0xFFFF  }
0xa6: {  	_ =	shalt  }

// kernel: kernel.16.cloned.1.call-start
scs
__scs_entry_jumppad:
0x0: {  	(pc) =	sbr.rel $0x88, $3  }
0x1: {  	(tag) =	ssettag $0x0;
	lr =	simm.s32 $0x1  }
0x2: {  	[smem:$0x3F96] =	sst lr;
	_ =	strace $0xD0000000  }
0x3: {  	_ = 	snop  }
0x4: {  	_ = 	snop  }
0x5: {  	_ = 	snop  }
0x6: {  	_ = 	snop  }
0x7: {  	_ = 	snop  }
__scs_overlays_trampoline_lowered:
0x8: {  	[smem:$0x3FA5] =	sst s0  }
0x9: {  	[smem:$0x3FA6] =	sst s1  }
0xa: {  	[smem:$0x3FA7] =	sst s2  }
0xb: {  	[smem:$0x3FA8] =	sst s3  }
0xc: {  	[smem:$0x3FA9] =	sst s4  }
0xd: {  	[smem:$0x3FAA] =	sst s5  }
0xe: {  	[smem:$0x3FAB] =	sst s6  }
0xf: {  	[smem:$0x3FAC] =	sst s7  }
0x10: {  	[smem:$0x3FAD] =	sst s8  }
0x11: {  	[smem:$0x3FAE] =	sst s9;
	s0 =	simm.s32 @!p0 $0x0  }
0x12: {  	s1 =	sld [smem:$0x3F94];
	s0 =	simm.s32 @p0 $0x1  }
0x13: {  	[smem:$0x3FAF] =	sst s0;
	s0 =	simm.s32 @!p1 $0x0  }
0x14: {  	s2 =	sld [smem:$0x3F93];
	s0 =	simm.s32 @p1 $0x1  }
0x15: {  	[smem:$0x3FB0] =	sst s0;
	s0 =	simm.s32 @!p2 $0x0  }
0x16: {  	s3 =	sld [smem:$0x3FDB];
	s0 =	simm.s32 @p2 $0x1  }
0x17: {  	s4 =	simm.s32 $0x1BF5;
	[smem:$0x3FB2] =	sst s0  }
0x18: {  	s0 =	sld [smem:$0x3F95];
	_ =	swait.ge [sflag:s4], $0x0  }
0x19: {  	s7 =	sld [smem:$0x3F96]  }
0x1a: {  	s8 =	sadd.s32 $0xFFFFE003, lr  }
0x1b: {  	s9 =	sadd.s32 $0xFFFFFEF7, lr;
	s5 =	simm.s32 $0xFFFFFFFF;
	p2 =	slt.u32 s8, $0xFFFFF086  }
0x1c: {  	p1 =	slt.u32 s9, $0xF7A;
	s5 =	simm.s32 @!p2 $0x0  }
0x1d: {  	s5 =	simm.s32 @p1 $0x1;
	p0 =	seq.s32 s7, s2  }
0x1e: {  	s7 =	smul.u32 @!p0 $0xF7A, s2;
	p2 =	seq.s32 @!p0 s5, $0x0  }
0x1f: {  	s9 =	smul.u32 $0xF7A, s1;
	s8 =	simm.s32 @!p0 $0x1BF5;
	p2 =	por !p2, p0  }
0x20: {  	[sflag:s8] =	ssyncset.s32 @!p0 $0xFFFFF086;
	s6 =	sadd.s32 @!p0 s3, s7;
	s7 =	simm.s32 @!p0 $0x108  }
0x21: {  	s3 =	sadd.s32 s3, s9;
	s6 =	sadd.s32 @!p0 $0x88, s6;
	s7 =	simm.s32 @p2 $0x1082  }
0x22: {  	[simem:s7], [sflag:s8] =	dma.local @!p0 [hbm:s6], $0xF7A  }
0x23: {  	s9 =	sor.u32 $0xD0000000, s2;
	s6 =	simm.s32 $0x108;
	_ =	swait.ge @!p0 [sflag:s8], $0x0  }
0x24: {  	s3 =	sadd.s32 $0x88, s3;
	s6 =	simm.s32 @!p1 $0x1082;
	[sflag:s4] =	ssyncset.s32 $0xFFFFF086  }
0x25: {  	[simem:s6], [sflag:s4] =	dma.local [hbm:s3], $0xF7A  }
0x26: {  	[smem:$0x3F96] =	sst s1;
	(tag) =	ssettag s2;
	_ =	strace s9  }
0x27: {  	s1 =	sld [smem:$0x3FA6]  }
0x28: {  	s2 =	sld [smem:$0x3FA7]  }
0x29: {  	s4 =	sld [smem:$0x3FA9]  }
0x2a: {  	p0 =	seq.s32 s5, $0x0;
	s5 =	sld [smem:$0x3FAA]  }
0x2b: {  	s6 =	sld [smem:$0x3FAB]  }
0x2c: {  	s7 =	sld [smem:$0x3FAC]  }
0x2d: {  	s3 =	simm.s32 $0x108;
	s8 =	sld [smem:$0x3FAD]  }
0x2e: {  	s3 =	simm.s32 @!p0 $0x1082;
	s9 =	sld [smem:$0x3FAE]  }
0x2f: {  	lr =	sadd.s32 s0, s3;
	s0 =	sld [smem:$0x3FA5]  }
0x30: {  	s3 =	sld [smem:$0x3FA8]  }
0x31: {  	[smem:$0x3FB1] =	sst s10  }
0x32: {  	s10 =	sld [smem:$0x3FAF];
	_ =	sdelay $0x3  }
0x33: {  	p0 =	seq.s32 s10, $0x1;
	s10 =	sld [smem:$0x3FB1];
	_ =	sdelay $0x3  }
0x34: {  	[smem:$0x3FB1] =	sst s10  }
0x35: {  	s10 =	sld [smem:$0x3FB0];
	_ =	sdelay $0x3  }
0x36: {  	p1 =	seq.s32 s10, $0x1;
	s10 =	sld [smem:$0x3FB1];
	_ =	sdelay $0x3  }
0x37: {  	[smem:$0x3FB1] =	sst s10  }
0x38: {  	s10 =	sld [smem:$0x3FB2]  }
0x39: {  	_ = 	snop;
	(pc) =	sbr.ind lr, $3  }
0x3a: {  	_ = 	snop  }
0x3b: {  	_ = 	snop  }
0x3c: {  	p2 =	seq.s32 s10, $0x1;
	s10 =	sld [smem:$0x3FB1]  }
0x3d: {  	_ =	shalt  }
0x3e: {  	_ =	shalt  }
0x3f: {  	_ =	shalt  }
0x40: {  	_ =	shalt  }
0x41: {  	_ =	shalt  }
0x42: {  	_ =	shalt  }
0x43: {  	_ =	shalt  }
0x44: {  	_ =	shalt  }
0x45: {  	_ =	shalt  }
0x46: {  	_ =	shalt  }
0x47: {  	_ =	shalt  }
0x48: {  	_ =	shalt  }
0x49: {  	_ =	shalt  }
0x4a: {  	_ =	shalt  }
0x4b: {  	_ =	shalt  }
0x4c: {  	_ =	shalt  }
0x4d: {  	_ =	shalt  }
0x4e: {  	_ =	shalt  }
0x4f: {  	_ =	shalt  }
0x50: {  	_ =	shalt  }
0x51: {  	_ =	shalt  }
0x52: {  	_ =	shalt  }
0x53: {  	_ =	shalt  }
0x54: {  	_ =	shalt  }
0x55: {  	_ =	shalt  }
0x56: {  	_ =	shalt  }
0x57: {  	_ =	shalt  }
0x58: {  	_ =	shalt  }
0x59: {  	_ =	shalt  }
0x5a: {  	_ =	shalt  }
0x5b: {  	_ =	shalt  }
0x5c: {  	_ =	shalt  }
0x5d: {  	_ =	shalt  }
0x5e: {  	_ =	shalt  }
0x5f: {  	_ =	shalt  }
0x60: {  	_ =	shalt  }
0x61: {  	_ =	shalt  }
0x62: {  	_ =	shalt  }
0x63: {  	_ =	shalt  }
0x64: {  	_ =	shalt  }
0x65: {  	_ =	shalt  }
0x66: {  	_ =	shalt  }
0x67: {  	_ =	shalt  }
0x68: {  	_ =	shalt  }
0x69: {  	_ =	shalt  }
0x6a: {  	_ =	shalt  }
0x6b: {  	_ =	shalt  }
0x6c: {  	_ =	shalt  }
0x6d: {  	_ =	shalt  }
0x6e: {  	_ =	shalt  }
0x6f: {  	_ =	shalt  }
0x70: {  	_ =	shalt  }
0x71: {  	_ =	shalt  }
0x72: {  	_ =	shalt  }
0x73: {  	_ =	shalt  }
0x74: {  	_ =	shalt  }
0x75: {  	_ =	shalt  }
0x76: {  	_ =	shalt  }
0x77: {  	_ =	shalt  }
0x78: {  	_ =	shalt  }
0x79: {  	_ =	shalt  }
0x7a: {  	_ =	shalt  }
0x7b: {  	_ =	shalt  }
0x7c: {  	_ =	shalt  }
0x7d: {  	_ =	shalt  }
0x7e: {  	_ =	shalt  }
0x7f: {  	_ =	shalt  }
0x80: {  	_ =	shalt  }
0x81: {  	_ =	shalt  }
0x82: {  	_ =	shalt  }
0x83: {  	_ =	shalt  }
0x84: {  	_ =	shalt  }
0x85: {  	_ =	shalt  }
0x86: {  	_ =	shalt  }
0x87: {  	_ =	shalt  }
.Lfunc_end0:
.L_simem_size_0:
called_computation.2_lowered:
.L_overlay_start_0:
0x88: {  	s2 =	sld [smem:$0x3FD9]  }
0x89: {  	s3 =	sld [smem:$0x3FFE];
	_ =	sdelay $0x1  }
0x8a: {  	s1 =	srdreg.scid  }
0x8b: {  	s0 =	sand.u32 $0x1, s1  }
0x8c: {  	s16 =	sshll.u32 s0, $0xA;
	s2 =	sadd.s32 s3, s2  }
0x8d: {  	s2 =	sadd.s32 s2, s16  }
0x8e: {  	[smem:$0x3FBD] =	sst s2  }
0x8f: {  	_ = 	snop  }
0x90: {  	(tm) =	ssettm $0x1  }
0x91: {  	s17 =	sld [smem:$0x3FFB];
	_ =	sdelay $0x3  }
0x92: {  	_ =	strace s17  }
0x93: {  	s2 =	sld [smem:$0x3FFC];
	_ =	sdelay $0x3  }
0x94: {  	_ =	strace s2  }
0x95: {  	s2 =	sld [smem:$0x3FFD];
	_ =	sdelay $0x3  }
0x96: {  	_ =	strace s2  }
0x97: {  	_ =	strace $0x8FFFFFFF  }
0x98: {  	s18 =	sld [smem:$0x3FDB];
	_ =	sdelay $0x1  }
0x99: {  	s19 =	simm.s32 $_scs_section_size  }
0x9a: {  	s4 =	simm.s32 $_size__tile_overlayer_lowered;
	s5 =	simm.s32 $_tile_overlayer_lowered  }
0x9b: {  	s22 =	simm.s32 $0x1BFF;
	s21 =	sshll.u32 s5, $0x1;
	s2 =	sadd.s32 s19, s18  }
0x9c: {  	s6 =	simm.s32 $0x0;
	s20 =	sshll.u32 s4, $0x1;
	s4 =	sadd.s32 s21, s2  }
0x9d: {  	[timem:s6], [sflag:s22] =	dma.local [hbm:s4], s20  }
0x9e: {  	_ =	swait.ge [sflag:s22], s20  }
0x9f: {  	s3 =	ssub.s32 $0x0, s20;
	[sflag:s22] =	ssyncset.done $0x0  }
0xa0: {  	[sflag:s22] =	ssyncadd.s32 s3;
	_ =	sdelay $0x1  }
0xa1: {  	s23 =	simm.s32 $0x1B8B  }
0xa2: {  	_ =	swait.ge [sflag:s23], $0x1  }
0xa3: {  	[sflag:s23] =	ssyncset.done $0x0  }
0xa4: {  	s25 =	simm.s32 $0x1B8E;
	s24 =	sld [smem:$0x3FFE];
	[sflag:s23] =	ssyncadd.s32 $0xFFFFFFFF  }
0xa5: {  	s26 =	simm.s32 $execute0_lowered;
	[smem:$0x3FD2] =	sst s25  }
0xa6: {  	s4 =	sshll.u32 s26, $0x1;
	_ =	strace $0x8000004C;
	[dreg:$0x1] =	wrdreg $0xFFFFFFFF  }
0xa7: {  	s28 =	simm.s32 $_size_execute0_lowered;
	s2 =	sadd.s32 s2, s4;
	[dreg:$0x0] =	wrdreg $0x0  }
0xa8: {  	s4 =	sshll.u32 s28, $0x1;
	[dreg:$0x2] =	wrdreg s2  }
0xa9: {  	[dreg:$0x3] =	wrdreg s4  }
0xaa: {  	[dreg:$0x4] =	wrdreg $0xC0  }
0xab: {  	_ =	task [dreg:s6], $0x5FFFF  }
0xac: {  	[dreg:$0x1] =	wrdreg $0xFFFFFFFF  }
0xad: {  	[dreg:$0x0] =	wrdreg $0x60  }
0xae: {  	[dreg:$0x2] =	wrdreg s24  }
0xaf: {  	[dreg:$0x3] =	wrdreg $0xC0000  }
0xb0: {  	[dreg:$0x4] =	wrdreg $0x9  }
0xb1: {  	_ =	task.clear_ibuf [dreg:s6], $0x5FFFF;
	_ =	strace $0x9000004C  }
0xb2: {  	s29 =	simm.s32 $0x9;
	_ =	strace $0x8000004E  }
0xb3: {  	_ =	swait.ge [sflag:s29], $0x1  }
0xb4: {  	[sflag:s29] =	ssyncadd.s32 $0xFFFFFFFF  }
0xb5: {  	_ =	strace $0x9000004E  }
0xb6: {  	_ =	sfence  }
0xb7: {  	s30 =	sld [smem:$0x0];
	_ =	sdelay $0x2  }
0xb8: {  	s31 =	sshll.u32 s1, $0xD;
	s1 =	sshrl.u32 s1, $0x2  }
0xb9: {  	s3 =	sand.u32 $0x4000, s31;
	s1 =	sadd.s32 s1, s30  }
0xba: {  	s0 =	sor.u32 s3, s0;
	s1 =	sshll.u32 s1, $0x11  }
0xbb: {  	s0 =	sor.u32 s1, s0  }
0xbc: {  	s0 =	sadd.s32 $0x8F2B, s0  }
0xbd: {  	[sflag:s0] =	ssyncadd.remote.s32 $0x1  }
0xbe: {  	_ =	sfence.sel $0xFFFF  }
0xbf: {  	[dreg:$0x0] =	wrdreg $0xFFFFFFFF;
	(pc) =	sbr.abs _section_cstart, $3  }
0xc0: {  	[dreg:$0x1] =	wrdreg $0xFFFFFFFF  }
0xc1: {  	_ =	task.clear_ibuf [dreg:s6], $0x2FFFF;
	_ =	strace $0x9FFFFFFF  }
0xc2: {  	(tm) =	ssettm $0x7FFFFFFF  }
0xc3: {  	_ =	shalt  }
tec
execute0_lowered:
.L_overlay_start_1:
0x0: {  	(tag) =	ssettag $0x1  }
0x1: {  	s0 =	rddreg [dreg:$0x0]  }
0x2: {  	s2 =	rddreg [dreg:$0x1]  }
0x3: {  	s1 =	srdreg.scid;
	s26 =	stileid.u32  }
0x4: {  	s3 =	simm.s32 $0x0;
	s17 =	simm.s32 $0x5800;
	s18 =	simm.s32 $0x3  }
0x5: {  	s19 =	simm.s32 $0x5780;
	s20 =	simm.s32 $0x10;
	s22 =	simm.s32 $0x1  }
0x6: {  	s23 =	simm.s32 $0x2;
	s25 =	simm.s32 $0x5700;
	s28 =	smul.u32 $0x13C00, s26  }
0x7: {  	s5 =	sand.u32 $0x1, s1;
	[smem:$0x7FF] =	sst s3;
	s9 =	smul.u32 $0x4E200, s26  }
0x8: {  	s4 =	sshll.u32 s5, $0x4;
	s6 =	smul.u32 $0x13C000, s5;
	_ =	strace $0x8000004D  }
0x9: {  	s29 =	ssub.s32 $0x2, s5;
	s7 =	sor.u32 s26, s4;
	s4 =	sadd.s32 $0x16E00, s0  }
0xa: {  	s30 =	sshrl.u32 s9, $0x2;
	s31 =	sshrl.u32 s29, $0x1;
	s26 =	simm.s32 $0x8C00  }
0xb: {  	s8 =	smul.u32 $0x600, s7;
	s6 =	sadd.s32 s28, s6;
	s5 =	sadd.s32 s30, s2  }
0xc: {  	s10 =	smul.u32 $0x2710, s7;
	s16 =	ssub.s32 s29, s31;
	s6 =	sshrl.u32 s6, $0x3  }
0xd: {  	s7 =	sadd.s32 $0x6800, s5;
	s9 =	sadd.s32 $0xD000, s5;
	s11 =	sadd.s32 $0x13800, s5  }
0xe: {  	s16 =	smax.u32 s16, $0x1;
	s13 =	sadd.s32 s8, s0;
	s15 =	sadd.s32 s6, s0  }
0xf: {  	s6 =	sadd.s32 $0x3400, s5;
	s8 =	sadd.s32 $0x9C00, s5;
	s12 =	sshrl.u32 s10, $0x3  }
0x10: {  	s10 =	sadd.s32 $0x10400, s5;
	s0 =	sadd.s32 s0, s12;
	s13 =	sadd.s32 $0x75E00, s13  }
0x11: {  	v0 =	vimm.f32 $0.0e+00;
	s15 =	sadd.s32 $0x81E00, s15;
	s12 =	sadd.s32 $0x3200, s0;
	s14 =	sadd.s32 $0xD4E0, s0  }
.LBB2_1:
0x12: {  	s28 =	simm.s32 $0x0;
	s29 =	simm.s32 $0x200  }
.LBB2_2:
0x13: {  	p0 =	sne.s32 s29, $0xCE00;
	[tilespmem:s28+$0x5870] =	vst v0  }
0x14: {  	[tilespmem:s28+$0x5800] =	vst v0  }
0x15: {  	[tilespmem:s28+$0x5810] =	vst v0  }
.Ltmp0:
0x16: {  	[tilespmem:s28+$0x5820] =	vst v0;
	(pc) =	sbr.rel @p0 .LBB2_2-.Ltmp0, $4  }
0x17: {  	[tilespmem:s28+$0x5830] =	vst v0  }
0x18: {  	[tilespmem:s28+$0x5840] =	vst v0  }
0x19: {  	[tilespmem:s28+$0x5850] =	vst v0  }
0x1a: {  	[tilespmem:s28+$0x5860] =	vst v0;
	s28 =	sshra.s32 s29, $0x2;
	s29 =	sadd.s32 $0x200, s29  }
0x1b: {  	[tilespmem:s28+$0x5870] =	vst v0  }
0x1c: {  	[tilespmem:s28+$0x5800] =	vst v0  }
0x1d: {  	[tilespmem:s28+$0x5810] =	vst v0  }
0x1e: {  	[tilespmem:s28+$0x5820] =	vst v0  }
0x1f: {  	[tilespmem:s28+$0x5830] =	vst v0  }
0x20: {  	[tilespmem:s28+$0x5840] =	vst v0  }
0x21: {  	[tilespmem:s28+$0x5850] =	vst v0  }
0x22: {  	[tilespmem:s28+$0x5860] =	vst v0  }
0x23: {  	[spmem:s5] =	stream.linear.scatter [tilespmem:s17], [sflag:$0x3], $0x3400, $0x38;
	[tilespmem:$0x1F880] =	vst v63  }
0x24: {  	_ =	swait.ge [sflag:s18], $0x3400  }
0x25: {  	[sflag:s18] =	ssyncset.done $0x0  }
0x26: {  	[sflag:s18] =	ssyncadd.s32 $0xFFFFCC00  }
0x27: {  	[spmem:s6] =	stream.linear.scatter [tilespmem:s17], [sflag:$0x3], $0x3400, $0x38;
	[tilespmem:$0x1F880] =	vst v63  }
0x28: {  	_ =	swait.ge [sflag:s18], $0x3400  }
0x29: {  	[sflag:s18] =	ssyncset.done $0x0  }
0x2a: {  	[sflag:s18] =	ssyncadd.s32 $0xFFFFCC00  }
0x2b: {  	[spmem:s7] =	stream.linear.scatter [tilespmem:s17], [sflag:$0x3], $0x3400, $0x38;
	[tilespmem:$0x1F880] =	vst v63  }
0x2c: {  	_ =	swait.ge [sflag:s18], $0x3400  }
0x2d: {  	[sflag:s18] =	ssyncset.done $0x0  }
0x2e: {  	[sflag:s18] =	ssyncadd.s32 $0xFFFFCC00  }
0x2f: {  	[spmem:s8] =	stream.linear.scatter [tilespmem:s17], [sflag:$0x3], $0x3400, $0x38;
	[tilespmem:$0x1F880] =	vst v63  }
0x30: {  	_ =	swait.ge [sflag:s18], $0x3400  }
0x31: {  	[sflag:s18] =	ssyncset.done $0x0  }
0x32: {  	[sflag:s18] =	ssyncadd.s32 $0xFFFFCC00  }
0x33: {  	[spmem:s9] =	stream.linear.scatter [tilespmem:s17], [sflag:$0x3], $0x3400, $0x38;
	[tilespmem:$0x1F880] =	vst v63  }
0x34: {  	_ =	swait.ge [sflag:s18], $0x3400  }
0x35: {  	[sflag:s18] =	ssyncset.done $0x0  }
0x36: {  	[sflag:s18] =	ssyncadd.s32 $0xFFFFCC00  }
0x37: {  	[spmem:s10] =	stream.linear.scatter [tilespmem:s17], [sflag:$0x3], $0x3400, $0x38;
	[tilespmem:$0x1F880] =	vst v63  }
0x38: {  	_ =	swait.ge [sflag:s18], $0x3400  }
0x39: {  	[sflag:s18] =	ssyncset.done $0x0  }
0x3a: {  	[sflag:s18] =	ssyncadd.s32 $0xFFFFCC00  }
0x3b: {  	[spmem:s11] =	stream.linear.scatter [tilespmem:s17], [sflag:$0x3], $0x80, $0x38;
	[tilespmem:$0x1F880] =	vst v63  }
0x3c: {  	_ =	swait.ge [sflag:s18], $0x80  }
0x3d: {  	[sflag:s18] =	ssyncset.done $0x0  }
0x3e: {  	[sflag:s18] =	ssyncadd.s32 $0xFFFFFF80  }
0x3f: {  	s0 =	simm.s32 $0x0;
	[bflag:$0x0] =	sbarrier.arrive $0xFFFF  }
0x40: {  	[tilespmem:s0], [sflag:$0x3] =	stream.linear.gather [hbm4b:s12+s0], $0x2710, $0x38;
	[tilespmem:$0x1F880] =	vst v63  }
0x41: {  	_ =	swait.ge [sflag:s18], $0x2710  }
0x42: {  	[sflag:s18] =	ssyncset.done $0x0  }
0x43: {  	s28 =	simm.s32 $0x2780;
	[sflag:s18] =	ssyncadd.s32 $0xFFFFD8F0  }
0x44: {  	[tilespmem:s28], [sflag:$0x3] =	stream.linear.gather [hbm4b:s13+s0], $0x3000, $0x38;
	[tilespmem:$0x1F880] =	vst v63  }
0x45: {  	_ =	swait.ge [sflag:s18], $0x3000  }
0x46: {  	[sflag:s18] =	ssyncset.done $0x0  }
0x47: {  	[sflag:s18] =	ssyncadd.s32 $0xFFFFD000  }
0x48: {  	[tilespmem:s19], [sflag:$0x3] =	stream.linear.gather [hbm4b:s14+s0], $0x10, $0x38;
	[tilespmem:$0x1F880] =	vst v63  }
0x49: {  	_ =	swait.ge [sflag:s18], $0x10  }
0x4a: {  	[sflag:s18] =	ssyncset.done $0x0  }
0x4b: {  	s1 =	simm.s32 $0x2700;
	[sflag:s18] =	ssyncadd.s32 $0xFFFFFFF0  }
0x4c: {  	[tilespmem:s17], [sflag:$0x1] =	stream.indirect.gather [hbm4b:s4+s20], $0x80, s1, s20, $0xb8;
	[tilespmem:$0x1F880] =	vst v63  }
0x4d: {  	_ =	swait.ge [sflag:s22], $0x800  }
0x4e: {  	[sflag:s22] =	ssyncset.done $0x0  }
0x4f: {  	[sflag:s22] =	ssyncadd.s32 $0xFFFFF800  }
0x50: {  	[spmem:s2] =	stream.indirect.scatter.add.f32 [tilespmem:s17], [sflag:$0x3], $0x80, s19, s20, $0xb8;
	[tilespmem:$0x1F880] =	vst v63  }
0x51: {  	_ =	swait.ge [sflag:s18], $0x800  }
0x52: {  	[sflag:s18] =	ssyncset.done $0x0  }
0x53: {  	s29 =	simm.s32 $0x68;
	[sflag:s18] =	ssyncadd.s32 $0xFFFFF800  }
0x54: {  	[tilespmem:s17], [sflag:$0x1] =	stream.indirect.gather [hbm4b:s4+s29], $0x80, s0, s29, $0xb8;
	[tilespmem:$0x1F880] =	vst v63  }
0x55: {  	s0 =	sand.u32 $0x1, s0  }
0x56: {  	p0 =	seq.s32 s0, $0x1  }
0x57: {  	s0 =	simm.s32 @p0 $0x2  }
0x58: {  	_ =	swait.ge @p0 [sflag:s0], $0x3400  }
0x59: {  	[sflag:s0] =	ssyncset.done @p0 $0x0  }
0x5a: {  	s30 =	simm.s32 @p0 $0x5800;
	[sflag:s0] =	ssyncadd.s32 @p0 $0xFFFFCC00;
	s0 =	simm.s32 @p0 $0x68  }
0x5b: {  	[tilespmem:s30], [sflag:$0x1] =	stream.indirect.gather @p0 [hbm4b:s4+s0], $0x80, s29, s0, $0xb8;
	[tilespmem:$0x1F880] =	vst v63  }
0x5c: {  	s31 =	simm.s32 @!p0 $0x1;
	s30 =	simm.s32 @p0 $0x8C00  }
0x5d: {  	[spmem:s2] =	stream.indirect.scatter.add.f32 @p0 [tilespmem:s30], [sflag:$0x3], $0x80, s28, s0, $0xb8;
	[tilespmem:$0x1F880] =	vst v63  }
0x5e: {  	_ =	swait.ge @!p0 [sflag:s31], $0x3400  }
0x5f: {  	s30 =	simm.s32 @!p0 $0x4;
	[sflag:s31] =	ssyncset.done @!p0 $0x0  }
0x60: {  	s0 =	simm.s32 @!p0 $0x68;
	[sflag:s31] =	ssyncadd.s32 @!p0 $0xFFFFCC00;
	s31 =	simm.s32 @!p0 $0x8C00  }
0x61: {  	[tilespmem:s31], [sflag:$0x2] =	stream.indirect.gather @!p0 [hbm4b:s4+s0], $0x80, s29, s0, $0xb8;
	[tilespmem:$0x1F880] =	vst v63  }
0x62: {  	s30 =	simm.s32 @p0 $0x3;
	s29 =	simm.s32 $0x1;
	s31 =	simm.s32 @!p0 $0x5800  }
0x63: {  	[spmem:s2] =	stream.indirect.scatter.add.f32 @!p0 [tilespmem:s31], [sflag:$0x4], $0x80, s28, s0, $0xb8;
	[tilespmem:$0x1F880] =	vst v63  }
0x64: {  	s31 =	simm.s32 $0x2;
	s28 =	simm.s32 $0xD0;
	_ =	swait.ge [sflag:s30], $0x3400  }
0x65: {  	s0 =	sand.u32 $0x1, s29;
	s29 =	simm.s32 $0x2800;
	[sflag:s30] =	ssyncset.done $0x0  }
.LBB2_4:
0x66: {  	p1 =	seq.s32 s0, $0x1  }
0x67: {  	[sflag:s30] =	ssyncadd.s32 $0xFFFFCC00;
	s0 =	smov.u32 s31;
	s31 =	sadd.s32 $0x1, s31  }
0x68: {  	p0 =	sne.s32 s31, $0x5F;
	s1 =	simm.s32 @p1 $0x2;
	s30 =	simm.s32 @!p1 $0x4  }
0x69: {  	_ =	swait.ge @p1 [sflag:s1], $0x3400  }
0x6a: {  	[sflag:s1] =	ssyncset.done @p1 $0x0  }
0x6b: {  	s21 =	simm.s32 @p1 $0x5800;
	[sflag:s1] =	ssyncadd.s32 @p1 $0xFFFFCC00;
	s1 =	simm.s32 @p1 $0x68  }
0x6c: {  	[tilespmem:s21], [sflag:$0x1] =	stream.indirect.gather @p1 [hbm4b:s4+s1], $0x80, s28, s1, $0xb8;
	[tilespmem:$0x1F880] =	vst v63  }
0x6d: {  	s24 =	simm.s32 @!p1 $0x1;
	s21 =	simm.s32 @p1 $0x8C00  }
0x6e: {  	[spmem:s2] =	stream.indirect.scatter.add.f32 @p1 [tilespmem:s21], [sflag:$0x3], $0x80, s29, s1, $0xb8;
	[tilespmem:$0x1F880] =	vst v63  }
0x6f: {  	_ =	swait.ge @!p1 [sflag:s24], $0x3400  }
0x70: {  	[sflag:s24] =	ssyncset.done @!p1 $0x0  }
0x71: {  	s1 =	simm.s32 @!p1 $0x68;
	s21 =	simm.s32 @!p1 $0x8C00;
	[sflag:s24] =	ssyncadd.s32 @!p1 $0xFFFFCC00  }
0x72: {  	[tilespmem:s21], [sflag:$0x2] =	stream.indirect.gather @!p1 [hbm4b:s4+s1], $0x80, s28, s1, $0xb8;
	[tilespmem:$0x1F880] =	vst v63  }
.Ltmp1:
0x73: {  	_ = 	snop;
	(pc) =	sbr.rel @p0 .LBB2_4-.Ltmp1, $4  }
0x74: {  	s30 =	simm.s32 @p1 $0x3;
	s21 =	simm.s32 @!p1 $0x5800  }
0x75: {  	[spmem:s2] =	stream.indirect.scatter.add.f32 @!p1 [tilespmem:s21], [sflag:$0x4], $0x80, s29, s1, $0xb8;
	[tilespmem:$0x1F880] =	vst v63  }
0x76: {  	s28 =	sadd.s32 $0x68, s28;
	_ =	swait.ge [sflag:s30], $0x3400  }
0x77: {  	s0 =	sand.u32 $0x1, s0;
	s29 =	sadd.s32 $0x80, s29;
	[sflag:s30] =	ssyncset.done $0x0  }
0x78: {  	p0 =	seq.s32 s0, $0x1  }
0x79: {  	[sflag:s30] =	ssyncadd.s32 $0xFFFFCC00;
	s0 =	simm.s32 @p0 $0x2  }
0x7a: {  	_ =	swait.ge @p0 [sflag:s0], $0x3400  }
0x7b: {  	[sflag:s0] =	ssyncset.done @p0 $0x0  }
0x7c: {  	s1 =	simm.s32 @p0 $0x5800;
	[sflag:s0] =	ssyncadd.s32 @p0 $0xFFFFCC00;
	s0 =	simm.s32 @p0 $0x68  }
0x7d: {  	[tilespmem:s1], [sflag:$0x1] =	stream.indirect.gather @p0 [hbm4b:s4+s0], $0x80, s28, s0, $0xb8;
	[tilespmem:$0x1F880] =	vst v63  }
0x7e: {  	s21 =	simm.s32 @!p0 $0x1;
	s1 =	simm.s32 @p0 $0x8C00  }
0x7f: {  	[spmem:s2] =	stream.indirect.scatter.add.f32 @p0 [tilespmem:s1], [sflag:$0x3], $0x80, s29, s0, $0xb8;
	[tilespmem:$0x1F880] =	vst v63  }
0x80: {  	_ =	swait.ge @!p0 [sflag:s21], $0x3400  }
0x81: {  	s0 =	simm.s32 @!p0 $0x4;
	[sflag:s21] =	ssyncset.done @!p0 $0x0  }
0x82: {  	s1 =	simm.s32 @!p0 $0x68;
	[sflag:s21] =	ssyncadd.s32 @!p0 $0xFFFFCC00;
	s21 =	simm.s32 @!p0 $0x8C00  }
0x83: {  	[tilespmem:s21], [sflag:$0x2] =	stream.indirect.gather @!p0 [hbm4b:s4+s1], $0x80, s28, s1, $0xb8;
	[tilespmem:$0x1F880] =	vst v63  }
0x84: {  	s0 =	simm.s32 @p0 $0x3;
	s21 =	simm.s32 @!p0 $0x5800  }
0x85: {  	[spmem:s2] =	stream.indirect.scatter.add.f32 @!p0 [tilespmem:s21], [sflag:$0x4], $0x80, s29, s1, $0xb8;
	[tilespmem:$0x1F880] =	vst v63  }
0x86: {  	_ =	swait.ge [sflag:s0], $0x3400  }
0x87: {  	[sflag:s0] =	ssyncset.done $0x0  }
0x88: {  	[sflag:s0] =	ssyncadd.s32 $0xFFFFCC00  }
0x89: {  	_ =	swait.ge [sflag:s23], $0x3400  }
0x8a: {  	[sflag:s23] =	ssyncset.done $0x0  }
0x8b: {  	s29 =	simm.s32 $0x68;
	[sflag:s23] =	ssyncadd.s32 $0xFFFFCC00  }
0x8c: {  	[spmem:s2] =	stream.indirect.scatter.add.f32 [tilespmem:s26], [sflag:$0x3], $0x80, s25, s29, $0xb8;
	[tilespmem:$0x1F880] =	vst v63  }
0x8d: {  	s30 =	stileid.u32;
	_ =	swait.ge [sflag:s18], $0x3400  }
0x8e: {  	s31 =	sshrl.u32 s5, $0x3;
	s3 =	sadd.s32 $0x1, s3;
	[sflag:s18] =	ssyncset.done $0x0  }
0x8f: {  	p0 =	sne.s32 s3, s16;
	s0 =	sshll.u32 s30, $0x6;
	[sflag:s18] =	ssyncadd.s32 $0xFFFFCC00  }
.Ltmp2:
0x90: {  	s0 =	sor.u32 $0x1C03, s0;
	[bflag:$0x0] =	sbarrier.arrive $0xFFFF;
	(pc) =	sbr.rel @p0 .LBB2_1-.Ltmp2, $4  }
0x91: {  	[hbm:s15], [sflag:s0] =	dma.local [spmem:s31], $0x2710  }
0x92: {  	_ =	swait.ge [sflag:s18], $0x2710  }
0x93: {  	[sflag:s18] =	ssyncset.done $0x0  }
0x94: {  	[sflag:s18] =	ssyncadd.s32 $0xFFFFD8F0  }
0x95: {  	_ =	sfence.sel $0x180000  }
0x96: {  	[bflag:$0x0] =	sbarrier.arrive $0xFFFF  }
0x97: {  	_ =	strace $0x9000004D  }
0x98: {  	s0 =	stileid.u32;
	[bflag:$0x2] =	sbarrier.arrive $0xFFFF  }
0x99: {  	p0 =	sne.s32 s0, $0x0;
	s0 =	rddreg [dreg:$0x2]  }
0x9a: {  	s0 =	sadd.s32 @!p0 $0x100000, s0  }
0x9b: {  	[sflag:s0] =	ssyncadd.tile.s32 @!p0 $0x1;
	_ =	shalt  }
.Lfunc_end2:
_tile_overlayer_lowered:
.L_overlay_start_2:
0x9c: {  	(tag) =	ssettag $0x2  }
0x9d: {  	s0 =	rddreg [dreg:$0x0];
	s2 =	stileid.u32  }
0x9e: {  	s1 =	rddreg [dreg:$0x1];
	p0 =	sne.s32 s2, $0x0  }
0x9f: {  	s3 =	rddreg [dreg:$0x2];
	[bflag:$0x3] =	sbarrier.arrive $0xFFFF;
	s2 =	simm.s32 @!p0 $0x1C03  }
0xa0: {  	[timem:s3], [sflag:s2] =	dma.local @!p0 [hbm:s0], s1  }
0xa1: {  	s0 =	simm.s32 @!p0 $0x3  }
0xa2: {  	_ =	swait.ge @!p0 [sflag:s0], s1  }
0xa3: {  	s1 =	ssub.s32 @!p0 $0x0, s1;
	[sflag:s0] =	ssyncset.done @!p0 $0x0  }
0xa4: {  	[sflag:s0] =	ssyncadd.s32 @!p0 s1  }
0xa5: {  	[bflag:$0x3] =	sbarrier.arrive $0xFFFF  }
0xa6: {  	_ =	shalt  }

// kernel: kernel.19.cloned.1.call-start
scs
__scs_entry_jumppad:
0x0: {  	(pc) =	sbr.rel $0x88, $3  }
0x1: {  	(tag) =	ssettag $0x0;
	lr =	simm.s32 $0x1  }
0x2: {  	[smem:$0x3F96] =	sst lr;
	_ =	strace $0xD0000000  }
0x3: {  	_ = 	snop  }
0x4: {  	_ = 	snop  }
0x5: {  	_ = 	snop  }
0x6: {  	_ = 	snop  }
0x7: {  	_ = 	snop  }
__scs_overlays_trampoline_lowered:
0x8: {  	[smem:$0x3FA5] =	sst s0  }
0x9: {  	[smem:$0x3FA6] =	sst s1  }
0xa: {  	[smem:$0x3FA7] =	sst s2  }
0xb: {  	[smem:$0x3FA8] =	sst s3  }
0xc: {  	[smem:$0x3FA9] =	sst s4  }
0xd: {  	[smem:$0x3FAA] =	sst s5  }
0xe: {  	[smem:$0x3FAB] =	sst s6  }
0xf: {  	[smem:$0x3FAC] =	sst s7  }
0x10: {  	[smem:$0x3FAD] =	sst s8  }
0x11: {  	[smem:$0x3FAE] =	sst s9;
	s0 =	simm.s32 @!p0 $0x0  }
0x12: {  	s1 =	sld [smem:$0x3F94];
	s0 =	simm.s32 @p0 $0x1  }
0x13: {  	[smem:$0x3FAF] =	sst s0;
	s0 =	simm.s32 @!p1 $0x0  }
0x14: {  	s2 =	sld [smem:$0x3F93];
	s0 =	simm.s32 @p1 $0x1  }
0x15: {  	[smem:$0x3FB0] =	sst s0;
	s0 =	simm.s32 @!p2 $0x0  }
0x16: {  	s3 =	sld [smem:$0x3FDB];
	s0 =	simm.s32 @p2 $0x1  }
0x17: {  	s4 =	simm.s32 $0x1BF5;
	[smem:$0x3FB2] =	sst s0  }
0x18: {  	s0 =	sld [smem:$0x3F95];
	_ =	swait.ge [sflag:s4], $0x0  }
0x19: {  	s7 =	sld [smem:$0x3F96]  }
0x1a: {  	s8 =	sadd.s32 $0xFFFFE003, lr  }
0x1b: {  	s9 =	sadd.s32 $0xFFFFFEF7, lr;
	s5 =	simm.s32 $0xFFFFFFFF;
	p2 =	slt.u32 s8, $0xFFFFF086  }
0x1c: {  	p1 =	slt.u32 s9, $0xF7A;
	s5 =	simm.s32 @!p2 $0x0  }
0x1d: {  	s5 =	simm.s32 @p1 $0x1;
	p0 =	seq.s32 s7, s2  }
0x1e: {  	s7 =	smul.u32 @!p0 $0xF7A, s2;
	p2 =	seq.s32 @!p0 s5, $0x0  }
0x1f: {  	s9 =	smul.u32 $0xF7A, s1;
	s8 =	simm.s32 @!p0 $0x1BF5;
	p2 =	por !p2, p0  }
0x20: {  	[sflag:s8] =	ssyncset.s32 @!p0 $0xFFFFF086;
	s6 =	sadd.s32 @!p0 s3, s7;
	s7 =	simm.s32 @!p0 $0x108  }
0x21: {  	s3 =	sadd.s32 s3, s9;
	s6 =	sadd.s32 @!p0 $0x88, s6;
	s7 =	simm.s32 @p2 $0x1082  }
0x22: {  	[simem:s7], [sflag:s8] =	dma.local @!p0 [hbm:s6], $0xF7A  }
0x23: {  	s9 =	sor.u32 $0xD0000000, s2;
	s6 =	simm.s32 $0x108;
	_ =	swait.ge @!p0 [sflag:s8], $0x0  }
0x24: {  	s3 =	sadd.s32 $0x88, s3;
	s6 =	simm.s32 @!p1 $0x1082;
	[sflag:s4] =	ssyncset.s32 $0xFFFFF086  }
0x25: {  	[simem:s6], [sflag:s4] =	dma.local [hbm:s3], $0xF7A  }
0x26: {  	[smem:$0x3F96] =	sst s1;
	(tag) =	ssettag s2;
	_ =	strace s9  }
0x27: {  	s1 =	sld [smem:$0x3FA6]  }
0x28: {  	s2 =	sld [smem:$0x3FA7]  }
0x29: {  	s4 =	sld [smem:$0x3FA9]  }
0x2a: {  	p0 =	seq.s32 s5, $0x0;
	s5 =	sld [smem:$0x3FAA]  }
0x2b: {  	s6 =	sld [smem:$0x3FAB]  }
0x2c: {  	s7 =	sld [smem:$0x3FAC]  }
0x2d: {  	s3 =	simm.s32 $0x108;
	s8 =	sld [smem:$0x3FAD]  }
0x2e: {  	s3 =	simm.s32 @!p0 $0x1082;
	s9 =	sld [smem:$0x3FAE]  }
0x2f: {  	lr =	sadd.s32 s0, s3;
	s0 =	sld [smem:$0x3FA5]  }
0x30: {  	s3 =	sld [smem:$0x3FA8]  }
0x31: {  	[smem:$0x3FB1] =	sst s10  }
0x32: {  	s10 =	sld [smem:$0x3FAF];
	_ =	sdelay $0x3  }
0x33: {  	p0 =	seq.s32 s10, $0x1;
	s10 =	sld [smem:$0x3FB1];
	_ =	sdelay $0x3  }
0x34: {  	[smem:$0x3FB1] =	sst s10  }
0x35: {  	s10 =	sld [smem:$0x3FB0];
	_ =	sdelay $0x3  }
0x36: {  	p1 =	seq.s32 s10, $0x1;
	s10 =	sld [smem:$0x3FB1];
	_ =	sdelay $0x3  }
0x37: {  	[smem:$0x3FB1] =	sst s10  }
0x38: {  	s10 =	sld [smem:$0x3FB2]  }
0x39: {  	_ = 	snop;
	(pc) =	sbr.ind lr, $3  }
0x3a: {  	_ = 	snop  }
0x3b: {  	_ = 	snop  }
0x3c: {  	p2 =	seq.s32 s10, $0x1;
	s10 =	sld [smem:$0x3FB1]  }
0x3d: {  	_ =	shalt  }
0x3e: {  	_ =	shalt  }
0x3f: {  	_ =	shalt  }
0x40: {  	_ =	shalt  }
0x41: {  	_ =	shalt  }
0x42: {  	_ =	shalt  }
0x43: {  	_ =	shalt  }
0x44: {  	_ =	shalt  }
0x45: {  	_ =	shalt  }
0x46: {  	_ =	shalt  }
0x47: {  	_ =	shalt  }
0x48: {  	_ =	shalt  }
0x49: {  	_ =	shalt  }
0x4a: {  	_ =	shalt  }
0x4b: {  	_ =	shalt  }
0x4c: {  	_ =	shalt  }
0x4d: {  	_ =	shalt  }
0x4e: {  	_ =	shalt  }
0x4f: {  	_ =	shalt  }
0x50: {  	_ =	shalt  }
0x51: {  	_ =	shalt  }
0x52: {  	_ =	shalt  }
0x53: {  	_ =	shalt  }
0x54: {  	_ =	shalt  }
0x55: {  	_ =	shalt  }
0x56: {  	_ =	shalt  }
0x57: {  	_ =	shalt  }
0x58: {  	_ =	shalt  }
0x59: {  	_ =	shalt  }
0x5a: {  	_ =	shalt  }
0x5b: {  	_ =	shalt  }
0x5c: {  	_ =	shalt  }
0x5d: {  	_ =	shalt  }
0x5e: {  	_ =	shalt  }
0x5f: {  	_ =	shalt  }
0x60: {  	_ =	shalt  }
0x61: {  	_ =	shalt  }
0x62: {  	_ =	shalt  }
0x63: {  	_ =	shalt  }
0x64: {  	_ =	shalt  }
0x65: {  	_ =	shalt  }
0x66: {  	_ =	shalt  }
0x67: {  	_ =	shalt  }
0x68: {  	_ =	shalt  }
0x69: {  	_ =	shalt  }
0x6a: {  	_ =	shalt  }
0x6b: {  	_ =	shalt  }
0x6c: {  	_ =	shalt  }
0x6d: {  	_ =	shalt  }
0x6e: {  	_ =	shalt  }
0x6f: {  	_ =	shalt  }
0x70: {  	_ =	shalt  }
0x71: {  	_ =	shalt  }
0x72: {  	_ =	shalt  }
0x73: {  	_ =	shalt  }
0x74: {  	_ =	shalt  }
0x75: {  	_ =	shalt  }
0x76: {  	_ =	shalt  }
0x77: {  	_ =	shalt  }
0x78: {  	_ =	shalt  }
0x79: {  	_ =	shalt  }
0x7a: {  	_ =	shalt  }
0x7b: {  	_ =	shalt  }
0x7c: {  	_ =	shalt  }
0x7d: {  	_ =	shalt  }
0x7e: {  	_ =	shalt  }
0x7f: {  	_ =	shalt  }
0x80: {  	_ =	shalt  }
0x81: {  	_ =	shalt  }
0x82: {  	_ =	shalt  }
0x83: {  	_ =	shalt  }
0x84: {  	_ =	shalt  }
0x85: {  	_ =	shalt  }
0x86: {  	_ =	shalt  }
0x87: {  	_ =	shalt  }
.Lfunc_end0:
.L_simem_size_0:
called_computation.3_lowered:
.L_overlay_start_0:
0x88: {  	s2 =	sld [smem:$0x3FD9]  }
0x89: {  	s3 =	sld [smem:$0x3FFE];
	_ =	sdelay $0x1  }
0x8a: {  	s1 =	srdreg.scid  }
0x8b: {  	s0 =	sand.u32 $0x1, s1  }
0x8c: {  	s16 =	sshll.u32 s0, $0xA;
	s2 =	sadd.s32 s3, s2  }
0x8d: {  	s2 =	sadd.s32 s2, s16  }
0x8e: {  	[smem:$0x3FBD] =	sst s2  }
0x8f: {  	_ = 	snop  }
0x90: {  	(tm) =	ssettm $0x1  }
0x91: {  	s17 =	sld [smem:$0x3FFB];
	_ =	sdelay $0x3  }
0x92: {  	_ =	strace s17  }
0x93: {  	s2 =	sld [smem:$0x3FFC];
	_ =	sdelay $0x3  }
0x94: {  	_ =	strace s2  }
0x95: {  	s2 =	sld [smem:$0x3FFD];
	_ =	sdelay $0x3  }
0x96: {  	_ =	strace s2  }
0x97: {  	_ =	strace $0x8FFFFFFF  }
0x98: {  	s18 =	sld [smem:$0x3FDB];
	_ =	sdelay $0x1  }
0x99: {  	s19 =	simm.s32 $_scs_section_size  }
0x9a: {  	s4 =	simm.s32 $_size__tile_overlayer_lowered;
	s5 =	simm.s32 $_tile_overlayer_lowered  }
0x9b: {  	s22 =	simm.s32 $0x1BFF;
	s21 =	sshll.u32 s5, $0x1;
	s2 =	sadd.s32 s19, s18  }
0x9c: {  	s6 =	simm.s32 $0x0;
	s20 =	sshll.u32 s4, $0x1;
	s4 =	sadd.s32 s21, s2  }
0x9d: {  	[timem:s6], [sflag:s22] =	dma.local [hbm:s4], s20  }
0x9e: {  	_ =	swait.ge [sflag:s22], s20  }
0x9f: {  	s3 =	ssub.s32 $0x0, s20;
	[sflag:s22] =	ssyncset.done $0x0  }
0xa0: {  	[sflag:s22] =	ssyncadd.s32 s3;
	_ =	sdelay $0x1  }
0xa1: {  	s23 =	simm.s32 $0x1B8B  }
0xa2: {  	_ =	swait.ge [sflag:s23], $0x1  }
0xa3: {  	[sflag:s23] =	ssyncset.done $0x0  }
0xa4: {  	s25 =	simm.s32 $0x1B8E;
	s24 =	sld [smem:$0x3FFE];
	[sflag:s23] =	ssyncadd.s32 $0xFFFFFFFF  }
0xa5: {  	s26 =	simm.s32 $execute0_lowered;
	[smem:$0x3FD2] =	sst s25  }
0xa6: {  	s4 =	sshll.u32 s26, $0x1;
	_ =	strace $0x8000004F;
	[dreg:$0x1] =	wrdreg $0xFFFFFFFF  }
0xa7: {  	s28 =	simm.s32 $_size_execute0_lowered;
	s2 =	sadd.s32 s2, s4;
	[dreg:$0x0] =	wrdreg $0x0  }
0xa8: {  	s4 =	sshll.u32 s28, $0x1;
	[dreg:$0x2] =	wrdreg s2  }
0xa9: {  	[dreg:$0x3] =	wrdreg s4  }
0xaa: {  	[dreg:$0x4] =	wrdreg $0xC0  }
0xab: {  	_ =	task [dreg:s6], $0x5FFFF  }
0xac: {  	[dreg:$0x1] =	wrdreg $0xFFFFFFFF  }
0xad: {  	[dreg:$0x0] =	wrdreg $0x60  }
0xae: {  	[dreg:$0x2] =	wrdreg s24  }
0xaf: {  	[dreg:$0x3] =	wrdreg $0xC0000  }
0xb0: {  	[dreg:$0x4] =	wrdreg $0x9  }
0xb1: {  	_ =	task.clear_ibuf [dreg:s6], $0x5FFFF;
	_ =	strace $0x9000004F  }
0xb2: {  	s29 =	simm.s32 $0x9;
	_ =	strace $0x80000051  }
0xb3: {  	_ =	swait.ge [sflag:s29], $0x1  }
0xb4: {  	[sflag:s29] =	ssyncadd.s32 $0xFFFFFFFF  }
0xb5: {  	_ =	strace $0x90000051  }
0xb6: {  	_ =	sfence  }
0xb7: {  	s30 =	sld [smem:$0x0];
	_ =	sdelay $0x2  }
0xb8: {  	s31 =	sshll.u32 s1, $0xD;
	s1 =	sshrl.u32 s1, $0x2  }
0xb9: {  	s3 =	sand.u32 $0x4000, s31;
	s1 =	sadd.s32 s1, s30  }
0xba: {  	s0 =	sor.u32 s3, s0;
	s1 =	sshll.u32 s1, $0x11  }
0xbb: {  	s0 =	sor.u32 s1, s0  }
0xbc: {  	s0 =	sadd.s32 $0x8F2B, s0  }
0xbd: {  	[sflag:s0] =	ssyncadd.remote.s32 $0x1  }
0xbe: {  	_ =	sfence.sel $0xFFFF  }
0xbf: {  	[dreg:$0x0] =	wrdreg $0xFFFFFFFF;
	(pc) =	sbr.abs _section_cstart, $3  }
0xc0: {  	[dreg:$0x1] =	wrdreg $0xFFFFFFFF  }
0xc1: {  	_ =	task.clear_ibuf [dreg:s6], $0x2FFFF;
	_ =	strace $0x9FFFFFFF  }
0xc2: {  	(tm) =	ssettm $0x7FFFFFFF  }
0xc3: {  	_ =	shalt  }
tec
execute0_lowered:
.L_overlay_start_1:
0x0: {  	(tag) =	ssettag $0x1  }
0x1: {  	s0 =	rddreg [dreg:$0x0]  }
0x2: {  	s2 =	rddreg [dreg:$0x1]  }
0x3: {  	s1 =	srdreg.scid;
	s26 =	stileid.u32  }
0x4: {  	s3 =	simm.s32 $0x0;
	s17 =	simm.s32 $0x5800;
	s18 =	simm.s32 $0x3  }
0x5: {  	s19 =	simm.s32 $0x5780;
	s20 =	simm.s32 $0x10;
	s22 =	simm.s32 $0x1  }
0x6: {  	s23 =	simm.s32 $0x2;
	s25 =	simm.s32 $0x5700;
	s28 =	smul.u32 $0x13C00, s26  }
0x7: {  	s5 =	sand.u32 $0x1, s1;
	[smem:$0x7FF] =	sst s3;
	s9 =	smul.u32 $0x4E200, s26  }
0x8: {  	s4 =	sshll.u32 s5, $0x4;
	s6 =	smul.u32 $0x13C000, s5;
	_ =	strace $0x80000050  }
0x9: {  	s29 =	ssub.s32 $0x2, s5;
	s7 =	sor.u32 s26, s4;
	s4 =	sadd.s32 $0x16E00, s0  }
0xa: {  	s30 =	sshrl.u32 s9, $0x2;
	s31 =	sshrl.u32 s29, $0x1;
	s26 =	simm.s32 $0x8C00  }
0xb: {  	s8 =	smul.u32 $0x600, s7;
	s6 =	sadd.s32 s28, s6;
	s5 =	sadd.s32 s30, s2  }
0xc: {  	s10 =	smul.u32 $0x2710, s7;
	s16 =	ssub.s32 s29, s31;
	s6 =	sshrl.u32 s6, $0x3  }
0xd: {  	s7 =	sadd.s32 $0x6800, s5;
	s9 =	sadd.s32 $0xD000, s5;
	s11 =	sadd.s32 $0x13800, s5  }
0xe: {  	s16 =	smax.u32 s16, $0x1;
	s13 =	sadd.s32 s8, s0;
	s15 =	sadd.s32 s6, s0  }
0xf: {  	s6 =	sadd.s32 $0x3400, s5;
	s8 =	sadd.s32 $0x9C00, s5;
	s12 =	sshrl.u32 s10, $0x3  }
0x10: {  	s10 =	sadd.s32 $0x10400, s5;
	s0 =	sadd.s32 s0, s12;
	s13 =	sadd.s32 $0x75E00, s13  }
0x11: {  	v0 =	vimm.f32 $0.0e+00;
	s15 =	sadd.s32 $0x81E00, s15;
	s12 =	sadd.s32 $0x3200, s0;
	s14 =	sadd.s32 $0xD4E0, s0  }
.LBB2_1:
0x12: {  	s28 =	simm.s32 $0x0;
	s29 =	simm.s32 $0x200  }
.LBB2_2:
0x13: {  	p0 =	sne.s32 s29, $0xCE00;
	[tilespmem:s28+$0x5870] =	vst v0  }
0x14: {  	[tilespmem:s28+$0x5800] =	vst v0  }
0x15: {  	[tilespmem:s28+$0x5810] =	vst v0  }
.Ltmp0:
0x16: {  	[tilespmem:s28+$0x5820] =	vst v0;
	(pc) =	sbr.rel @p0 .LBB2_2-.Ltmp0, $4  }
0x17: {  	[tilespmem:s28+$0x5830] =	vst v0  }
0x18: {  	[tilespmem:s28+$0x5840] =	vst v0  }
0x19: {  	[tilespmem:s28+$0x5850] =	vst v0  }
0x1a: {  	[tilespmem:s28+$0x5860] =	vst v0;
	s28 =	sshra.s32 s29, $0x2;
	s29 =	sadd.s32 $0x200, s29  }
0x1b: {  	[tilespmem:s28+$0x5870] =	vst v0  }
0x1c: {  	[tilespmem:s28+$0x5800] =	vst v0  }
0x1d: {  	[tilespmem:s28+$0x5810] =	vst v0  }
0x1e: {  	[tilespmem:s28+$0x5820] =	vst v0  }
0x1f: {  	[tilespmem:s28+$0x5830] =	vst v0  }
0x20: {  	[tilespmem:s28+$0x5840] =	vst v0  }
0x21: {  	[tilespmem:s28+$0x5850] =	vst v0  }
0x22: {  	[tilespmem:s28+$0x5860] =	vst v0  }
0x23: {  	[spmem:s5] =	stream.linear.scatter [tilespmem:s17], [sflag:$0x3], $0x3400, $0x38;
	[tilespmem:$0x1F880] =	vst v63  }
0x24: {  	_ =	swait.ge [sflag:s18], $0x3400  }
0x25: {  	[sflag:s18] =	ssyncset.done $0x0  }
0x26: {  	[sflag:s18] =	ssyncadd.s32 $0xFFFFCC00  }
0x27: {  	[spmem:s6] =	stream.linear.scatter [tilespmem:s17], [sflag:$0x3], $0x3400, $0x38;
	[tilespmem:$0x1F880] =	vst v63  }
0x28: {  	_ =	swait.ge [sflag:s18], $0x3400  }
0x29: {  	[sflag:s18] =	ssyncset.done $0x0  }
0x2a: {  	[sflag:s18] =	ssyncadd.s32 $0xFFFFCC00  }
0x2b: {  	[spmem:s7] =	stream.linear.scatter [tilespmem:s17], [sflag:$0x3], $0x3400, $0x38;
	[tilespmem:$0x1F880] =	vst v63  }
0x2c: {  	_ =	swait.ge [sflag:s18], $0x3400  }
0x2d: {  	[sflag:s18] =	ssyncset.done $0x0  }
0x2e: {  	[sflag:s18] =	ssyncadd.s32 $0xFFFFCC00  }
0x2f: {  	[spmem:s8] =	stream.linear.scatter [tilespmem:s17], [sflag:$0x3], $0x3400, $0x38;
	[tilespmem:$0x1F880] =	vst v63  }
0x30: {  	_ =	swait.ge [sflag:s18], $0x3400  }
0x31: {  	[sflag:s18] =	ssyncset.done $0x0  }
0x32: {  	[sflag:s18] =	ssyncadd.s32 $0xFFFFCC00  }
0x33: {  	[spmem:s9] =	stream.linear.scatter [tilespmem:s17], [sflag:$0x3], $0x3400, $0x38;
	[tilespmem:$0x1F880] =	vst v63  }
0x34: {  	_ =	swait.ge [sflag:s18], $0x3400  }
0x35: {  	[sflag:s18] =	ssyncset.done $0x0  }
0x36: {  	[sflag:s18] =	ssyncadd.s32 $0xFFFFCC00  }
0x37: {  	[spmem:s10] =	stream.linear.scatter [tilespmem:s17], [sflag:$0x3], $0x3400, $0x38;
	[tilespmem:$0x1F880] =	vst v63  }
0x38: {  	_ =	swait.ge [sflag:s18], $0x3400  }
0x39: {  	[sflag:s18] =	ssyncset.done $0x0  }
0x3a: {  	[sflag:s18] =	ssyncadd.s32 $0xFFFFCC00  }
0x3b: {  	[spmem:s11] =	stream.linear.scatter [tilespmem:s17], [sflag:$0x3], $0x80, $0x38;
	[tilespmem:$0x1F880] =	vst v63  }
0x3c: {  	_ =	swait.ge [sflag:s18], $0x80  }
0x3d: {  	[sflag:s18] =	ssyncset.done $0x0  }
0x3e: {  	[sflag:s18] =	ssyncadd.s32 $0xFFFFFF80  }
0x3f: {  	s0 =	simm.s32 $0x0;
	[bflag:$0x0] =	sbarrier.arrive $0xFFFF  }
0x40: {  	[tilespmem:s0], [sflag:$0x3] =	stream.linear.gather [hbm4b:s12+s0], $0x2710, $0x38;
	[tilespmem:$0x1F880] =	vst v63  }
0x41: {  	_ =	swait.ge [sflag:s18], $0x2710  }
0x42: {  	[sflag:s18] =	ssyncset.done $0x0  }
0x43: {  	s28 =	simm.s32 $0x2780;
	[sflag:s18] =	ssyncadd.s32 $0xFFFFD8F0  }
0x44: {  	[tilespmem:s28], [sflag:$0x3] =	stream.linear.gather [hbm4b:s13+s0], $0x3000, $0x38;
	[tilespmem:$0x1F880] =	vst v63  }
0x45: {  	_ =	swait.ge [sflag:s18], $0x3000  }
0x46: {  	[sflag:s18] =	ssyncset.done $0x0  }
0x47: {  	[sflag:s18] =	ssyncadd.s32 $0xFFFFD000  }
0x48: {  	[tilespmem:s19], [sflag:$0x3] =	stream.linear.gather [hbm4b:s14+s0], $0x10, $0x38;
	[tilespmem:$0x1F880] =	vst v63  }
0x49: {  	_ =	swait.ge [sflag:s18], $0x10  }
0x4a: {  	[sflag:s18] =	ssyncset.done $0x0  }
0x4b: {  	s1 =	simm.s32 $0x2700;
	[sflag:s18] =	ssyncadd.s32 $0xFFFFFFF0  }
0x4c: {  	[tilespmem:s17], [sflag:$0x1] =	stream.indirect.gather [hbm4b:s4+s20], $0x80, s1, s20, $0xb8;
	[tilespmem:$0x1F880] =	vst v63  }
0x4d: {  	_ =	swait.ge [sflag:s22], $0x800  }
0x4e: {  	[sflag:s22] =	ssyncset.done $0x0  }
0x4f: {  	[sflag:s22] =	ssyncadd.s32 $0xFFFFF800  }
0x50: {  	[spmem:s2] =	stream.indirect.scatter.add.f32 [tilespmem:s17], [sflag:$0x3], $0x80, s19, s20, $0xb8;
	[tilespmem:$0x1F880] =	vst v63  }
0x51: {  	_ =	swait.ge [sflag:s18], $0x800  }
0x52: {  	[sflag:s18] =	ssyncset.done $0x0  }
0x53: {  	s29 =	simm.s32 $0x68;
	[sflag:s18] =	ssyncadd.s32 $0xFFFFF800  }
0x54: {  	[tilespmem:s17], [sflag:$0x1] =	stream.indirect.gather [hbm4b:s4+s29], $0x80, s0, s29, $0xb8;
	[tilespmem:$0x1F880] =	vst v63  }
0x55: {  	s0 =	sand.u32 $0x1, s0  }
0x56: {  	p0 =	seq.s32 s0, $0x1  }
0x57: {  	s0 =	simm.s32 @p0 $0x2  }
0x58: {  	_ =	swait.ge @p0 [sflag:s0], $0x3400  }
0x59: {  	[sflag:s0] =	ssyncset.done @p0 $0x0  }
0x5a: {  	s30 =	simm.s32 @p0 $0x5800;
	[sflag:s0] =	ssyncadd.s32 @p0 $0xFFFFCC00;
	s0 =	simm.s32 @p0 $0x68  }
0x5b: {  	[tilespmem:s30], [sflag:$0x1] =	stream.indirect.gather @p0 [hbm4b:s4+s0], $0x80, s29, s0, $0xb8;
	[tilespmem:$0x1F880] =	vst v63  }
0x5c: {  	s31 =	simm.s32 @!p0 $0x1;
	s30 =	simm.s32 @p0 $0x8C00  }
0x5d: {  	[spmem:s2] =	stream.indirect.scatter.add.f32 @p0 [tilespmem:s30], [sflag:$0x3], $0x80, s28, s0, $0xb8;
	[tilespmem:$0x1F880] =	vst v63  }
0x5e: {  	_ =	swait.ge @!p0 [sflag:s31], $0x3400  }
0x5f: {  	s30 =	simm.s32 @!p0 $0x4;
	[sflag:s31] =	ssyncset.done @!p0 $0x0  }
0x60: {  	s0 =	simm.s32 @!p0 $0x68;
	[sflag:s31] =	ssyncadd.s32 @!p0 $0xFFFFCC00;
	s31 =	simm.s32 @!p0 $0x8C00  }
0x61: {  	[tilespmem:s31], [sflag:$0x2] =	stream.indirect.gather @!p0 [hbm4b:s4+s0], $0x80, s29, s0, $0xb8;
	[tilespmem:$0x1F880] =	vst v63  }
0x62: {  	s30 =	simm.s32 @p0 $0x3;
	s29 =	simm.s32 $0x1;
	s31 =	simm.s32 @!p0 $0x5800  }
0x63: {  	[spmem:s2] =	stream.indirect.scatter.add.f32 @!p0 [tilespmem:s31], [sflag:$0x4], $0x80, s28, s0, $0xb8;
	[tilespmem:$0x1F880] =	vst v63  }
0x64: {  	s31 =	simm.s32 $0x2;
	s28 =	simm.s32 $0xD0;
	_ =	swait.ge [sflag:s30], $0x3400  }
0x65: {  	s0 =	sand.u32 $0x1, s29;
	s29 =	simm.s32 $0x2800;
	[sflag:s30] =	ssyncset.done $0x0  }
.LBB2_4:
0x66: {  	p1 =	seq.s32 s0, $0x1  }
0x67: {  	[sflag:s30] =	ssyncadd.s32 $0xFFFFCC00;
	s0 =	smov.u32 s31;
	s31 =	sadd.s32 $0x1, s31  }
0x68: {  	p0 =	sne.s32 s31, $0x5F;
	s1 =	simm.s32 @p1 $0x2;
	s30 =	simm.s32 @!p1 $0x4  }
0x69: {  	_ =	swait.ge @p1 [sflag:s1], $0x3400  }
0x6a: {  	[sflag:s1] =	ssyncset.done @p1 $0x0  }
0x6b: {  	s21 =	simm.s32 @p1 $0x5800;
	[sflag:s1] =	ssyncadd.s32 @p1 $0xFFFFCC00;
	s1 =	simm.s32 @p1 $0x68  }
0x6c: {  	[tilespmem:s21], [sflag:$0x1] =	stream.indirect.gather @p1 [hbm4b:s4+s1], $0x80, s28, s1, $0xb8;
	[tilespmem:$0x1F880] =	vst v63  }
0x6d: {  	s24 =	simm.s32 @!p1 $0x1;
	s21 =	simm.s32 @p1 $0x8C00  }
0x6e: {  	[spmem:s2] =	stream.indirect.scatter.add.f32 @p1 [tilespmem:s21], [sflag:$0x3], $0x80, s29, s1, $0xb8;
	[tilespmem:$0x1F880] =	vst v63  }
0x6f: {  	_ =	swait.ge @!p1 [sflag:s24], $0x3400  }
0x70: {  	[sflag:s24] =	ssyncset.done @!p1 $0x0  }
0x71: {  	s1 =	simm.s32 @!p1 $0x68;
	s21 =	simm.s32 @!p1 $0x8C00;
	[sflag:s24] =	ssyncadd.s32 @!p1 $0xFFFFCC00  }
0x72: {  	[tilespmem:s21], [sflag:$0x2] =	stream.indirect.gather @!p1 [hbm4b:s4+s1], $0x80, s28, s1, $0xb8;
	[tilespmem:$0x1F880] =	vst v63  }
.Ltmp1:
0x73: {  	_ = 	snop;
	(pc) =	sbr.rel @p0 .LBB2_4-.Ltmp1, $4  }
0x74: {  	s30 =	simm.s32 @p1 $0x3;
	s21 =	simm.s32 @!p1 $0x5800  }
0x75: {  	[spmem:s2] =	stream.indirect.scatter.add.f32 @!p1 [tilespmem:s21], [sflag:$0x4], $0x80, s29, s1, $0xb8;
	[tilespmem:$0x1F880] =	vst v63  }
0x76: {  	s28 =	sadd.s32 $0x68, s28;
	_ =	swait.ge [sflag:s30], $0x3400  }
0x77: {  	s0 =	sand.u32 $0x1, s0;
	s29 =	sadd.s32 $0x80, s29;
	[sflag:s30] =	ssyncset.done $0x0  }
0x78: {  	p0 =	seq.s32 s0, $0x1  }
0x79: {  	[sflag:s30] =	ssyncadd.s32 $0xFFFFCC00;
	s0 =	simm.s32 @p0 $0x2  }
0x7a: {  	_ =	swait.ge @p0 [sflag:s0], $0x3400  }
0x7b: {  	[sflag:s0] =	ssyncset.done @p0 $0x0  }
0x7c: {  	s1 =	simm.s32 @p0 $0x5800;
	[sflag:s0] =	ssyncadd.s32 @p0 $0xFFFFCC00;
	s0 =	simm.s32 @p0 $0x68  }
0x7d: {  	[tilespmem:s1], [sflag:$0x1] =	stream.indirect.gather @p0 [hbm4b:s4+s0], $0x80, s28, s0, $0xb8;
	[tilespmem:$0x1F880] =	vst v63  }
0x7e: {  	s21 =	simm.s32 @!p0 $0x1;
	s1 =	simm.s32 @p0 $0x8C00  }
0x7f: {  	[spmem:s2] =	stream.indirect.scatter.add.f32 @p0 [tilespmem:s1], [sflag:$0x3], $0x80, s29, s0, $0xb8;
	[tilespmem:$0x1F880] =	vst v63  }
0x80: {  	_ =	swait.ge @!p0 [sflag:s21], $0x3400  }
0x81: {  	s0 =	simm.s32 @!p0 $0x4;
	[sflag:s21] =	ssyncset.done @!p0 $0x0  }
0x82: {  	s1 =	simm.s32 @!p0 $0x68;
	[sflag:s21] =	ssyncadd.s32 @!p0 $0xFFFFCC00;
	s21 =	simm.s32 @!p0 $0x8C00  }
0x83: {  	[tilespmem:s21], [sflag:$0x2] =	stream.indirect.gather @!p0 [hbm4b:s4+s1], $0x80, s28, s1, $0xb8;
	[tilespmem:$0x1F880] =	vst v63  }
0x84: {  	s0 =	simm.s32 @p0 $0x3;
	s21 =	simm.s32 @!p0 $0x5800  }
0x85: {  	[spmem:s2] =	stream.indirect.scatter.add.f32 @!p0 [tilespmem:s21], [sflag:$0x4], $0x80, s29, s1, $0xb8;
	[tilespmem:$0x1F880] =	vst v63  }
0x86: {  	_ =	swait.ge [sflag:s0], $0x3400  }
0x87: {  	[sflag:s0] =	ssyncset.done $0x0  }
0x88: {  	[sflag:s0] =	ssyncadd.s32 $0xFFFFCC00  }
0x89: {  	_ =	swait.ge [sflag:s23], $0x3400  }
0x8a: {  	[sflag:s23] =	ssyncset.done $0x0  }
0x8b: {  	s29 =	simm.s32 $0x68;
	[sflag:s23] =	ssyncadd.s32 $0xFFFFCC00  }
0x8c: {  	[spmem:s2] =	stream.indirect.scatter.add.f32 [tilespmem:s26], [sflag:$0x3], $0x80, s25, s29, $0xb8;
	[tilespmem:$0x1F880] =	vst v63  }
0x8d: {  	s30 =	stileid.u32;
	_ =	swait.ge [sflag:s18], $0x3400  }
0x8e: {  	s31 =	sshrl.u32 s5, $0x3;
	s3 =	sadd.s32 $0x1, s3;
	[sflag:s18] =	ssyncset.done $0x0  }
0x8f: {  	p0 =	sne.s32 s3, s16;
	s0 =	sshll.u32 s30, $0x6;
	[sflag:s18] =	ssyncadd.s32 $0xFFFFCC00  }
.Ltmp2:
0x90: {  	s0 =	sor.u32 $0x1C03, s0;
	[bflag:$0x0] =	sbarrier.arrive $0xFFFF;
	(pc) =	sbr.rel @p0 .LBB2_1-.Ltmp2, $4  }
0x91: {  	[hbm:s15], [sflag:s0] =	dma.local [spmem:s31], $0x2710  }
0x92: {  	_ =	swait.ge [sflag:s18], $0x2710  }
0x93: {  	[sflag:s18] =	ssyncset.done $0x0  }
0x94: {  	[sflag:s18] =	ssyncadd.s32 $0xFFFFD8F0  }
0x95: {  	_ =	sfence.sel $0x180000  }
0x96: {  	[bflag:$0x0] =	sbarrier.arrive $0xFFFF  }
0x97: {  	_ =	strace $0x90000050  }
0x98: {  	s0 =	stileid.u32;
	[bflag:$0x2] =	sbarrier.arrive $0xFFFF  }
0x99: {  	p0 =	sne.s32 s0, $0x0;
	s0 =	rddreg [dreg:$0x2]  }
0x9a: {  	s0 =	sadd.s32 @!p0 $0x100000, s0  }
0x9b: {  	[sflag:s0] =	ssyncadd.tile.s32 @!p0 $0x1;
	_ =	shalt  }
.Lfunc_end2:
_tile_overlayer_lowered:
.L_overlay_start_2:
0x9c: {  	(tag) =	ssettag $0x2  }
0x9d: {  	s0 =	rddreg [dreg:$0x0];
	s2 =	stileid.u32  }
0x9e: {  	s1 =	rddreg [dreg:$0x1];
	p0 =	sne.s32 s2, $0x0  }
0x9f: {  	s3 =	rddreg [dreg:$0x2];
	[bflag:$0x3] =	sbarrier.arrive $0xFFFF;
	s2 =	simm.s32 @!p0 $0x1C03  }
0xa0: {  	[timem:s3], [sflag:s2] =	dma.local @!p0 [hbm:s0], s1  }
0xa1: {  	s0 =	simm.s32 @!p0 $0x3  }
0xa2: {  	_ =	swait.ge @!p0 [sflag:s0], s1  }
0xa3: {  	s1 =	ssub.s32 @!p0 $0x0, s1;
	[sflag:s0] =	ssyncset.done @!p0 $0x0  }
0xa4: {  	[sflag:s0] =	ssyncadd.s32 @!p0 s1  }
0xa5: {  	[bflag:$0x3] =	sbarrier.arrive $0xFFFF  }
0xa6: {  	_ =	shalt  }

</sc_bundles>
